<compile_context>
chip_gen: v7x
topology: tpu7x:2x2x1
jax: 0.10.2.dev20260603
libtpu: 0.0.44.dev20260713+nightly
codegen_flags: <defaults>
</compile_context>

<pallas_src>
import jax
import jax.numpy as jnp
import numpy as np
from jax import lax
from jax.experimental import pallas as pl
from jax.experimental.pallas import tpu as pltpu, tpu_sc as plsc

HTS = 50000
D = 128
BATCH = 4
T = 8192
NW = 32
TOK_PER_W = (BATCH * T) // NW
CHUNK = 128
NCHUNK = TOK_PER_W // CHUNK
NSET = 7
XROW = T + 8

P2 = 66049
P3 = 16974593
P4 = 67503105
WRAP_FIX = 17296


def _umod_hts(h):
    r = lax.rem(h, jnp.int32(HTS))
    r = r + jnp.where(r < 0, jnp.int32(HTS), jnp.int32(0))
    r = r + jnp.where(h < 0, jnp.int32(WRAP_FIX), jnp.int32(0))
    r = r - jnp.where(r >= jnp.int32(HTS), jnp.int32(HTS), jnp.int32(0))
    return r


def _body(xf, w3, w4, w5, out,
          xbuf, i3, i4, i5, acc,
          ei3, ei4, e3, e4, obuf,
          gsem, wsem, es):
    i32 = jnp.int32
    c = lax.axis_index("c")
    s = lax.axis_index("s")
    wid = s * i32(2) + c
    row = wid // i32(8)
    seg = wid - row * i32(8)
    xoff = row * i32(XROW) + seg * i32(TOK_PER_W)
    outrow = wid * i32(TOK_PER_W)
    third = jnp.float32(1.0 / 3.0)

    pltpu.sync_copy(xf.at[pl.ds(xoff, TOK_PER_W + 8)], xbuf)

    def slot_refs(sid):
        soff = sid * i32(CHUNK)
        return (acc.at[pl.ds(soff, CHUNK)],
                i3.at[pl.ds(soff, CHUNK)],
                i4.at[pl.ds(soff, CHUNK)],
                i5.at[pl.ds(soff, CHUNK)])

    def compute_idx(obase, sid):
        soff = sid * i32(CHUNK)

        @pl.loop(i32(0), i32(CHUNK), step=i32(16))
        def _grp(gg):
            o = obase + gg
            v0 = xbuf[pl.ds(o + i32(4), 16)]
            v1 = xbuf[pl.ds(o + i32(3), 16)]
            v2 = xbuf[pl.ds(o + i32(2), 16)]
            v3 = xbuf[pl.ds(o + i32(1), 16)]
            v4 = xbuf[pl.ds(o, 16)]
            h3 = v2 * jnp.int32(P2) + v1 * jnp.int32(257) + v0
            h4 = h3 + v3 * jnp.int32(P3)
            h5 = h4 + v4 * jnp.int32(P4)
            sl = pl.ds(soff + gg, 16)
            i3[sl] = _umod_hts(h3)
            i4[sl] = _umod_hts(h4)
            i5[sl] = _umod_hts(h5)

    def zero_slot(sid):
        soff = sid * i32(CHUNK)
        z = jnp.zeros((16,), jnp.float32)

        @plsc.parallel_loop(soff, soff + i32(CHUNK), i32(1))
        def _z(tt):
            for col in range(D // 16):
                acc[tt, pl.ds(col * 16, 16)] = z

    def fire_gathers(sid):
        a, s3, s4, s5 = slot_refs(sid)
        pltpu.async_copy(w3.at[s3], a, gsem.at[sid], add=True)
        pltpu.async_copy(w4.at[s4], a, gsem.at[sid], add=True)
        pltpu.async_copy(w5.at[s5], a, gsem.at[sid], add=True)

    def drain_gathers(sid):
        a, s3, s4, s5 = slot_refs(sid)
        pltpu.make_async_copy(w3.at[s3], a, gsem.at[sid]).wait()
        pltpu.make_async_copy(w4.at[s4], a, gsem.at[sid]).wait()
        pltpu.make_async_copy(w5.at[s5], a, gsem.at[sid]).wait()

    def scale_slot(sid):
        soff = sid * i32(CHUNK)

        @plsc.parallel_loop(soff, soff + i32(CHUNK), i32(1))
        def _sc(tt):
            for col in range(D // 16):
                csl = pl.ds(col * 16, 16)
                acc[tt, csl] = acc[tt, csl] * third

    def fire_wb(sid, obase):
        a = slot_refs(sid)[0]
        pltpu.async_copy(a, out.at[pl.ds(outrow + obase, CHUNK)],
                         wsem.at[sid])

    def drain_wb(sid, obase):
        a = slot_refs(sid)[0]
        pltpu.make_async_copy(
            a, out.at[pl.ds(outrow + obase, CHUNK)], wsem.at[sid]).wait()

    @pl.loop(i32(0), i32(NCHUNK + 2))
    def _ring(it):
        @pl.when(it >= i32(2))
        def _consume():
            cid = it - i32(2)
            sid = lax.rem(cid, i32(NSET))
            drain_gathers(sid)
            scale_slot(sid)
            fire_wb(sid, cid * i32(CHUNK))

        @pl.when(it < i32(NCHUNK))
        def _produce():
            sid = lax.rem(it, i32(NSET))

            @pl.when(it >= i32(NSET))
            def _reuse():
                drain_wb(sid, (it - i32(NSET)) * i32(CHUNK))

            zero_slot(sid)
            compute_idx(it * i32(CHUNK), sid)
            fire_gathers(sid)

            @pl.when(it == i32(0))
            def _edge_fire():
                ei3[pl.ds(0, 16)] = i3[pl.ds(0, 16)]
                ei4[pl.ds(0, 16)] = i4[pl.ds(0, 16)]
                pltpu.async_copy(w3.at[ei3], e3, es)
                pltpu.async_copy(w4.at[ei4], e4, es)

    @pl.loop(i32(max(NCHUNK - NSET, 0)), i32(NCHUNK))
    def _draintail(kk):
        drain_wb(lax.rem(kk, i32(NSET)), kk * i32(CHUNK))

    pltpu.make_async_copy(w3.at[ei3], e3, es).wait()
    pltpu.make_async_copy(w4.at[ei4], e4, es).wait()

    @pl.when(seg == i32(0))
    def _edge():
        z = jnp.zeros((16,), jnp.float32)
        for col in range(D // 16):
            csl = pl.ds(col * 16, 16)
            obuf[0, csl] = z
            obuf[1, csl] = z
            obuf[2, csl] = e3[2, csl] * third
            obuf[3, csl] = (e3[3, csl] + e4[3, csl]) * third
        pltpu.sync_copy(obuf, out.at[pl.ds(outrow, 4)])


@jax.jit
def _sc_embed(xflat, w3, w4, w5):
    mesh = plsc.VectorSubcoreMesh(core_axis_name="c", subcore_axis_name="s")
    f = pl.kernel(
        _body,
        out_type=jax.ShapeDtypeStruct((BATCH * T, D), jnp.float32),
        mesh=mesh,
        scratch_types=[
            pltpu.VMEM((TOK_PER_W + 8,), jnp.int32),
            pltpu.VMEM((NSET * CHUNK,), jnp.int32),
            pltpu.VMEM((NSET * CHUNK,), jnp.int32),
            pltpu.VMEM((NSET * CHUNK,), jnp.int32),
            pltpu.VMEM((NSET * CHUNK, D), jnp.float32),
            pltpu.VMEM((16,), jnp.int32),
            pltpu.VMEM((16,), jnp.int32),
            pltpu.VMEM((16, D), jnp.float32),
            pltpu.VMEM((16, D), jnp.float32),
            pltpu.VMEM((4, D), jnp.float32),
            pltpu.SemaphoreType.DMA((NSET,)),
            pltpu.SemaphoreType.DMA((NSET,)),
            pltpu.SemaphoreType.DMA,
        ],
    )
    return f(xflat, w3, w4, w5)


def kernel(x, W3, W4, W5):
    x32 = x.astype(jnp.int32)
    xpad = jnp.pad(x32, ((0, 0), (4, 4)))
    xflat = xpad.reshape(-1)
    out = _sc_embed(xflat, W3, W4, W5)
    return out.reshape(BATCH, T, D)

# --- scband reference (transcript-rebuilt; emitter-appended) ---
"""Pipeline reference for scband-hash-ngram-embedding-16355235463725 (READ-ONLY COPY).

The authoritative reference and input builder live on the scoring server;
editing this copy changes nothing except your own understanding.
"""

import jax, jax.numpy as jnp
import numpy as np

jax.config.update("jax_enable_x64", True)

HASH_SIZES = [3, 4, 5]
HASH_TABLE_SIZE = 50000
N_EMBD = 128
B = 4
T = 8192


def setup_inputs(seed: int = 0) -> dict:
    key = jax.random.key(seed)
    kx, k3, k4, k5 = jax.random.split(key, 4)
    x = jax.random.randint(kx, (B, T), 0, 50000, dtype=jnp.int64)
    W3 = jax.random.normal(k3, (HASH_TABLE_SIZE, N_EMBD), dtype=jnp.float32)
    W4 = jax.random.normal(k4, (HASH_TABLE_SIZE, N_EMBD), dtype=jnp.float32)
    W5 = jax.random.normal(k5, (HASH_TABLE_SIZE, N_EMBD), dtype=jnp.float32)
    return {"x": x, "W3": W3, "W4": W4, "W5": W5}


def _roll_poly_hash(ngrams):
    # ngrams: int64[B, T-n+1, n]; polynomial rolling hash mod 2**32
    base = jnp.int64(257)
    mod = jnp.int64(2 ** 32)
    h = jnp.zeros(ngrams.shape[:2], dtype=jnp.int64)
    for i in range(ngrams.shape[2]):
        h = (h * base + ngrams[:, :, i].astype(jnp.int64)) % mod
    return h


def reference(x, W3, W4, W5):
    tables = {3: W3, 4: W4, 5: W5}
    Bx, Tx = x.shape
    embeddings = jnp.zeros((Bx, Tx, N_EMBD), dtype=jnp.float32)
    for n in HASH_SIZES:
        if Tx < n:
            continue
        # torch unfold(1, n, 1): sliding windows of length n along dim 1
        ngrams = jnp.stack([x[:, i:Tx - n + 1 + i] for i in range(n)], axis=-1)
        hashes = _roll_poly_hash(ngrams) % HASH_TABLE_SIZE
        hash_emb = jnp.take(tables[n], hashes, axis=0)
        embeddings = embeddings.at[:, n - 1:Tx, :].add(hash_emb)
    embeddings = embeddings / len(HASH_SIZES)
    return embeddings

if __name__ == "__main__":
    import jax
    _d = setup_inputs()
    print(jax.jit(kernel)(*tuple(_d.values())))

</pallas_src>

<mosaic_0001>
#map = affine_map<(d0, d1) -> (0)>
#map1 = affine_map<(d0, d1) -> (0, 0)>
module attributes {stable_mosaic.version = 14 : i64} {
  func.func @_body(%arg0: i32, %arg1: i32, %arg2: memref<32800xi32, #tpu.memory_space<hbm>>, %arg3: memref<50000x128xf32, #tpu.memory_space<hbm>>, %arg4: memref<50000x128xf32, #tpu.memory_space<hbm>>, %arg5: memref<50000x128xf32, #tpu.memory_space<hbm>>, %arg6: memref<32768x128xf32, #tpu.memory_space<hbm>>, %arg7: memref<1032xi32, #tpu.memory_space<vmem>>, %arg8: memref<896xi32, #tpu.memory_space<vmem>>, %arg9: memref<896xi32, #tpu.memory_space<vmem>>, %arg10: memref<896xi32, #tpu.memory_space<vmem>>, %arg11: memref<896x128xf32, #tpu.memory_space<vmem>>, %arg12: memref<16xi32, #tpu.memory_space<vmem>>, %arg13: memref<16xi32, #tpu.memory_space<vmem>>, %arg14: memref<16x128xf32, #tpu.memory_space<vmem>>, %arg15: memref<16x128xf32, #tpu.memory_space<vmem>>, %arg16: memref<4x128xf32, #tpu.memory_space<vmem>>, %arg17: memref<7x!tpu.dma_semaphore, #tpu.memory_space<semaphore_mem>>, %arg18: memref<7x!tpu.dma_semaphore, #tpu.memory_space<semaphore_mem>>, %arg19: memref<!tpu.dma_semaphore, #tpu.memory_space<semaphore_mem>>) attributes {dimension_semantics = [#tpu.dimension_semantics<core_parallel>, #tpu.dimension_semantics<subcore_parallel>], iteration_bounds = array<i64: 2, 16>, scalar_prefetch = 0 : i64, scratch_operands = 13 : i64, tpu.core_type = #tpu.core_type<sc_vector_subcore>, window_params = [{transform_indices = #map}, {transform_indices = #map1}, {transform_indices = #map1}, {transform_indices = #map1}, {transform_indices = #map1}]} {
    %mul3A = arith.constant 2 : i32
    %mul3A_0 = arith.muli %arg1, %mul3A : i32
    %add3A = arith.addi %mul3A_0, %arg0 : i32
    %jit3A = arith.constant 8 : i32
    %div3A = arith.divsi %add3A, %jit3A : i32
    %sign3A = arith.constant 0 : i32
    %sign3A_1 = arith.cmpi sgt, %add3A, %sign3A : i32
    %sign3A_2 = arith.extui %sign3A_1 : i1 to i32
    %sign3A_3 = arith.constant 0 : i32
    %sign3A_4 = arith.cmpi slt, %add3A, %sign3A_3 : i32
    %sign3A_5 = arith.extui %sign3A_4 : i1 to i32
    %sign3A_6 = arith.subi %sign3A_2, %sign3A_5 : i32
    %sign3A_7 = arith.constant 0 : i32
    %sign3A_8 = arith.cmpi sgt, %jit3A, %sign3A_7 : i32
    %sign3A_9 = arith.extui %sign3A_8 : i1 to i32
    %sign3A_10 = arith.constant 0 : i32
    %sign3A_11 = arith.cmpi slt, %jit3A, %sign3A_10 : i32
    %sign3A_12 = arith.extui %sign3A_11 : i1 to i32
    %sign3A_13 = arith.subi %sign3A_9, %sign3A_12 : i32
    %ne3A = arith.cmpi ne, %sign3A_6, %sign3A_13 : i32
    %rem3A = arith.remsi %add3A, %jit3A : i32
    %ne3A_14 = arith.constant 0 : i32
    %ne3A_15 = arith.cmpi ne, %rem3A, %ne3A_14 : i32
    %and3A = arith.andi %ne3A, %ne3A_15 : i1
    %sub3A = arith.constant 1 : i32
    %sub3A_16 = arith.subi %div3A, %sub3A : i32
    %select_n3A = arith.select %and3A, %sub3A_16, %div3A : i32
    %mul3A_17 = arith.constant 8 : i32
    %mul3A_18 = arith.muli %select_n3A, %mul3A_17 : i32
    %sub3A_19 = arith.subi %add3A, %mul3A_18 : i32
    %mul3A_20 = arith.constant 8200 : i32
    %mul3A_21 = arith.muli %select_n3A, %mul3A_20 : i32
    %mul3A_22 = arith.constant 1024 : i32
    %mul3A_23 = arith.muli %sub3A_19, %mul3A_22 : i32
    %add3A_24 = arith.addi %mul3A_21, %mul3A_23 : i32
    %mul3A_25 = arith.constant 1024 : i32
    %mul3A_26 = arith.muli %add3A, %mul3A_25 : i32
    "tpu.region"() ({
      %run_scoped3A = tpu.sem_alloc : memref<!tpu.dma_semaphore, #tpu.memory_space<semaphore_mem>>
      %dma_start3A = tpu.memref_slice %arg2[%add3A_24] : memref<32800xi32, #tpu.memory_space<hbm>> -> memref<1032xi32, #tpu.memory_space<hbm>>
      %dma_start3A_75 = tpu.memref_slice %arg2[%add3A_24] : memref<32800xi32, #tpu.memory_space<hbm>> -> memref<1032xi32, #tpu.memory_space<hbm>>
      tpu.enqueue_dma source(%dma_start3A_75 : memref<1032xi32, #tpu.memory_space<hbm>>) target(%arg7 : memref<1032xi32, #tpu.memory_space<vmem>>) target_semaphore(%run_scoped3A : memref<!tpu.dma_semaphore, #tpu.memory_space<semaphore_mem>>)
      %dma_wait3A_76 = tpu.memref_slice %arg2[%add3A_24] : memref<32800xi32, #tpu.memory_space<hbm>> -> memref<1032xi32, #tpu.memory_space<hbm>>
      %dma_wait3A_77 = tpu.memref_slice %arg2[%add3A_24] : memref<32800xi32, #tpu.memory_space<hbm>> -> memref<1032xi32, #tpu.memory_space<hbm>>
      tpu.wait_dma2 semaphore(%run_scoped3A : memref<!tpu.dma_semaphore, #tpu.memory_space<semaphore_mem>>) src(%dma_wait3A_77 : memref<1032xi32, #tpu.memory_space<hbm>>) dst(%arg7 : memref<1032xi32, #tpu.memory_space<vmem>>)
      tpu.yield
    }) : () -> ()
    %sub3A_27 = arith.constant 10 : i32
    %sub3A_28 = arith.constant 0 : i32
    %sub3A_29 = arith.subi %sub3A_27, %sub3A_28 : i32
    %sub3A_30 = arith.constant 1 : i32
    %sub3A_31 = arith.constant 1 : i32
    %sub3A_32 = arith.subi %sub3A_30, %sub3A_31 : i32
    %add3A_33 = arith.addi %sub3A_29, %sub3A_32 : i32
    %div3A_34 = arith.constant 1 : i32
    %div3A_35 = arith.divsi %add3A_33, %div3A_34 : i32
    %while3A = arith.constant 1 : i32
    %while3A_36 = arith.constant 0 : i32
    %while3A_37 = arith.constant 0.333333343 : f32
    %while3A_38 = arith.constant 0 : i32
    %while3A_39 = arith.subi %div3A_35, %while3A_38 : i32
    %while3A_40 = arith.addi %while3A_38, %while3A_39 : i32
    %while3A_41 = arith.constant 1 : i32
    %while3A_42 = arith.divsi %while3A_39, %while3A_41 : i32
    %while3A_43 = arith.muli %while3A_42, %while3A_41 : i32
    %while3A_44 = arith.addi %while3A_38, %while3A_43 : i32
    %while3A_45 = arith.constant 1 : i32
    scf.for %while3A_75 = %while3A_38 to %while3A_44 step %while3A_45  : i32 {
      %mul3A_76 = arith.muli %while3A_75, %while3A : i32
      %add3A_77 = arith.addi %while3A_36, %mul3A_76 : i32
      %ge3A = arith.constant 2 : i32
      %ge3A_78 = arith.cmpi sge, %add3A_77, %ge3A : i32
      %convert_element_type3A_79 = arith.extui %ge3A_78 : i1 to i32
      %cond3A_80 = arith.constant 0 : i32
      %cond3A_81 = arith.cmpi ne, %convert_element_type3A_79, %cond3A_80 : i32
      scf.if %cond3A_81 {
        %sub3A_86 = arith.constant 2 : i32
        %sub3A_87 = arith.subi %add3A_77, %sub3A_86 : i32
        %rem3A_88 = arith.constant 7 : i32
        %rem3A_89 = arith.remsi %sub3A_87, %rem3A_88 : i32
        %mul3A_90 = arith.constant 128 : i32
        %mul3A_91 = arith.muli %rem3A_89, %mul3A_90 : i32
        %dma_wait3A_92 = arith.constant 0 : i32
        %dma_wait3A_93 = tpu.memref_slice %arg11[%mul3A_91, %dma_wait3A_92] : memref<896x128xf32, #tpu.memory_space<vmem>> -> memref<128x128xf32, #tpu.memory_space<vmem>>
        %dma_wait3A_94 = tpu.memref_slice %arg8[%mul3A_91] : memref<896xi32, #tpu.memory_space<vmem>> -> memref<128xi32, #tpu.memory_space<vmem>>
        %dma_wait3A_95 = arith.constant 0 : i32
        %dma_wait3A_96 = arith.constant 0 : i32
        %dma_wait3A_97 = tpu.memref_slice %arg3[%dma_wait3A_95, %dma_wait3A_96] : memref<50000x128xf32, #tpu.memory_space<hbm>> -> memref<50000x128xf32, #tpu.memory_space<hbm>>
        %dma_wait3A_98 = tpu.memref_slice %arg17[%rem3A_89] : memref<7x!tpu.dma_semaphore, #tpu.memory_space<semaphore_mem>> -> memref<1x!tpu.dma_semaphore, #tpu.memory_space<semaphore_mem>>
        %dma_wait3A_99 = tpu.memref_squeeze %dma_wait3A_98 : memref<1x!tpu.dma_semaphore, #tpu.memory_space<semaphore_mem>> -> memref<!tpu.dma_semaphore, #tpu.memory_space<semaphore_mem>>
        tpu.wait_indirect_dma semaphore(%dma_wait3A_99 : memref<!tpu.dma_semaphore, #tpu.memory_space<semaphore_mem>>) src(%dma_wait3A_97 : memref<50000x128xf32, #tpu.memory_space<hbm>>) dst(%dma_wait3A_93 : memref<128x128xf32, #tpu.memory_space<vmem>>)
        %dma_wait3A_100 = arith.constant 0 : i32
        %dma_wait3A_101 = tpu.memref_slice %arg11[%mul3A_91, %dma_wait3A_100] : memref<896x128xf32, #tpu.memory_space<vmem>> -> memref<128x128xf32, #tpu.memory_space<vmem>>
        %dma_wait3A_102 = tpu.memref_slice %arg9[%mul3A_91] : memref<896xi32, #tpu.memory_space<vmem>> -> memref<128xi32, #tpu.memory_space<vmem>>
        %dma_wait3A_103 = arith.constant 0 : i32
        %dma_wait3A_104 = arith.constant 0 : i32
        %dma_wait3A_105 = tpu.memref_slice %arg4[%dma_wait3A_103, %dma_wait3A_104] : memref<50000x128xf32, #tpu.memory_space<hbm>> -> memref<50000x128xf32, #tpu.memory_space<hbm>>
        %dma_wait3A_106 = tpu.memref_slice %arg17[%rem3A_89] : memref<7x!tpu.dma_semaphore, #tpu.memory_space<semaphore_mem>> -> memref<1x!tpu.dma_semaphore, #tpu.memory_space<semaphore_mem>>
        %dma_wait3A_107 = tpu.memref_squeeze %dma_wait3A_106 : memref<1x!tpu.dma_semaphore, #tpu.memory_space<semaphore_mem>> -> memref<!tpu.dma_semaphore, #tpu.memory_space<semaphore_mem>>
        tpu.wait_indirect_dma semaphore(%dma_wait3A_107 : memref<!tpu.dma_semaphore, #tpu.memory_space<semaphore_mem>>) src(%dma_wait3A_105 : memref<50000x128xf32, #tpu.memory_space<hbm>>) dst(%dma_wait3A_101 : memref<128x128xf32, #tpu.memory_space<vmem>>)
        %dma_wait3A_108 = arith.constant 0 : i32
        %dma_wait3A_109 = tpu.memref_slice %arg11[%mul3A_91, %dma_wait3A_108] : memref<896x128xf32, #tpu.memory_space<vmem>> -> memref<128x128xf32, #tpu.memory_space<vmem>>
        %dma_wait3A_110 = tpu.memref_slice %arg10[%mul3A_91] : memref<896xi32, #tpu.memory_space<vmem>> -> memref<128xi32, #tpu.memory_space<vmem>>
        %dma_wait3A_111 = arith.constant 0 : i32
        %dma_wait3A_112 = arith.constant 0 : i32
        %dma_wait3A_113 = tpu.memref_slice %arg5[%dma_wait3A_111, %dma_wait3A_112] : memref<50000x128xf32, #tpu.memory_space<hbm>> -> memref<50000x128xf32, #tpu.memory_space<hbm>>
        %dma_wait3A_114 = tpu.memref_slice %arg17[%rem3A_89] : memref<7x!tpu.dma_semaphore, #tpu.memory_space<semaphore_mem>> -> memref<1x!tpu.dma_semaphore, #tpu.memory_space<semaphore_mem>>
        %dma_wait3A_115 = tpu.memref_squeeze %dma_wait3A_114 : memref<1x!tpu.dma_semaphore, #tpu.memory_space<semaphore_mem>> -> memref<!tpu.dma_semaphore, #tpu.memory_space<semaphore_mem>>
        tpu.wait_indirect_dma semaphore(%dma_wait3A_115 : memref<!tpu.dma_semaphore, #tpu.memory_space<semaphore_mem>>) src(%dma_wait3A_113 : memref<50000x128xf32, #tpu.memory_space<hbm>>) dst(%dma_wait3A_109 : memref<128x128xf32, #tpu.memory_space<vmem>>)
        %mul3A_116 = arith.constant 128 : i32
        %mul3A_117 = arith.muli %rem3A_89, %mul3A_116 : i32
        %add3A_118 = arith.constant 128 : i32
        %add3A_119 = arith.addi %mul3A_117, %add3A_118 : i32
        %parallel_loop3A = arith.constant 1 : i32
        scf.for %parallel_loop3A_134 = %mul3A_117 to %add3A_119 step %parallel_loop3A  : i32 {
          %parallel_loop3A_135 = arith.index_cast %parallel_loop3A_134 : i32 to index
          %parallel_loop3A_136 = arith.constant 0 : index
          %parallel_loop3A_137 = tpu.vector_load %arg11[%parallel_loop3A_135, %parallel_loop3A_136] {strides = array<i32>} : memref<896x128xf32, #tpu.memory_space<vmem>>, vector<1x16xf32>,
          %parallel_loop3A_138 = vector.shape_cast %parallel_loop3A_137 : vector<1x16xf32> to vector<16xf32>
          %parallel_loop3A_139 = vector.broadcast %while3A_37 : f32 to vector<16xf32>
          %parallel_loop3A_140 = arith.mulf %parallel_loop3A_138, %parallel_loop3A_139 : vector<16xf32>
          %parallel_loop3A_141 = arith.index_cast %parallel_loop3A_134 : i32 to index
          %parallel_loop3A_142 = arith.constant 0 : index
          %parallel_loop3A_143 = tpu.vector_load %arg11[%parallel_loop3A_141, %parallel_loop3A_142] {strides = array<i32>} : memref<896x128xf32, #tpu.memory_space<vmem>>, vector<1x16xf32>,
          %parallel_loop3A_144 = vector.shape_cast %parallel_loop3A_143 : vector<1x16xf32> to vector<16xf32>
          %parallel_loop3A_145 = vector.shape_cast %parallel_loop3A_140 : vector<16xf32> to vector<1x16xf32>
          tpu.vector_store %arg11[%parallel_loop3A_141, %parallel_loop3A_142], %parallel_loop3A_145 {strides = array<i32>} : memref<896x128xf32, #tpu.memory_space<vmem>>, vector<1x16xf32>,
          %parallel_loop3A_146 = arith.index_cast %parallel_loop3A_134 : i32 to index
          %parallel_loop3A_147 = arith.constant 16 : index
          %parallel_loop3A_148 = tpu.vector_load %arg11[%parallel_loop3A_146, %parallel_loop3A_147] {strides = array<i32>} : memref<896x128xf32, #tpu.memory_space<vmem>>, vector<1x16xf32>,
          %parallel_loop3A_149 = vector.shape_cast %parallel_loop3A_148 : vector<1x16xf32> to vector<16xf32>
          %parallel_loop3A_150 = vector.broadcast %while3A_37 : f32 to vector<16xf32>
          %parallel_loop3A_151 = arith.mulf %parallel_loop3A_149, %parallel_loop3A_150 : vector<16xf32>
          %parallel_loop3A_152 = arith.index_cast %parallel_loop3A_134 : i32 to index
          %parallel_loop3A_153 = arith.constant 16 : index
          %parallel_loop3A_154 = tpu.vector_load %arg11[%parallel_loop3A_152, %parallel_loop3A_153] {strides = array<i32>} : memref<896x128xf32, #tpu.memory_space<vmem>>, vector<1x16xf32>,
          %parallel_loop3A_155 = vector.shape_cast %parallel_loop3A_154 : vector<1x16xf32> to vector<16xf32>
          %parallel_loop3A_156 = vector.shape_cast %parallel_loop3A_151 : vector<16xf32> to vector<1x16xf32>
          tpu.vector_store %arg11[%parallel_loop3A_152, %parallel_loop3A_153], %parallel_loop3A_156 {strides = array<i32>} : memref<896x128xf32, #tpu.memory_space<vmem>>, vector<1x16xf32>,
          %parallel_loop3A_157 = arith.index_cast %parallel_loop3A_134 : i32 to index
          %parallel_loop3A_158 = arith.constant 32 : index
          %parallel_loop3A_159 = tpu.vector_load %arg11[%parallel_loop3A_157, %parallel_loop3A_158] {strides = array<i32>} : memref<896x128xf32, #tpu.memory_space<vmem>>, vector<1x16xf32>,
          %parallel_loop3A_160 = vector.shape_cast %parallel_loop3A_159 : vector<1x16xf32> to vector<16xf32>
          %parallel_loop3A_161 = vector.broadcast %while3A_37 : f32 to vector<16xf32>
          %parallel_loop3A_162 = arith.mulf %parallel_loop3A_160, %parallel_loop3A_161 : vector<16xf32>
          %parallel_loop3A_163 = arith.index_cast %parallel_loop3A_134 : i32 to index
          %parallel_loop3A_164 = arith.constant 32 : index
          %parallel_loop3A_165 = tpu.vector_load %arg11[%parallel_loop3A_163, %parallel_loop3A_164] {strides = array<i32>} : memref<896x128xf32, #tpu.memory_space<vmem>>, vector<1x16xf32>,
          %parallel_loop3A_166 = vector.shape_cast %parallel_loop3A_165 : vector<1x16xf32> to vector<16xf32>
          %parallel_loop3A_167 = vector.shape_cast %parallel_loop3A_162 : vector<16xf32> to vector<1x16xf32>
          tpu.vector_store %arg11[%parallel_loop3A_163, %parallel_loop3A_164], %parallel_loop3A_167 {strides = array<i32>} : memref<896x128xf32, #tpu.memory_space<vmem>>, vector<1x16xf32>,
          %parallel_loop3A_168 = arith.index_cast %parallel_loop3A_134 : i32 to index
          %parallel_loop3A_169 = arith.constant 48 : index
          %parallel_loop3A_170 = tpu.vector_load %arg11[%parallel_loop3A_168, %parallel_loop3A_169] {strides = array<i32>} : memref<896x128xf32, #tpu.memory_space<vmem>>, vector<1x16xf32>,
          %parallel_loop3A_171 = vector.shape_cast %parallel_loop3A_170 : vector<1x16xf32> to vector<16xf32>
          %parallel_loop3A_172 = vector.broadcast %while3A_37 : f32 to vector<16xf32>
          %parallel_loop3A_173 = arith.mulf %parallel_loop3A_171, %parallel_loop3A_172 : vector<16xf32>
          %parallel_loop3A_174 = arith.index_cast %parallel_loop3A_134 : i32 to index
          %parallel_loop3A_175 = arith.constant 48 : index
          %parallel_loop3A_176 = tpu.vector_load %arg11[%parallel_loop3A_174, %parallel_loop3A_175] {strides = array<i32>} : memref<896x128xf32, #tpu.memory_space<vmem>>, vector<1x16xf32>,
          %parallel_loop3A_177 = vector.shape_cast %parallel_loop3A_176 : vector<1x16xf32> to vector<16xf32>
          %parallel_loop3A_178 = vector.shape_cast %parallel_loop3A_173 : vector<16xf32> to vector<1x16xf32>
          tpu.vector_store %arg11[%parallel_loop3A_174, %parallel_loop3A_175], %parallel_loop3A_178 {strides = array<i32>} : memref<896x128xf32, #tpu.memory_space<vmem>>, vector<1x16xf32>,
          %parallel_loop3A_179 = arith.index_cast %parallel_loop3A_134 : i32 to index
          %parallel_loop3A_180 = arith.constant 64 : index
          %parallel_loop3A_181 = tpu.vector_load %arg11[%parallel_loop3A_179, %parallel_loop3A_180] {strides = array<i32>} : memref<896x128xf32, #tpu.memory_space<vmem>>, vector<1x16xf32>,
          %parallel_loop3A_182 = vector.shape_cast %parallel_loop3A_181 : vector<1x16xf32> to vector<16xf32>
          %parallel_loop3A_183 = vector.broadcast %while3A_37 : f32 to vector<16xf32>
          %parallel_loop3A_184 = arith.mulf %parallel_loop3A_182, %parallel_loop3A_183 : vector<16xf32>
          %parallel_loop3A_185 = arith.index_cast %parallel_loop3A_134 : i32 to index
          %parallel_loop3A_186 = arith.constant 64 : index
          %parallel_loop3A_187 = tpu.vector_load %arg11[%parallel_loop3A_185, %parallel_loop3A_186] {strides = array<i32>} : memref<896x128xf32, #tpu.memory_space<vmem>>, vector<1x16xf32>,
          %parallel_loop3A_188 = vector.shape_cast %parallel_loop3A_187 : vector<1x16xf32> to vector<16xf32>
          %parallel_loop3A_189 = vector.shape_cast %parallel_loop3A_184 : vector<16xf32> to vector<1x16xf32>
          tpu.vector_store %arg11[%parallel_loop3A_185, %parallel_loop3A_186], %parallel_loop3A_189 {strides = array<i32>} : memref<896x128xf32, #tpu.memory_space<vmem>>, vector<1x16xf32>,
          %parallel_loop3A_190 = arith.index_cast %parallel_loop3A_134 : i32 to index
          %parallel_loop3A_191 = arith.constant 80 : index
          %parallel_loop3A_192 = tpu.vector_load %arg11[%parallel_loop3A_190, %parallel_loop3A_191] {strides = array<i32>} : memref<896x128xf32, #tpu.memory_space<vmem>>, vector<1x16xf32>,
          %parallel_loop3A_193 = vector.shape_cast %parallel_loop3A_192 : vector<1x16xf32> to vector<16xf32>
          %parallel_loop3A_194 = vector.broadcast %while3A_37 : f32 to vector<16xf32>
          %parallel_loop3A_195 = arith.mulf %parallel_loop3A_193, %parallel_loop3A_194 : vector<16xf32>
          %parallel_loop3A_196 = arith.index_cast %parallel_loop3A_134 : i32 to index
          %parallel_loop3A_197 = arith.constant 80 : index
          %parallel_loop3A_198 = tpu.vector_load %arg11[%parallel_loop3A_196, %parallel_loop3A_197] {strides = array<i32>} : memref<896x128xf32, #tpu.memory_space<vmem>>, vector<1x16xf32>,
          %parallel_loop3A_199 = vector.shape_cast %parallel_loop3A_198 : vector<1x16xf32> to vector<16xf32>
          %parallel_loop3A_200 = vector.shape_cast %parallel_loop3A_195 : vector<16xf32> to vector<1x16xf32>
          tpu.vector_store %arg11[%parallel_loop3A_196, %parallel_loop3A_197], %parallel_loop3A_200 {strides = array<i32>} : memref<896x128xf32, #tpu.memory_space<vmem>>, vector<1x16xf32>,
          %parallel_loop3A_201 = arith.index_cast %parallel_loop3A_134 : i32 to index
          %parallel_loop3A_202 = arith.constant 96 : index
          %parallel_loop3A_203 = tpu.vector_load %arg11[%parallel_loop3A_201, %parallel_loop3A_202] {strides = array<i32>} : memref<896x128xf32, #tpu.memory_space<vmem>>, vector<1x16xf32>,
          %parallel_loop3A_204 = vector.shape_cast %parallel_loop3A_203 : vector<1x16xf32> to vector<16xf32>
          %parallel_loop3A_205 = vector.broadcast %while3A_37 : f32 to vector<16xf32>
          %parallel_loop3A_206 = arith.mulf %parallel_loop3A_204, %parallel_loop3A_205 : vector<16xf32>
          %parallel_loop3A_207 = arith.index_cast %parallel_loop3A_134 : i32 to index
          %parallel_loop3A_208 = arith.constant 96 : index
          %parallel_loop3A_209 = tpu.vector_load %arg11[%parallel_loop3A_207, %parallel_loop3A_208] {strides = array<i32>} : memref<896x128xf32, #tpu.memory_space<vmem>>, vector<1x16xf32>,
          %parallel_loop3A_210 = vector.shape_cast %parallel_loop3A_209 : vector<1x16xf32> to vector<16xf32>
          %parallel_loop3A_211 = vector.shape_cast %parallel_loop3A_206 : vector<16xf32> to vector<1x16xf32>
          tpu.vector_store %arg11[%parallel_loop3A_207, %parallel_loop3A_208], %parallel_loop3A_211 {strides = array<i32>} : memref<896x128xf32, #tpu.memory_space<vmem>>, vector<1x16xf32>,
          %parallel_loop3A_212 = arith.index_cast %parallel_loop3A_134 : i32 to index
          %parallel_loop3A_213 = arith.constant 112 : index
          %parallel_loop3A_214 = tpu.vector_load %arg11[%parallel_loop3A_212, %parallel_loop3A_213] {strides = array<i32>} : memref<896x128xf32, #tpu.memory_space<vmem>>, vector<1x16xf32>,
          %parallel_loop3A_215 = vector.shape_cast %parallel_loop3A_214 : vector<1x16xf32> to vector<16xf32>
          %parallel_loop3A_216 = vector.broadcast %while3A_37 : f32 to vector<16xf32>
          %parallel_loop3A_217 = arith.mulf %parallel_loop3A_215, %parallel_loop3A_216 : vector<16xf32>
          %parallel_loop3A_218 = arith.index_cast %parallel_loop3A_134 : i32 to index
          %parallel_loop3A_219 = arith.constant 112 : index
          %parallel_loop3A_220 = tpu.vector_load %arg11[%parallel_loop3A_218, %parallel_loop3A_219] {strides = array<i32>} : memref<896x128xf32, #tpu.memory_space<vmem>>, vector<1x16xf32>,
          %parallel_loop3A_221 = vector.shape_cast %parallel_loop3A_220 : vector<1x16xf32> to vector<16xf32>
          %parallel_loop3A_222 = vector.shape_cast %parallel_loop3A_217 : vector<16xf32> to vector<1x16xf32>
          tpu.vector_store %arg11[%parallel_loop3A_218, %parallel_loop3A_219], %parallel_loop3A_222 {strides = array<i32>} : memref<896x128xf32, #tpu.memory_space<vmem>>, vector<1x16xf32>,
        } {sc.loop_unroll_factor = 1 : i64, sc.parallel_access}
        %mul3A_120 = arith.constant 128 : i32
        %mul3A_121 = arith.muli %sub3A_87, %mul3A_120 : i32
        %mul3A_122 = arith.constant 128 : i32
        %mul3A_123 = arith.muli %rem3A_89, %mul3A_122 : i32
        %add3A_124 = arith.addi %mul3A_26, %mul3A_121 : i32
        %dma_start3A = arith.constant 0 : i32
        %dma_start3A_125 = tpu.memref_slice %arg11[%mul3A_123, %dma_start3A] : memref<896x128xf32, #tpu.memory_space<vmem>> -> memref<128x128xf32, #tpu.memory_space<vmem>>
        %dma_start3A_126 = arith.constant 0 : i32
        %dma_start3A_127 = tpu.memref_slice %arg6[%add3A_124, %dma_start3A_126] : memref<32768x128xf32, #tpu.memory_space<hbm>> -> memref<128x128xf32, #tpu.memory_space<hbm>>
        %dma_start3A_128 = tpu.memref_slice %arg18[%rem3A_89] : memref<7x!tpu.dma_semaphore, #tpu.memory_space<semaphore_mem>> -> memref<1x!tpu.dma_semaphore, #tpu.memory_space<semaphore_mem>>
        %dma_start3A_129 = tpu.memref_squeeze %dma_start3A_128 : memref<1x!tpu.dma_semaphore, #tpu.memory_space<semaphore_mem>> -> memref<!tpu.dma_semaphore, #tpu.memory_space<semaphore_mem>>
        %dma_start3A_130 = arith.constant 0 : i32
        %dma_start3A_131 = tpu.memref_slice %arg6[%add3A_124, %dma_start3A_130] : memref<32768x128xf32, #tpu.memory_space<hbm>> -> memref<128x128xf32, #tpu.memory_space<hbm>>
        %dma_start3A_132 = arith.constant 0 : i32
        %dma_start3A_133 = tpu.memref_slice %arg11[%mul3A_123, %dma_start3A_132] : memref<896x128xf32, #tpu.memory_space<vmem>> -> memref<128x128xf32, #tpu.memory_space<vmem>>
        tpu.enqueue_dma source(%dma_start3A_133 : memref<128x128xf32, #tpu.memory_space<vmem>>) target(%dma_start3A_131 : memref<128x128xf32, #tpu.memory_space<hbm>>) target_semaphore(%dma_start3A_129 : memref<!tpu.dma_semaphore, #tpu.memory_space<semaphore_mem>>)
      } else {
      }
      %lt3A = arith.constant 8 : i32
      %lt3A_82 = arith.cmpi slt, %add3A_77, %lt3A : i32
      %convert_element_type3A_83 = arith.extui %lt3A_82 : i1 to i32
      %cond3A_84 = arith.constant 0 : i32
      %cond3A_85 = arith.cmpi ne, %convert_element_type3A_83, %cond3A_84 : i32
      scf.if %cond3A_85 {
        %rem3A_86 = arith.constant 7 : i32
        %rem3A_87 = arith.remsi %add3A_77, %rem3A_86 : i32
        %ge3A_88 = arith.constant 7 : i32
        %ge3A_89 = arith.cmpi sge, %add3A_77, %ge3A_88 : i32
        %convert_element_type3A_90 = arith.extui %ge3A_89 : i1 to i32
        %cond3A_91 = arith.constant 0 : i32
        %cond3A_92 = arith.cmpi ne, %convert_element_type3A_90, %cond3A_91 : i32
        scf.if %cond3A_92 {
          %sub3A_152 = arith.constant 7 : i32
          %sub3A_153 = arith.subi %add3A_77, %sub3A_152 : i32
          %mul3A_154 = arith.constant 128 : i32
          %mul3A_155 = arith.muli %sub3A_153, %mul3A_154 : i32
          %mul3A_156 = arith.constant 128 : i32
          %mul3A_157 = arith.muli %rem3A_87, %mul3A_156 : i32
          %add3A_158 = arith.addi %mul3A_26, %mul3A_155 : i32
          %dma_wait3A_159 = arith.constant 0 : i32
          %dma_wait3A_160 = tpu.memref_slice %arg11[%mul3A_157, %dma_wait3A_159] : memref<896x128xf32, #tpu.memory_space<vmem>> -> memref<128x128xf32, #tpu.memory_space<vmem>>
          %dma_wait3A_161 = arith.constant 0 : i32
          %dma_wait3A_162 = tpu.memref_slice %arg6[%add3A_158, %dma_wait3A_161] : memref<32768x128xf32, #tpu.memory_space<hbm>> -> memref<128x128xf32, #tpu.memory_space<hbm>>
          %dma_wait3A_163 = tpu.memref_slice %arg18[%rem3A_87] : memref<7x!tpu.dma_semaphore, #tpu.memory_space<semaphore_mem>> -> memref<1x!tpu.dma_semaphore, #tpu.memory_space<semaphore_mem>>
          %dma_wait3A_164 = tpu.memref_squeeze %dma_wait3A_163 : memref<1x!tpu.dma_semaphore, #tpu.memory_space<semaphore_mem>> -> memref<!tpu.dma_semaphore, #tpu.memory_space<semaphore_mem>>
          %dma_wait3A_165 = arith.constant 0 : i32
          %dma_wait3A_166 = tpu.memref_slice %arg6[%add3A_158, %dma_wait3A_165] : memref<32768x128xf32, #tpu.memory_space<hbm>> -> memref<128x128xf32, #tpu.memory_space<hbm>>
          %dma_wait3A_167 = arith.constant 0 : i32
          %dma_wait3A_168 = tpu.memref_slice %arg11[%mul3A_157, %dma_wait3A_167] : memref<896x128xf32, #tpu.memory_space<vmem>> -> memref<128x128xf32, #tpu.memory_space<vmem>>
          tpu.wait_dma2 semaphore(%dma_wait3A_164 : memref<!tpu.dma_semaphore, #tpu.memory_space<semaphore_mem>>) src(%dma_wait3A_168 : memref<128x128xf32, #tpu.memory_space<vmem>>) dst(%dma_wait3A_166 : memref<128x128xf32, #tpu.memory_space<hbm>>)
        } else {
        }
        %mul3A_93 = arith.constant 128 : i32
        %mul3A_94 = arith.muli %rem3A_87, %mul3A_93 : i32
        %broadcast_in_dim3A = arith.constant 0.000000e+00 : f32
        %broadcast_in_dim3A_95 = vector.broadcast %broadcast_in_dim3A : f32 to vector<16xf32>
        %add3A_96 = arith.constant 128 : i32
        %add3A_97 = arith.addi %mul3A_94, %add3A_96 : i32
        %parallel_loop3A = arith.constant 1 : i32
        scf.for %parallel_loop3A_152 = %mul3A_94 to %add3A_97 step %parallel_loop3A  : i32 {
          %parallel_loop3A_153 = arith.index_cast %parallel_loop3A_152 : i32 to index
          %parallel_loop3A_154 = arith.constant 0 : index
          %parallel_loop3A_155 = tpu.vector_load %arg11[%parallel_loop3A_153, %parallel_loop3A_154] {strides = array<i32>} : memref<896x128xf32, #tpu.memory_space<vmem>>, vector<1x16xf32>,
          %parallel_loop3A_156 = vector.shape_cast %parallel_loop3A_155 : vector<1x16xf32> to vector<16xf32>
          %parallel_loop3A_157 = vector.shape_cast %broadcast_in_dim3A_95 : vector<16xf32> to vector<1x16xf32>
          tpu.vector_store %arg11[%parallel_loop3A_153, %parallel_loop3A_154], %parallel_loop3A_157 {strides = array<i32>} : memref<896x128xf32, #tpu.memory_space<vmem>>, vector<1x16xf32>,
          %parallel_loop3A_158 = arith.index_cast %parallel_loop3A_152 : i32 to index
          %parallel_loop3A_159 = arith.constant 16 : index
          %parallel_loop3A_160 = tpu.vector_load %arg11[%parallel_loop3A_158, %parallel_loop3A_159] {strides = array<i32>} : memref<896x128xf32, #tpu.memory_space<vmem>>, vector<1x16xf32>,
          %parallel_loop3A_161 = vector.shape_cast %parallel_loop3A_160 : vector<1x16xf32> to vector<16xf32>
          %parallel_loop3A_162 = vector.shape_cast %broadcast_in_dim3A_95 : vector<16xf32> to vector<1x16xf32>
          tpu.vector_store %arg11[%parallel_loop3A_158, %parallel_loop3A_159], %parallel_loop3A_162 {strides = array<i32>} : memref<896x128xf32, #tpu.memory_space<vmem>>, vector<1x16xf32>,
          %parallel_loop3A_163 = arith.index_cast %parallel_loop3A_152 : i32 to index
          %parallel_loop3A_164 = arith.constant 32 : index
          %parallel_loop3A_165 = tpu.vector_load %arg11[%parallel_loop3A_163, %parallel_loop3A_164] {strides = array<i32>} : memref<896x128xf32, #tpu.memory_space<vmem>>, vector<1x16xf32>,
          %parallel_loop3A_166 = vector.shape_cast %parallel_loop3A_165 : vector<1x16xf32> to vector<16xf32>
          %parallel_loop3A_167 = vector.shape_cast %broadcast_in_dim3A_95 : vector<16xf32> to vector<1x16xf32>
          tpu.vector_store %arg11[%parallel_loop3A_163, %parallel_loop3A_164], %parallel_loop3A_167 {strides = array<i32>} : memref<896x128xf32, #tpu.memory_space<vmem>>, vector<1x16xf32>,
          %parallel_loop3A_168 = arith.index_cast %parallel_loop3A_152 : i32 to index
          %parallel_loop3A_169 = arith.constant 48 : index
          %parallel_loop3A_170 = tpu.vector_load %arg11[%parallel_loop3A_168, %parallel_loop3A_169] {strides = array<i32>} : memref<896x128xf32, #tpu.memory_space<vmem>>, vector<1x16xf32>,
          %parallel_loop3A_171 = vector.shape_cast %parallel_loop3A_170 : vector<1x16xf32> to vector<16xf32>
          %parallel_loop3A_172 = vector.shape_cast %broadcast_in_dim3A_95 : vector<16xf32> to vector<1x16xf32>
          tpu.vector_store %arg11[%parallel_loop3A_168, %parallel_loop3A_169], %parallel_loop3A_172 {strides = array<i32>} : memref<896x128xf32, #tpu.memory_space<vmem>>, vector<1x16xf32>,
          %parallel_loop3A_173 = arith.index_cast %parallel_loop3A_152 : i32 to index
          %parallel_loop3A_174 = arith.constant 64 : index
          %parallel_loop3A_175 = tpu.vector_load %arg11[%parallel_loop3A_173, %parallel_loop3A_174] {strides = array<i32>} : memref<896x128xf32, #tpu.memory_space<vmem>>, vector<1x16xf32>,
          %parallel_loop3A_176 = vector.shape_cast %parallel_loop3A_175 : vector<1x16xf32> to vector<16xf32>
          %parallel_loop3A_177 = vector.shape_cast %broadcast_in_dim3A_95 : vector<16xf32> to vector<1x16xf32>
          tpu.vector_store %arg11[%parallel_loop3A_173, %parallel_loop3A_174], %parallel_loop3A_177 {strides = array<i32>} : memref<896x128xf32, #tpu.memory_space<vmem>>, vector<1x16xf32>,
          %parallel_loop3A_178 = arith.index_cast %parallel_loop3A_152 : i32 to index
          %parallel_loop3A_179 = arith.constant 80 : index
          %parallel_loop3A_180 = tpu.vector_load %arg11[%parallel_loop3A_178, %parallel_loop3A_179] {strides = array<i32>} : memref<896x128xf32, #tpu.memory_space<vmem>>, vector<1x16xf32>,
          %parallel_loop3A_181 = vector.shape_cast %parallel_loop3A_180 : vector<1x16xf32> to vector<16xf32>
          %parallel_loop3A_182 = vector.shape_cast %broadcast_in_dim3A_95 : vector<16xf32> to vector<1x16xf32>
          tpu.vector_store %arg11[%parallel_loop3A_178, %parallel_loop3A_179], %parallel_loop3A_182 {strides = array<i32>} : memref<896x128xf32, #tpu.memory_space<vmem>>, vector<1x16xf32>,
          %parallel_loop3A_183 = arith.index_cast %parallel_loop3A_152 : i32 to index
          %parallel_loop3A_184 = arith.constant 96 : index
          %parallel_loop3A_185 = tpu.vector_load %arg11[%parallel_loop3A_183, %parallel_loop3A_184] {strides = array<i32>} : memref<896x128xf32, #tpu.memory_space<vmem>>, vector<1x16xf32>,
          %parallel_loop3A_186 = vector.shape_cast %parallel_loop3A_185 : vector<1x16xf32> to vector<16xf32>
          %parallel_loop3A_187 = vector.shape_cast %broadcast_in_dim3A_95 : vector<16xf32> to vector<1x16xf32>
          tpu.vector_store %arg11[%parallel_loop3A_183, %parallel_loop3A_184], %parallel_loop3A_187 {strides = array<i32>} : memref<896x128xf32, #tpu.memory_space<vmem>>, vector<1x16xf32>,
          %parallel_loop3A_188 = arith.index_cast %parallel_loop3A_152 : i32 to index
          %parallel_loop3A_189 = arith.constant 112 : index
          %parallel_loop3A_190 = tpu.vector_load %arg11[%parallel_loop3A_188, %parallel_loop3A_189] {strides = array<i32>} : memref<896x128xf32, #tpu.memory_space<vmem>>, vector<1x16xf32>,
          %parallel_loop3A_191 = vector.shape_cast %parallel_loop3A_190 : vector<1x16xf32> to vector<16xf32>
          %parallel_loop3A_192 = vector.shape_cast %broadcast_in_dim3A_95 : vector<16xf32> to vector<1x16xf32>
          tpu.vector_store %arg11[%parallel_loop3A_188, %parallel_loop3A_189], %parallel_loop3A_192 {strides = array<i32>} : memref<896x128xf32, #tpu.memory_space<vmem>>, vector<1x16xf32>,
        } {sc.loop_unroll_factor = 1 : i64, sc.parallel_access}
        %mul3A_98 = arith.constant 128 : i32
        %mul3A_99 = arith.muli %add3A_77, %mul3A_98 : i32
        %mul3A_100 = arith.constant 128 : i32
        %mul3A_101 = arith.muli %rem3A_87, %mul3A_100 : i32
        %sub3A_102 = arith.constant 128 : i32
        %sub3A_103 = arith.constant 0 : i32
        %sub3A_104 = arith.subi %sub3A_102, %sub3A_103 : i32
        %sub3A_105 = arith.constant 16 : i32
        %sub3A_106 = arith.constant 1 : i32
        %sub3A_107 = arith.subi %sub3A_105, %sub3A_106 : i32
        %add3A_108 = arith.addi %sub3A_104, %sub3A_107 : i32
        %div3A_109 = arith.constant 16 : i32
        %div3A_110 = arith.divsi %add3A_108, %div3A_109 : i32
        %while3A_111 = arith.constant 16 : i32
        %while3A_112 = arith.constant 0 : i32
        %while3A_113 = arith.constant 0 : i32
        %while3A_114 = arith.subi %div3A_110, %while3A_113 : i32
        %while3A_115 = arith.addi %while3A_113, %while3A_114 : i32
        %while3A_116 = arith.constant 1 : i32
        %while3A_117 = arith.divsi %while3A_114, %while3A_116 : i32
        %while3A_118 = arith.muli %while3A_117, %while3A_116 : i32
        %while3A_119 = arith.addi %while3A_113, %while3A_118 : i32
        %while3A_120 = arith.constant 1 : i32
        scf.for %while3A_152 = %while3A_113 to %while3A_119 step %while3A_120  : i32 {
          %mul3A_153 = arith.muli %while3A_152, %while3A_111 : i32
          %add3A_154 = arith.addi %while3A_112, %mul3A_153 : i32
          %add3A_155 = arith.addi %mul3A_99, %add3A_154 : i32
          %add3A_156 = arith.constant 4 : i32
          %add3A_157 = arith.addi %add3A_155, %add3A_156 : i32
          %get3A = arith.index_cast %add3A_157 : i32 to index
          %get3A_158 = tpu.vector_load %arg7[%get3A] {strides = array<i32>} : memref<1032xi32, #tpu.memory_space<vmem>>, vector<16xi32>,
          %get3A_159 = vector.shape_cast %get3A_158 : vector<16xi32> to vector<16xi32>
          %add3A_160 = arith.constant 3 : i32
          %add3A_161 = arith.addi %add3A_155, %add3A_160 : i32
          %get3A_162 = arith.index_cast %add3A_161 : i32 to index
          %get3A_163 = tpu.vector_load %arg7[%get3A_162] {strides = array<i32>} : memref<1032xi32, #tpu.memory_space<vmem>>, vector<16xi32>,
          %get3A_164 = vector.shape_cast %get3A_163 : vector<16xi32> to vector<16xi32>
          %add3A_165 = arith.constant 2 : i32
          %add3A_166 = arith.addi %add3A_155, %add3A_165 : i32
          %get3A_167 = arith.index_cast %add3A_166 : i32 to index
          %get3A_168 = tpu.vector_load %arg7[%get3A_167] {strides = array<i32>} : memref<1032xi32, #tpu.memory_space<vmem>>, vector<16xi32>,
          %get3A_169 = vector.shape_cast %get3A_168 : vector<16xi32> to vector<16xi32>
          %add3A_170 = arith.constant 1 : i32
          %add3A_171 = arith.addi %add3A_155, %add3A_170 : i32
          %get3A_172 = arith.index_cast %add3A_171 : i32 to index
          %get3A_173 = tpu.vector_load %arg7[%get3A_172] {strides = array<i32>} : memref<1032xi32, #tpu.memory_space<vmem>>, vector<16xi32>,
          %get3A_174 = vector.shape_cast %get3A_173 : vector<16xi32> to vector<16xi32>
          %get3A_175 = arith.index_cast %add3A_155 : i32 to index
          %get3A_176 = tpu.vector_load %arg7[%get3A_175] {strides = array<i32>} : memref<1032xi32, #tpu.memory_space<vmem>>, vector<16xi32>,
          %get3A_177 = vector.shape_cast %get3A_176 : vector<16xi32> to vector<16xi32>
          %mul3A_178 = arith.constant 66049 : i32
          %mul3A_179 = vector.broadcast %mul3A_178 : i32 to vector<16xi32>
          %mul3A_180 = arith.muli %get3A_169, %mul3A_179 : vector<16xi32>
          %mul3A_181 = arith.constant 257 : i32
          %mul3A_182 = vector.broadcast %mul3A_181 : i32 to vector<16xi32>
          %mul3A_183 = arith.muli %get3A_164, %mul3A_182 : vector<16xi32>
          %add3A_184 = arith.addi %mul3A_180, %mul3A_183 : vector<16xi32>
          %add3A_185 = arith.addi %add3A_184, %get3A_159 : vector<16xi32>
          %mul3A_186 = arith.constant 16974593 : i32
          %mul3A_187 = vector.broadcast %mul3A_186 : i32 to vector<16xi32>
          %mul3A_188 = arith.muli %get3A_174, %mul3A_187 : vector<16xi32>
          %add3A_189 = arith.addi %add3A_185, %mul3A_188 : vector<16xi32>
          %mul3A_190 = arith.constant 67503105 : i32
          %mul3A_191 = vector.broadcast %mul3A_190 : i32 to vector<16xi32>
          %mul3A_192 = arith.muli %get3A_177, %mul3A_191 : vector<16xi32>
          %add3A_193 = arith.addi %add3A_189, %mul3A_192 : vector<16xi32>
          %add3A_194 = arith.addi %mul3A_101, %add3A_154 : i32
          %rem3A_195 = arith.constant 50000 : i32
          %rem3A_196 = vector.broadcast %rem3A_195 : i32 to vector<16xi32>
          %rem3A_197 = arith.remsi %add3A_185, %rem3A_196 : vector<16xi32>
          %lt3A_198 = arith.constant 0 : i32
          %lt3A_199 = vector.broadcast %lt3A_198 : i32 to vector<16xi32>
          %lt3A_200 = arith.cmpi slt, %rem3A_197, %lt3A_199 : vector<16xi32>
          %jit3A_201 = arith.constant 50000 : i32
          %jit3A_202 = arith.constant 0 : i32
          %broadcast_in_dim3A_203 = vector.broadcast %jit3A_201 : i32 to vector<16xi32>
          %broadcast_in_dim3A_204 = vector.broadcast %jit3A_202 : i32 to vector<16xi32>
          %select_n3A_205 = arith.select %lt3A_200, %broadcast_in_dim3A_203, %broadcast_in_dim3A_204 : vector<16xi1>, vector<16xi32>
          %add3A_206 = arith.addi %rem3A_197, %select_n3A_205 : vector<16xi32>
          %lt3A_207 = arith.constant 0 : i32
          %lt3A_208 = vector.broadcast %lt3A_207 : i32 to vector<16xi32>
          %lt3A_209 = arith.cmpi slt, %add3A_185, %lt3A_208 : vector<16xi32>
          %jit3A_210 = arith.constant 17296 : i32
          %jit3A_211 = arith.constant 0 : i32
          %broadcast_in_dim3A_212 = vector.broadcast %jit3A_210 : i32 to vector<16xi32>
          %broadcast_in_dim3A_213 = vector.broadcast %jit3A_211 : i32 to vector<16xi32>
          %select_n3A_214 = arith.select %lt3A_209, %broadcast_in_dim3A_212, %broadcast_in_dim3A_213 : vector<16xi1>, vector<16xi32>
          %add3A_215 = arith.addi %add3A_206, %select_n3A_214 : vector<16xi32>
          %ge3A_216 = arith.constant 50000 : i32
          %ge3A_217 = vector.broadcast %ge3A_216 : i32 to vector<16xi32>
          %ge3A_218 = arith.cmpi sge, %add3A_215, %ge3A_217 : vector<16xi32>
          %jit3A_219 = arith.constant 50000 : i32
          %jit3A_220 = arith.constant 0 : i32
          %broadcast_in_dim3A_221 = vector.broadcast %jit3A_219 : i32 to vector<16xi32>
          %broadcast_in_dim3A_222 = vector.broadcast %jit3A_220 : i32 to vector<16xi32>
          %select_n3A_223 = arith.select %ge3A_218, %broadcast_in_dim3A_221, %broadcast_in_dim3A_222 : vector<16xi1>, vector<16xi32>
          %sub3A_224 = arith.subi %add3A_215, %select_n3A_223 : vector<16xi32>
          %swap3A = arith.index_cast %add3A_194 : i32 to index
          %swap3A_225 = tpu.vector_load %arg8[%swap3A] {strides = array<i32>} : memref<896xi32, #tpu.memory_space<vmem>>, vector<16xi32>,
          %swap3A_226 = vector.shape_cast %swap3A_225 : vector<16xi32> to vector<16xi32>
          %swap3A_227 = vector.shape_cast %sub3A_224 : vector<16xi32> to vector<16xi32>
          tpu.vector_store %arg8[%swap3A], %swap3A_227 {strides = array<i32>} : memref<896xi32, #tpu.memory_space<vmem>>, vector<16xi32>,
          %rem3A_228 = arith.constant 50000 : i32
          %rem3A_229 = vector.broadcast %rem3A_228 : i32 to vector<16xi32>
          %rem3A_230 = arith.remsi %add3A_189, %rem3A_229 : vector<16xi32>
          %lt3A_231 = arith.constant 0 : i32
          %lt3A_232 = vector.broadcast %lt3A_231 : i32 to vector<16xi32>
          %lt3A_233 = arith.cmpi slt, %rem3A_230, %lt3A_232 : vector<16xi32>
          %jit3A_234 = arith.constant 50000 : i32
          %jit3A_235 = arith.constant 0 : i32
          %broadcast_in_dim3A_236 = vector.broadcast %jit3A_234 : i32 to vector<16xi32>
          %broadcast_in_dim3A_237 = vector.broadcast %jit3A_235 : i32 to vector<16xi32>
          %select_n3A_238 = arith.select %lt3A_233, %broadcast_in_dim3A_236, %broadcast_in_dim3A_237 : vector<16xi1>, vector<16xi32>
          %add3A_239 = arith.addi %rem3A_230, %select_n3A_238 : vector<16xi32>
          %lt3A_240 = arith.constant 0 : i32
          %lt3A_241 = vector.broadcast %lt3A_240 : i32 to vector<16xi32>
          %lt3A_242 = arith.cmpi slt, %add3A_189, %lt3A_241 : vector<16xi32>
          %jit3A_243 = arith.constant 17296 : i32
          %jit3A_244 = arith.constant 0 : i32
          %broadcast_in_dim3A_245 = vector.broadcast %jit3A_243 : i32 to vector<16xi32>
          %broadcast_in_dim3A_246 = vector.broadcast %jit3A_244 : i32 to vector<16xi32>
          %select_n3A_247 = arith.select %lt3A_242, %broadcast_in_dim3A_245, %broadcast_in_dim3A_246 : vector<16xi1>, vector<16xi32>
          %add3A_248 = arith.addi %add3A_239, %select_n3A_247 : vector<16xi32>
          %ge3A_249 = arith.constant 50000 : i32
          %ge3A_250 = vector.broadcast %ge3A_249 : i32 to vector<16xi32>
          %ge3A_251 = arith.cmpi sge, %add3A_248, %ge3A_250 : vector<16xi32>
          %jit3A_252 = arith.constant 50000 : i32
          %jit3A_253 = arith.constant 0 : i32
          %broadcast_in_dim3A_254 = vector.broadcast %jit3A_252 : i32 to vector<16xi32>
          %broadcast_in_dim3A_255 = vector.broadcast %jit3A_253 : i32 to vector<16xi32>
          %select_n3A_256 = arith.select %ge3A_251, %broadcast_in_dim3A_254, %broadcast_in_dim3A_255 : vector<16xi1>, vector<16xi32>
          %sub3A_257 = arith.subi %add3A_248, %select_n3A_256 : vector<16xi32>
          %swap3A_258 = arith.index_cast %add3A_194 : i32 to index
          %swap3A_259 = tpu.vector_load %arg9[%swap3A_258] {strides = array<i32>} : memref<896xi32, #tpu.memory_space<vmem>>, vector<16xi32>,
          %swap3A_260 = vector.shape_cast %swap3A_259 : vector<16xi32> to vector<16xi32>
          %swap3A_261 = vector.shape_cast %sub3A_257 : vector<16xi32> to vector<16xi32>
          tpu.vector_store %arg9[%swap3A_258], %swap3A_261 {strides = array<i32>} : memref<896xi32, #tpu.memory_space<vmem>>, vector<16xi32>,
          %rem3A_262 = arith.constant 50000 : i32
          %rem3A_263 = vector.broadcast %rem3A_262 : i32 to vector<16xi32>
          %rem3A_264 = arith.remsi %add3A_193, %rem3A_263 : vector<16xi32>
          %lt3A_265 = arith.constant 0 : i32
          %lt3A_266 = vector.broadcast %lt3A_265 : i32 to vector<16xi32>
          %lt3A_267 = arith.cmpi slt, %rem3A_264, %lt3A_266 : vector<16xi32>
          %jit3A_268 = arith.constant 50000 : i32
          %jit3A_269 = arith.constant 0 : i32
          %broadcast_in_dim3A_270 = vector.broadcast %jit3A_268 : i32 to vector<16xi32>
          %broadcast_in_dim3A_271 = vector.broadcast %jit3A_269 : i32 to vector<16xi32>
          %select_n3A_272 = arith.select %lt3A_267, %broadcast_in_dim3A_270, %broadcast_in_dim3A_271 : vector<16xi1>, vector<16xi32>
          %add3A_273 = arith.addi %rem3A_264, %select_n3A_272 : vector<16xi32>
          %lt3A_274 = arith.constant 0 : i32
          %lt3A_275 = vector.broadcast %lt3A_274 : i32 to vector<16xi32>
          %lt3A_276 = arith.cmpi slt, %add3A_193, %lt3A_275 : vector<16xi32>
          %jit3A_277 = arith.constant 17296 : i32
          %jit3A_278 = arith.constant 0 : i32
          %broadcast_in_dim3A_279 = vector.broadcast %jit3A_277 : i32 to vector<16xi32>
          %broadcast_in_dim3A_280 = vector.broadcast %jit3A_278 : i32 to vector<16xi32>
          %select_n3A_281 = arith.select %lt3A_276, %broadcast_in_dim3A_279, %broadcast_in_dim3A_280 : vector<16xi1>, vector<16xi32>
          %add3A_282 = arith.addi %add3A_273, %select_n3A_281 : vector<16xi32>
          %ge3A_283 = arith.constant 50000 : i32
          %ge3A_284 = vector.broadcast %ge3A_283 : i32 to vector<16xi32>
          %ge3A_285 = arith.cmpi sge, %add3A_282, %ge3A_284 : vector<16xi32>
          %jit3A_286 = arith.constant 50000 : i32
          %jit3A_287 = arith.constant 0 : i32
          %broadcast_in_dim3A_288 = vector.broadcast %jit3A_286 : i32 to vector<16xi32>
          %broadcast_in_dim3A_289 = vector.broadcast %jit3A_287 : i32 to vector<16xi32>
          %select_n3A_290 = arith.select %ge3A_285, %broadcast_in_dim3A_288, %broadcast_in_dim3A_289 : vector<16xi1>, vector<16xi32>
          %sub3A_291 = arith.subi %add3A_282, %select_n3A_290 : vector<16xi32>
          %swap3A_292 = arith.index_cast %add3A_194 : i32 to index
          %swap3A_293 = tpu.vector_load %arg10[%swap3A_292] {strides = array<i32>} : memref<896xi32, #tpu.memory_space<vmem>>, vector<16xi32>,
          %swap3A_294 = vector.shape_cast %swap3A_293 : vector<16xi32> to vector<16xi32>
          %swap3A_295 = vector.shape_cast %sub3A_291 : vector<16xi32> to vector<16xi32>
          tpu.vector_store %arg10[%swap3A_292], %swap3A_295 {strides = array<i32>} : memref<896xi32, #tpu.memory_space<vmem>>, vector<16xi32>,
        }
        %while3A_121 = arith.constant 1 : i32
        scf.for %while3A_152 = %while3A_119 to %while3A_115 step %while3A_121  : i32 {
          %mul3A_153 = arith.muli %while3A_152, %while3A_111 : i32
          %add3A_154 = arith.addi %while3A_112, %mul3A_153 : i32
          %add3A_155 = arith.addi %mul3A_99, %add3A_154 : i32
          %add3A_156 = arith.constant 4 : i32
          %add3A_157 = arith.addi %add3A_155, %add3A_156 : i32
          %get3A = arith.index_cast %add3A_157 : i32 to index
          %get3A_158 = tpu.vector_load %arg7[%get3A] {strides = array<i32>} : memref<1032xi32, #tpu.memory_space<vmem>>, vector<16xi32>,
          %get3A_159 = vector.shape_cast %get3A_158 : vector<16xi32> to vector<16xi32>
          %add3A_160 = arith.constant 3 : i32
          %add3A_161 = arith.addi %add3A_155, %add3A_160 : i32
          %get3A_162 = arith.index_cast %add3A_161 : i32 to index
          %get3A_163 = tpu.vector_load %arg7[%get3A_162] {strides = array<i32>} : memref<1032xi32, #tpu.memory_space<vmem>>, vector<16xi32>,
          %get3A_164 = vector.shape_cast %get3A_163 : vector<16xi32> to vector<16xi32>
          %add3A_165 = arith.constant 2 : i32
          %add3A_166 = arith.addi %add3A_155, %add3A_165 : i32
          %get3A_167 = arith.index_cast %add3A_166 : i32 to index
          %get3A_168 = tpu.vector_load %arg7[%get3A_167] {strides = array<i32>} : memref<1032xi32, #tpu.memory_space<vmem>>, vector<16xi32>,
          %get3A_169 = vector.shape_cast %get3A_168 : vector<16xi32> to vector<16xi32>
          %add3A_170 = arith.constant 1 : i32
          %add3A_171 = arith.addi %add3A_155, %add3A_170 : i32
          %get3A_172 = arith.index_cast %add3A_171 : i32 to index
          %get3A_173 = tpu.vector_load %arg7[%get3A_172] {strides = array<i32>} : memref<1032xi32, #tpu.memory_space<vmem>>, vector<16xi32>,
          %get3A_174 = vector.shape_cast %get3A_173 : vector<16xi32> to vector<16xi32>
          %get3A_175 = arith.index_cast %add3A_155 : i32 to index
          %get3A_176 = tpu.vector_load %arg7[%get3A_175] {strides = array<i32>} : memref<1032xi32, #tpu.memory_space<vmem>>, vector<16xi32>,
          %get3A_177 = vector.shape_cast %get3A_176 : vector<16xi32> to vector<16xi32>
          %mul3A_178 = arith.constant 66049 : i32
          %mul3A_179 = vector.broadcast %mul3A_178 : i32 to vector<16xi32>
          %mul3A_180 = arith.muli %get3A_169, %mul3A_179 : vector<16xi32>
          %mul3A_181 = arith.constant 257 : i32
          %mul3A_182 = vector.broadcast %mul3A_181 : i32 to vector<16xi32>
          %mul3A_183 = arith.muli %get3A_164, %mul3A_182 : vector<16xi32>
          %add3A_184 = arith.addi %mul3A_180, %mul3A_183 : vector<16xi32>
          %add3A_185 = arith.addi %add3A_184, %get3A_159 : vector<16xi32>
          %mul3A_186 = arith.constant 16974593 : i32
          %mul3A_187 = vector.broadcast %mul3A_186 : i32 to vector<16xi32>
          %mul3A_188 = arith.muli %get3A_174, %mul3A_187 : vector<16xi32>
          %add3A_189 = arith.addi %add3A_185, %mul3A_188 : vector<16xi32>
          %mul3A_190 = arith.constant 67503105 : i32
          %mul3A_191 = vector.broadcast %mul3A_190 : i32 to vector<16xi32>
          %mul3A_192 = arith.muli %get3A_177, %mul3A_191 : vector<16xi32>
          %add3A_193 = arith.addi %add3A_189, %mul3A_192 : vector<16xi32>
          %add3A_194 = arith.addi %mul3A_101, %add3A_154 : i32
          %rem3A_195 = arith.constant 50000 : i32
          %rem3A_196 = vector.broadcast %rem3A_195 : i32 to vector<16xi32>
          %rem3A_197 = arith.remsi %add3A_185, %rem3A_196 : vector<16xi32>
          %lt3A_198 = arith.constant 0 : i32
          %lt3A_199 = vector.broadcast %lt3A_198 : i32 to vector<16xi32>
          %lt3A_200 = arith.cmpi slt, %rem3A_197, %lt3A_199 : vector<16xi32>
          %jit3A_201 = arith.constant 50000 : i32
          %jit3A_202 = arith.constant 0 : i32
          %broadcast_in_dim3A_203 = vector.broadcast %jit3A_201 : i32 to vector<16xi32>
          %broadcast_in_dim3A_204 = vector.broadcast %jit3A_202 : i32 to vector<16xi32>
          %select_n3A_205 = arith.select %lt3A_200, %broadcast_in_dim3A_203, %broadcast_in_dim3A_204 : vector<16xi1>, vector<16xi32>
          %add3A_206 = arith.addi %rem3A_197, %select_n3A_205 : vector<16xi32>
          %lt3A_207 = arith.constant 0 : i32
          %lt3A_208 = vector.broadcast %lt3A_207 : i32 to vector<16xi32>
          %lt3A_209 = arith.cmpi slt, %add3A_185, %lt3A_208 : vector<16xi32>
          %jit3A_210 = arith.constant 17296 : i32
          %jit3A_211 = arith.constant 0 : i32
          %broadcast_in_dim3A_212 = vector.broadcast %jit3A_210 : i32 to vector<16xi32>
          %broadcast_in_dim3A_213 = vector.broadcast %jit3A_211 : i32 to vector<16xi32>
          %select_n3A_214 = arith.select %lt3A_209, %broadcast_in_dim3A_212, %broadcast_in_dim3A_213 : vector<16xi1>, vector<16xi32>
          %add3A_215 = arith.addi %add3A_206, %select_n3A_214 : vector<16xi32>
          %ge3A_216 = arith.constant 50000 : i32
          %ge3A_217 = vector.broadcast %ge3A_216 : i32 to vector<16xi32>
          %ge3A_218 = arith.cmpi sge, %add3A_215, %ge3A_217 : vector<16xi32>
          %jit3A_219 = arith.constant 50000 : i32
          %jit3A_220 = arith.constant 0 : i32
          %broadcast_in_dim3A_221 = vector.broadcast %jit3A_219 : i32 to vector<16xi32>
          %broadcast_in_dim3A_222 = vector.broadcast %jit3A_220 : i32 to vector<16xi32>
          %select_n3A_223 = arith.select %ge3A_218, %broadcast_in_dim3A_221, %broadcast_in_dim3A_222 : vector<16xi1>, vector<16xi32>
          %sub3A_224 = arith.subi %add3A_215, %select_n3A_223 : vector<16xi32>
          %swap3A = arith.index_cast %add3A_194 : i32 to index
          %swap3A_225 = tpu.vector_load %arg8[%swap3A] {strides = array<i32>} : memref<896xi32, #tpu.memory_space<vmem>>, vector<16xi32>,
          %swap3A_226 = vector.shape_cast %swap3A_225 : vector<16xi32> to vector<16xi32>
          %swap3A_227 = vector.shape_cast %sub3A_224 : vector<16xi32> to vector<16xi32>
          tpu.vector_store %arg8[%swap3A], %swap3A_227 {strides = array<i32>} : memref<896xi32, #tpu.memory_space<vmem>>, vector<16xi32>,
          %rem3A_228 = arith.constant 50000 : i32
          %rem3A_229 = vector.broadcast %rem3A_228 : i32 to vector<16xi32>
          %rem3A_230 = arith.remsi %add3A_189, %rem3A_229 : vector<16xi32>
          %lt3A_231 = arith.constant 0 : i32
          %lt3A_232 = vector.broadcast %lt3A_231 : i32 to vector<16xi32>
          %lt3A_233 = arith.cmpi slt, %rem3A_230, %lt3A_232 : vector<16xi32>
          %jit3A_234 = arith.constant 50000 : i32
          %jit3A_235 = arith.constant 0 : i32
          %broadcast_in_dim3A_236 = vector.broadcast %jit3A_234 : i32 to vector<16xi32>
          %broadcast_in_dim3A_237 = vector.broadcast %jit3A_235 : i32 to vector<16xi32>
          %select_n3A_238 = arith.select %lt3A_233, %broadcast_in_dim3A_236, %broadcast_in_dim3A_237 : vector<16xi1>, vector<16xi32>
          %add3A_239 = arith.addi %rem3A_230, %select_n3A_238 : vector<16xi32>
          %lt3A_240 = arith.constant 0 : i32
          %lt3A_241 = vector.broadcast %lt3A_240 : i32 to vector<16xi32>
          %lt3A_242 = arith.cmpi slt, %add3A_189, %lt3A_241 : vector<16xi32>
          %jit3A_243 = arith.constant 17296 : i32
          %jit3A_244 = arith.constant 0 : i32
          %broadcast_in_dim3A_245 = vector.broadcast %jit3A_243 : i32 to vector<16xi32>
          %broadcast_in_dim3A_246 = vector.broadcast %jit3A_244 : i32 to vector<16xi32>
          %select_n3A_247 = arith.select %lt3A_242, %broadcast_in_dim3A_245, %broadcast_in_dim3A_246 : vector<16xi1>, vector<16xi32>
          %add3A_248 = arith.addi %add3A_239, %select_n3A_247 : vector<16xi32>
          %ge3A_249 = arith.constant 50000 : i32
          %ge3A_250 = vector.broadcast %ge3A_249 : i32 to vector<16xi32>
          %ge3A_251 = arith.cmpi sge, %add3A_248, %ge3A_250 : vector<16xi32>
          %jit3A_252 = arith.constant 50000 : i32
          %jit3A_253 = arith.constant 0 : i32
          %broadcast_in_dim3A_254 = vector.broadcast %jit3A_252 : i32 to vector<16xi32>
          %broadcast_in_dim3A_255 = vector.broadcast %jit3A_253 : i32 to vector<16xi32>
          %select_n3A_256 = arith.select %ge3A_251, %broadcast_in_dim3A_254, %broadcast_in_dim3A_255 : vector<16xi1>, vector<16xi32>
          %sub3A_257 = arith.subi %add3A_248, %select_n3A_256 : vector<16xi32>
          %swap3A_258 = arith.index_cast %add3A_194 : i32 to index
          %swap3A_259 = tpu.vector_load %arg9[%swap3A_258] {strides = array<i32>} : memref<896xi32, #tpu.memory_space<vmem>>, vector<16xi32>,
          %swap3A_260 = vector.shape_cast %swap3A_259 : vector<16xi32> to vector<16xi32>
          %swap3A_261 = vector.shape_cast %sub3A_257 : vector<16xi32> to vector<16xi32>
          tpu.vector_store %arg9[%swap3A_258], %swap3A_261 {strides = array<i32>} : memref<896xi32, #tpu.memory_space<vmem>>, vector<16xi32>,
          %rem3A_262 = arith.constant 50000 : i32
          %rem3A_263 = vector.broadcast %rem3A_262 : i32 to vector<16xi32>
          %rem3A_264 = arith.remsi %add3A_193, %rem3A_263 : vector<16xi32>
          %lt3A_265 = arith.constant 0 : i32
          %lt3A_266 = vector.broadcast %lt3A_265 : i32 to vector<16xi32>
          %lt3A_267 = arith.cmpi slt, %rem3A_264, %lt3A_266 : vector<16xi32>
          %jit3A_268 = arith.constant 50000 : i32
          %jit3A_269 = arith.constant 0 : i32
          %broadcast_in_dim3A_270 = vector.broadcast %jit3A_268 : i32 to vector<16xi32>
          %broadcast_in_dim3A_271 = vector.broadcast %jit3A_269 : i32 to vector<16xi32>
          %select_n3A_272 = arith.select %lt3A_267, %broadcast_in_dim3A_270, %broadcast_in_dim3A_271 : vector<16xi1>, vector<16xi32>
          %add3A_273 = arith.addi %rem3A_264, %select_n3A_272 : vector<16xi32>
          %lt3A_274 = arith.constant 0 : i32
          %lt3A_275 = vector.broadcast %lt3A_274 : i32 to vector<16xi32>
          %lt3A_276 = arith.cmpi slt, %add3A_193, %lt3A_275 : vector<16xi32>
          %jit3A_277 = arith.constant 17296 : i32
          %jit3A_278 = arith.constant 0 : i32
          %broadcast_in_dim3A_279 = vector.broadcast %jit3A_277 : i32 to vector<16xi32>
          %broadcast_in_dim3A_280 = vector.broadcast %jit3A_278 : i32 to vector<16xi32>
          %select_n3A_281 = arith.select %lt3A_276, %broadcast_in_dim3A_279, %broadcast_in_dim3A_280 : vector<16xi1>, vector<16xi32>
          %add3A_282 = arith.addi %add3A_273, %select_n3A_281 : vector<16xi32>
          %ge3A_283 = arith.constant 50000 : i32
          %ge3A_284 = vector.broadcast %ge3A_283 : i32 to vector<16xi32>
          %ge3A_285 = arith.cmpi sge, %add3A_282, %ge3A_284 : vector<16xi32>
          %jit3A_286 = arith.constant 50000 : i32
          %jit3A_287 = arith.constant 0 : i32
          %broadcast_in_dim3A_288 = vector.broadcast %jit3A_286 : i32 to vector<16xi32>
          %broadcast_in_dim3A_289 = vector.broadcast %jit3A_287 : i32 to vector<16xi32>
          %select_n3A_290 = arith.select %ge3A_285, %broadcast_in_dim3A_288, %broadcast_in_dim3A_289 : vector<16xi1>, vector<16xi32>
          %sub3A_291 = arith.subi %add3A_282, %select_n3A_290 : vector<16xi32>
          %swap3A_292 = arith.index_cast %add3A_194 : i32 to index
          %swap3A_293 = tpu.vector_load %arg10[%swap3A_292] {strides = array<i32>} : memref<896xi32, #tpu.memory_space<vmem>>, vector<16xi32>,
          %swap3A_294 = vector.shape_cast %swap3A_293 : vector<16xi32> to vector<16xi32>
          %swap3A_295 = vector.shape_cast %sub3A_291 : vector<16xi32> to vector<16xi32>
          tpu.vector_store %arg10[%swap3A_292], %swap3A_295 {strides = array<i32>} : memref<896xi32, #tpu.memory_space<vmem>>, vector<16xi32>,
        }
        %mul3A_122 = arith.constant 128 : i32
        %mul3A_123 = arith.muli %rem3A_87, %mul3A_122 : i32
        %dma_start3A = arith.constant 0 : i32
        %dma_start3A_124 = tpu.memref_slice %arg11[%mul3A_123, %dma_start3A] : memref<896x128xf32, #tpu.memory_space<vmem>> -> memref<128x128xf32, #tpu.memory_space<vmem>>
        %dma_start3A_125 = tpu.memref_slice %arg8[%mul3A_123] : memref<896xi32, #tpu.memory_space<vmem>> -> memref<128xi32, #tpu.memory_space<vmem>>
        %dma_start3A_126 = arith.constant 0 : i32
        %dma_start3A_127 = arith.constant 0 : i32
        %dma_start3A_128 = tpu.memref_slice %arg3[%dma_start3A_126, %dma_start3A_127] : memref<50000x128xf32, #tpu.memory_space<hbm>> -> memref<50000x128xf32, #tpu.memory_space<hbm>>
        %dma_start3A_129 = tpu.memref_slice %arg17[%rem3A_87] : memref<7x!tpu.dma_semaphore, #tpu.memory_space<semaphore_mem>> -> memref<1x!tpu.dma_semaphore, #tpu.memory_space<semaphore_mem>>
        %dma_start3A_130 = tpu.memref_squeeze %dma_start3A_129 : memref<1x!tpu.dma_semaphore, #tpu.memory_space<semaphore_mem>> -> memref<!tpu.dma_semaphore, #tpu.memory_space<semaphore_mem>>
        tpu.enqueue_indirect_dma source(%dma_start3A_128 : memref<50000x128xf32, #tpu.memory_space<hbm>>) target(%dma_start3A_124 : memref<128x128xf32, #tpu.memory_space<vmem>>) offsets(%dma_start3A_125 : memref<128xi32, #tpu.memory_space<vmem>>) semaphore(%dma_start3A_130 : memref<!tpu.dma_semaphore, #tpu.memory_space<semaphore_mem>>) {add = true}
        %dma_start3A_131 = arith.constant 0 : i32
        %dma_start3A_132 = tpu.memref_slice %arg11[%mul3A_123, %dma_start3A_131] : memref<896x128xf32, #tpu.memory_space<vmem>> -> memref<128x128xf32, #tpu.memory_space<vmem>>
        %dma_start3A_133 = tpu.memref_slice %arg9[%mul3A_123] : memref<896xi32, #tpu.memory_space<vmem>> -> memref<128xi32, #tpu.memory_space<vmem>>
        %dma_start3A_134 = arith.constant 0 : i32
        %dma_start3A_135 = arith.constant 0 : i32
        %dma_start3A_136 = tpu.memref_slice %arg4[%dma_start3A_134, %dma_start3A_135] : memref<50000x128xf32, #tpu.memory_space<hbm>> -> memref<50000x128xf32, #tpu.memory_space<hbm>>
        %dma_start3A_137 = tpu.memref_slice %arg17[%rem3A_87] : memref<7x!tpu.dma_semaphore, #tpu.memory_space<semaphore_mem>> -> memref<1x!tpu.dma_semaphore, #tpu.memory_space<semaphore_mem>>
        %dma_start3A_138 = tpu.memref_squeeze %dma_start3A_137 : memref<1x!tpu.dma_semaphore, #tpu.memory_space<semaphore_mem>> -> memref<!tpu.dma_semaphore, #tpu.memory_space<semaphore_mem>>
        tpu.enqueue_indirect_dma source(%dma_start3A_136 : memref<50000x128xf32, #tpu.memory_space<hbm>>) target(%dma_start3A_132 : memref<128x128xf32, #tpu.memory_space<vmem>>) offsets(%dma_start3A_133 : memref<128xi32, #tpu.memory_space<vmem>>) semaphore(%dma_start3A_138 : memref<!tpu.dma_semaphore, #tpu.memory_space<semaphore_mem>>) {add = true}
        %dma_start3A_139 = arith.constant 0 : i32
        %dma_start3A_140 = tpu.memref_slice %arg11[%mul3A_123, %dma_start3A_139] : memref<896x128xf32, #tpu.memory_space<vmem>> -> memref<128x128xf32, #tpu.memory_space<vmem>>
        %dma_start3A_141 = tpu.memref_slice %arg10[%mul3A_123] : memref<896xi32, #tpu.memory_space<vmem>> -> memref<128xi32, #tpu.memory_space<vmem>>
        %dma_start3A_142 = arith.constant 0 : i32
        %dma_start3A_143 = arith.constant 0 : i32
        %dma_start3A_144 = tpu.memref_slice %arg5[%dma_start3A_142, %dma_start3A_143] : memref<50000x128xf32, #tpu.memory_space<hbm>> -> memref<50000x128xf32, #tpu.memory_space<hbm>>
        %dma_start3A_145 = tpu.memref_slice %arg17[%rem3A_87] : memref<7x!tpu.dma_semaphore, #tpu.memory_space<semaphore_mem>> -> memref<1x!tpu.dma_semaphore, #tpu.memory_space<semaphore_mem>>
        %dma_start3A_146 = tpu.memref_squeeze %dma_start3A_145 : memref<1x!tpu.dma_semaphore, #tpu.memory_space<semaphore_mem>> -> memref<!tpu.dma_semaphore, #tpu.memory_space<semaphore_mem>>
        tpu.enqueue_indirect_dma source(%dma_start3A_144 : memref<50000x128xf32, #tpu.memory_space<hbm>>) target(%dma_start3A_140 : memref<128x128xf32, #tpu.memory_space<vmem>>) offsets(%dma_start3A_141 : memref<128xi32, #tpu.memory_space<vmem>>) semaphore(%dma_start3A_146 : memref<!tpu.dma_semaphore, #tpu.memory_space<semaphore_mem>>) {add = true}
        %eq3A_147 = arith.constant 0 : i32
        %eq3A_148 = arith.cmpi eq, %add3A_77, %eq3A_147 : i32
        %convert_element_type3A_149 = arith.extui %eq3A_148 : i1 to i32
        %cond3A_150 = arith.constant 0 : i32
        %cond3A_151 = arith.cmpi ne, %convert_element_type3A_149, %cond3A_150 : i32
        scf.if %cond3A_151 {
          %get3A = arith.constant 0 : index
          %get3A_152 = tpu.vector_load %arg8[%get3A] {strides = array<i32>} : memref<896xi32, #tpu.memory_space<vmem>>, vector<16xi32>,
          %get3A_153 = vector.shape_cast %get3A_152 : vector<16xi32> to vector<16xi32>
          %swap3A = arith.constant 0 : index
          %swap3A_154 = tpu.vector_load %arg12[%swap3A] {strides = array<i32>} : memref<16xi32, #tpu.memory_space<vmem>>, vector<16xi32>,
          %swap3A_155 = vector.shape_cast %swap3A_154 : vector<16xi32> to vector<16xi32>
          %swap3A_156 = vector.shape_cast %get3A_153 : vector<16xi32> to vector<16xi32>
          tpu.vector_store %arg12[%swap3A], %swap3A_156 {strides = array<i32>} : memref<16xi32, #tpu.memory_space<vmem>>, vector<16xi32>,
          %get3A_157 = arith.constant 0 : index
          %get3A_158 = tpu.vector_load %arg9[%get3A_157] {strides = array<i32>} : memref<896xi32, #tpu.memory_space<vmem>>, vector<16xi32>,
          %get3A_159 = vector.shape_cast %get3A_158 : vector<16xi32> to vector<16xi32>
          %swap3A_160 = arith.constant 0 : index
          %swap3A_161 = tpu.vector_load %arg13[%swap3A_160] {strides = array<i32>} : memref<16xi32, #tpu.memory_space<vmem>>, vector<16xi32>,
          %swap3A_162 = vector.shape_cast %swap3A_161 : vector<16xi32> to vector<16xi32>
          %swap3A_163 = vector.shape_cast %get3A_159 : vector<16xi32> to vector<16xi32>
          tpu.vector_store %arg13[%swap3A_160], %swap3A_163 {strides = array<i32>} : memref<16xi32, #tpu.memory_space<vmem>>, vector<16xi32>,
          %dma_start3A_164 = arith.constant 0 : i32
          %dma_start3A_165 = arith.constant 0 : i32
          %dma_start3A_166 = tpu.memref_slice %arg3[%dma_start3A_164, %dma_start3A_165] : memref<50000x128xf32, #tpu.memory_space<hbm>> -> memref<50000x128xf32, #tpu.memory_space<hbm>>
          tpu.enqueue_indirect_dma source(%dma_start3A_166 : memref<50000x128xf32, #tpu.memory_space<hbm>>) target(%arg14 : memref<16x128xf32, #tpu.memory_space<vmem>>) offsets(%arg12 : memref<16xi32, #tpu.memory_space<vmem>>) semaphore(%arg19 : memref<!tpu.dma_semaphore, #tpu.memory_space<semaphore_mem>>)
          %dma_start3A_167 = arith.constant 0 : i32
          %dma_start3A_168 = arith.constant 0 : i32
          %dma_start3A_169 = tpu.memref_slice %arg4[%dma_start3A_167, %dma_start3A_168] : memref<50000x128xf32, #tpu.memory_space<hbm>> -> memref<50000x128xf32, #tpu.memory_space<hbm>>
          tpu.enqueue_indirect_dma source(%dma_start3A_169 : memref<50000x128xf32, #tpu.memory_space<hbm>>) target(%arg15 : memref<16x128xf32, #tpu.memory_space<vmem>>) offsets(%arg13 : memref<16xi32, #tpu.memory_space<vmem>>) semaphore(%arg19 : memref<!tpu.dma_semaphore, #tpu.memory_space<semaphore_mem>>)
        } else {
        }
      } else {
      }
    }
    %while3A_46 = arith.constant 1 : i32
    scf.for %while3A_75 = %while3A_44 to %while3A_40 step %while3A_46  : i32 {
      %mul3A_76 = arith.muli %while3A_75, %while3A : i32
      %add3A_77 = arith.addi %while3A_36, %mul3A_76 : i32
      %ge3A = arith.constant 2 : i32
      %ge3A_78 = arith.cmpi sge, %add3A_77, %ge3A : i32
      %convert_element_type3A_79 = arith.extui %ge3A_78 : i1 to i32
      %cond3A_80 = arith.constant 0 : i32
      %cond3A_81 = arith.cmpi ne, %convert_element_type3A_79, %cond3A_80 : i32
      scf.if %cond3A_81 {
        %sub3A_86 = arith.constant 2 : i32
        %sub3A_87 = arith.subi %add3A_77, %sub3A_86 : i32
        %rem3A_88 = arith.constant 7 : i32
        %rem3A_89 = arith.remsi %sub3A_87, %rem3A_88 : i32
        %mul3A_90 = arith.constant 128 : i32
        %mul3A_91 = arith.muli %rem3A_89, %mul3A_90 : i32
        %dma_wait3A_92 = arith.constant 0 : i32
        %dma_wait3A_93 = tpu.memref_slice %arg11[%mul3A_91, %dma_wait3A_92] : memref<896x128xf32, #tpu.memory_space<vmem>> -> memref<128x128xf32, #tpu.memory_space<vmem>>
        %dma_wait3A_94 = tpu.memref_slice %arg8[%mul3A_91] : memref<896xi32, #tpu.memory_space<vmem>> -> memref<128xi32, #tpu.memory_space<vmem>>
        %dma_wait3A_95 = arith.constant 0 : i32
        %dma_wait3A_96 = arith.constant 0 : i32
        %dma_wait3A_97 = tpu.memref_slice %arg3[%dma_wait3A_95, %dma_wait3A_96] : memref<50000x128xf32, #tpu.memory_space<hbm>> -> memref<50000x128xf32, #tpu.memory_space<hbm>>
        %dma_wait3A_98 = tpu.memref_slice %arg17[%rem3A_89] : memref<7x!tpu.dma_semaphore, #tpu.memory_space<semaphore_mem>> -> memref<1x!tpu.dma_semaphore, #tpu.memory_space<semaphore_mem>>
        %dma_wait3A_99 = tpu.memref_squeeze %dma_wait3A_98 : memref<1x!tpu.dma_semaphore, #tpu.memory_space<semaphore_mem>> -> memref<!tpu.dma_semaphore, #tpu.memory_space<semaphore_mem>>
        tpu.wait_indirect_dma semaphore(%dma_wait3A_99 : memref<!tpu.dma_semaphore, #tpu.memory_space<semaphore_mem>>) src(%dma_wait3A_97 : memref<50000x128xf32, #tpu.memory_space<hbm>>) dst(%dma_wait3A_93 : memref<128x128xf32, #tpu.memory_space<vmem>>)
        %dma_wait3A_100 = arith.constant 0 : i32
        %dma_wait3A_101 = tpu.memref_slice %arg11[%mul3A_91, %dma_wait3A_100] : memref<896x128xf32, #tpu.memory_space<vmem>> -> memref<128x128xf32, #tpu.memory_space<vmem>>
        %dma_wait3A_102 = tpu.memref_slice %arg9[%mul3A_91] : memref<896xi32, #tpu.memory_space<vmem>> -> memref<128xi32, #tpu.memory_space<vmem>>
        %dma_wait3A_103 = arith.constant 0 : i32
        %dma_wait3A_104 = arith.constant 0 : i32
        %dma_wait3A_105 = tpu.memref_slice %arg4[%dma_wait3A_103, %dma_wait3A_104] : memref<50000x128xf32, #tpu.memory_space<hbm>> -> memref<50000x128xf32, #tpu.memory_space<hbm>>
        %dma_wait3A_106 = tpu.memref_slice %arg17[%rem3A_89] : memref<7x!tpu.dma_semaphore, #tpu.memory_space<semaphore_mem>> -> memref<1x!tpu.dma_semaphore, #tpu.memory_space<semaphore_mem>>
        %dma_wait3A_107 = tpu.memref_squeeze %dma_wait3A_106 : memref<1x!tpu.dma_semaphore, #tpu.memory_space<semaphore_mem>> -> memref<!tpu.dma_semaphore, #tpu.memory_space<semaphore_mem>>
        tpu.wait_indirect_dma semaphore(%dma_wait3A_107 : memref<!tpu.dma_semaphore, #tpu.memory_space<semaphore_mem>>) src(%dma_wait3A_105 : memref<50000x128xf32, #tpu.memory_space<hbm>>) dst(%dma_wait3A_101 : memref<128x128xf32, #tpu.memory_space<vmem>>)
        %dma_wait3A_108 = arith.constant 0 : i32
        %dma_wait3A_109 = tpu.memref_slice %arg11[%mul3A_91, %dma_wait3A_108] : memref<896x128xf32, #tpu.memory_space<vmem>> -> memref<128x128xf32, #tpu.memory_space<vmem>>
        %dma_wait3A_110 = tpu.memref_slice %arg10[%mul3A_91] : memref<896xi32, #tpu.memory_space<vmem>> -> memref<128xi32, #tpu.memory_space<vmem>>
        %dma_wait3A_111 = arith.constant 0 : i32
        %dma_wait3A_112 = arith.constant 0 : i32
        %dma_wait3A_113 = tpu.memref_slice %arg5[%dma_wait3A_111, %dma_wait3A_112] : memref<50000x128xf32, #tpu.memory_space<hbm>> -> memref<50000x128xf32, #tpu.memory_space<hbm>>
        %dma_wait3A_114 = tpu.memref_slice %arg17[%rem3A_89] : memref<7x!tpu.dma_semaphore, #tpu.memory_space<semaphore_mem>> -> memref<1x!tpu.dma_semaphore, #tpu.memory_space<semaphore_mem>>
        %dma_wait3A_115 = tpu.memref_squeeze %dma_wait3A_114 : memref<1x!tpu.dma_semaphore, #tpu.memory_space<semaphore_mem>> -> memref<!tpu.dma_semaphore, #tpu.memory_space<semaphore_mem>>
        tpu.wait_indirect_dma semaphore(%dma_wait3A_115 : memref<!tpu.dma_semaphore, #tpu.memory_space<semaphore_mem>>) src(%dma_wait3A_113 : memref<50000x128xf32, #tpu.memory_space<hbm>>) dst(%dma_wait3A_109 : memref<128x128xf32, #tpu.memory_space<vmem>>)
        %mul3A_116 = arith.constant 128 : i32
        %mul3A_117 = arith.muli %rem3A_89, %mul3A_116 : i32
        %add3A_118 = arith.constant 128 : i32
        %add3A_119 = arith.addi %mul3A_117, %add3A_118 : i32
        %parallel_loop3A = arith.constant 1 : i32
        scf.for %parallel_loop3A_134 = %mul3A_117 to %add3A_119 step %parallel_loop3A  : i32 {
          %parallel_loop3A_135 = arith.index_cast %parallel_loop3A_134 : i32 to index
          %parallel_loop3A_136 = arith.constant 0 : index
          %parallel_loop3A_137 = tpu.vector_load %arg11[%parallel_loop3A_135, %parallel_loop3A_136] {strides = array<i32>} : memref<896x128xf32, #tpu.memory_space<vmem>>, vector<1x16xf32>,
          %parallel_loop3A_138 = vector.shape_cast %parallel_loop3A_137 : vector<1x16xf32> to vector<16xf32>
          %parallel_loop3A_139 = vector.broadcast %while3A_37 : f32 to vector<16xf32>
          %parallel_loop3A_140 = arith.mulf %parallel_loop3A_138, %parallel_loop3A_139 : vector<16xf32>
          %parallel_loop3A_141 = arith.index_cast %parallel_loop3A_134 : i32 to index
          %parallel_loop3A_142 = arith.constant 0 : index
          %parallel_loop3A_143 = tpu.vector_load %arg11[%parallel_loop3A_141, %parallel_loop3A_142] {strides = array<i32>} : memref<896x128xf32, #tpu.memory_space<vmem>>, vector<1x16xf32>,
          %parallel_loop3A_144 = vector.shape_cast %parallel_loop3A_143 : vector<1x16xf32> to vector<16xf32>
          %parallel_loop3A_145 = vector.shape_cast %parallel_loop3A_140 : vector<16xf32> to vector<1x16xf32>
          tpu.vector_store %arg11[%parallel_loop3A_141, %parallel_loop3A_142], %parallel_loop3A_145 {strides = array<i32>} : memref<896x128xf32, #tpu.memory_space<vmem>>, vector<1x16xf32>,
          %parallel_loop3A_146 = arith.index_cast %parallel_loop3A_134 : i32 to index
          %parallel_loop3A_147 = arith.constant 16 : index
          %parallel_loop3A_148 = tpu.vector_load %arg11[%parallel_loop3A_146, %parallel_loop3A_147] {strides = array<i32>} : memref<896x128xf32, #tpu.memory_space<vmem>>, vector<1x16xf32>,
          %parallel_loop3A_149 = vector.shape_cast %parallel_loop3A_148 : vector<1x16xf32> to vector<16xf32>
          %parallel_loop3A_150 = vector.broadcast %while3A_37 : f32 to vector<16xf32>
          %parallel_loop3A_151 = arith.mulf %parallel_loop3A_149, %parallel_loop3A_150 : vector<16xf32>
          %parallel_loop3A_152 = arith.index_cast %parallel_loop3A_134 : i32 to index
          %parallel_loop3A_153 = arith.constant 16 : index
          %parallel_loop3A_154 = tpu.vector_load %arg11[%parallel_loop3A_152, %parallel_loop3A_153] {strides = array<i32>} : memref<896x128xf32, #tpu.memory_space<vmem>>, vector<1x16xf32>,
          %parallel_loop3A_155 = vector.shape_cast %parallel_loop3A_154 : vector<1x16xf32> to vector<16xf32>
          %parallel_loop3A_156 = vector.shape_cast %parallel_loop3A_151 : vector<16xf32> to vector<1x16xf32>
          tpu.vector_store %arg11[%parallel_loop3A_152, %parallel_loop3A_153], %parallel_loop3A_156 {strides = array<i32>} : memref<896x128xf32, #tpu.memory_space<vmem>>, vector<1x16xf32>,
          %parallel_loop3A_157 = arith.index_cast %parallel_loop3A_134 : i32 to index
          %parallel_loop3A_158 = arith.constant 32 : index
          %parallel_loop3A_159 = tpu.vector_load %arg11[%parallel_loop3A_157, %parallel_loop3A_158] {strides = array<i32>} : memref<896x128xf32, #tpu.memory_space<vmem>>, vector<1x16xf32>,
          %parallel_loop3A_160 = vector.shape_cast %parallel_loop3A_159 : vector<1x16xf32> to vector<16xf32>
          %parallel_loop3A_161 = vector.broadcast %while3A_37 : f32 to vector<16xf32>
          %parallel_loop3A_162 = arith.mulf %parallel_loop3A_160, %parallel_loop3A_161 : vector<16xf32>
          %parallel_loop3A_163 = arith.index_cast %parallel_loop3A_134 : i32 to index
          %parallel_loop3A_164 = arith.constant 32 : index
          %parallel_loop3A_165 = tpu.vector_load %arg11[%parallel_loop3A_163, %parallel_loop3A_164] {strides = array<i32>} : memref<896x128xf32, #tpu.memory_space<vmem>>, vector<1x16xf32>,
          %parallel_loop3A_166 = vector.shape_cast %parallel_loop3A_165 : vector<1x16xf32> to vector<16xf32>
          %parallel_loop3A_167 = vector.shape_cast %parallel_loop3A_162 : vector<16xf32> to vector<1x16xf32>
          tpu.vector_store %arg11[%parallel_loop3A_163, %parallel_loop3A_164], %parallel_loop3A_167 {strides = array<i32>} : memref<896x128xf32, #tpu.memory_space<vmem>>, vector<1x16xf32>,
          %parallel_loop3A_168 = arith.index_cast %parallel_loop3A_134 : i32 to index
          %parallel_loop3A_169 = arith.constant 48 : index
          %parallel_loop3A_170 = tpu.vector_load %arg11[%parallel_loop3A_168, %parallel_loop3A_169] {strides = array<i32>} : memref<896x128xf32, #tpu.memory_space<vmem>>, vector<1x16xf32>,
          %parallel_loop3A_171 = vector.shape_cast %parallel_loop3A_170 : vector<1x16xf32> to vector<16xf32>
          %parallel_loop3A_172 = vector.broadcast %while3A_37 : f32 to vector<16xf32>
          %parallel_loop3A_173 = arith.mulf %parallel_loop3A_171, %parallel_loop3A_172 : vector<16xf32>
          %parallel_loop3A_174 = arith.index_cast %parallel_loop3A_134 : i32 to index
          %parallel_loop3A_175 = arith.constant 48 : index
          %parallel_loop3A_176 = tpu.vector_load %arg11[%parallel_loop3A_174, %parallel_loop3A_175] {strides = array<i32>} : memref<896x128xf32, #tpu.memory_space<vmem>>, vector<1x16xf32>,
          %parallel_loop3A_177 = vector.shape_cast %parallel_loop3A_176 : vector<1x16xf32> to vector<16xf32>
          %parallel_loop3A_178 = vector.shape_cast %parallel_loop3A_173 : vector<16xf32> to vector<1x16xf32>
          tpu.vector_store %arg11[%parallel_loop3A_174, %parallel_loop3A_175], %parallel_loop3A_178 {strides = array<i32>} : memref<896x128xf32, #tpu.memory_space<vmem>>, vector<1x16xf32>,
          %parallel_loop3A_179 = arith.index_cast %parallel_loop3A_134 : i32 to index
          %parallel_loop3A_180 = arith.constant 64 : index
          %parallel_loop3A_181 = tpu.vector_load %arg11[%parallel_loop3A_179, %parallel_loop3A_180] {strides = array<i32>} : memref<896x128xf32, #tpu.memory_space<vmem>>, vector<1x16xf32>,
          %parallel_loop3A_182 = vector.shape_cast %parallel_loop3A_181 : vector<1x16xf32> to vector<16xf32>
          %parallel_loop3A_183 = vector.broadcast %while3A_37 : f32 to vector<16xf32>
          %parallel_loop3A_184 = arith.mulf %parallel_loop3A_182, %parallel_loop3A_183 : vector<16xf32>
          %parallel_loop3A_185 = arith.index_cast %parallel_loop3A_134 : i32 to index
          %parallel_loop3A_186 = arith.constant 64 : index
          %parallel_loop3A_187 = tpu.vector_load %arg11[%parallel_loop3A_185, %parallel_loop3A_186] {strides = array<i32>} : memref<896x128xf32, #tpu.memory_space<vmem>>, vector<1x16xf32>,
          %parallel_loop3A_188 = vector.shape_cast %parallel_loop3A_187 : vector<1x16xf32> to vector<16xf32>
          %parallel_loop3A_189 = vector.shape_cast %parallel_loop3A_184 : vector<16xf32> to vector<1x16xf32>
          tpu.vector_store %arg11[%parallel_loop3A_185, %parallel_loop3A_186], %parallel_loop3A_189 {strides = array<i32>} : memref<896x128xf32, #tpu.memory_space<vmem>>, vector<1x16xf32>,
          %parallel_loop3A_190 = arith.index_cast %parallel_loop3A_134 : i32 to index
          %parallel_loop3A_191 = arith.constant 80 : index
          %parallel_loop3A_192 = tpu.vector_load %arg11[%parallel_loop3A_190, %parallel_loop3A_191] {strides = array<i32>} : memref<896x128xf32, #tpu.memory_space<vmem>>, vector<1x16xf32>,
          %parallel_loop3A_193 = vector.shape_cast %parallel_loop3A_192 : vector<1x16xf32> to vector<16xf32>
          %parallel_loop3A_194 = vector.broadcast %while3A_37 : f32 to vector<16xf32>
          %parallel_loop3A_195 = arith.mulf %parallel_loop3A_193, %parallel_loop3A_194 : vector<16xf32>
          %parallel_loop3A_196 = arith.index_cast %parallel_loop3A_134 : i32 to index
          %parallel_loop3A_197 = arith.constant 80 : index
          %parallel_loop3A_198 = tpu.vector_load %arg11[%parallel_loop3A_196, %parallel_loop3A_197] {strides = array<i32>} : memref<896x128xf32, #tpu.memory_space<vmem>>, vector<1x16xf32>,
          %parallel_loop3A_199 = vector.shape_cast %parallel_loop3A_198 : vector<1x16xf32> to vector<16xf32>
          %parallel_loop3A_200 = vector.shape_cast %parallel_loop3A_195 : vector<16xf32> to vector<1x16xf32>
          tpu.vector_store %arg11[%parallel_loop3A_196, %parallel_loop3A_197], %parallel_loop3A_200 {strides = array<i32>} : memref<896x128xf32, #tpu.memory_space<vmem>>, vector<1x16xf32>,
          %parallel_loop3A_201 = arith.index_cast %parallel_loop3A_134 : i32 to index
          %parallel_loop3A_202 = arith.constant 96 : index
          %parallel_loop3A_203 = tpu.vector_load %arg11[%parallel_loop3A_201, %parallel_loop3A_202] {strides = array<i32>} : memref<896x128xf32, #tpu.memory_space<vmem>>, vector<1x16xf32>,
          %parallel_loop3A_204 = vector.shape_cast %parallel_loop3A_203 : vector<1x16xf32> to vector<16xf32>
          %parallel_loop3A_205 = vector.broadcast %while3A_37 : f32 to vector<16xf32>
          %parallel_loop3A_206 = arith.mulf %parallel_loop3A_204, %parallel_loop3A_205 : vector<16xf32>
          %parallel_loop3A_207 = arith.index_cast %parallel_loop3A_134 : i32 to index
          %parallel_loop3A_208 = arith.constant 96 : index
          %parallel_loop3A_209 = tpu.vector_load %arg11[%parallel_loop3A_207, %parallel_loop3A_208] {strides = array<i32>} : memref<896x128xf32, #tpu.memory_space<vmem>>, vector<1x16xf32>,
          %parallel_loop3A_210 = vector.shape_cast %parallel_loop3A_209 : vector<1x16xf32> to vector<16xf32>
          %parallel_loop3A_211 = vector.shape_cast %parallel_loop3A_206 : vector<16xf32> to vector<1x16xf32>
          tpu.vector_store %arg11[%parallel_loop3A_207, %parallel_loop3A_208], %parallel_loop3A_211 {strides = array<i32>} : memref<896x128xf32, #tpu.memory_space<vmem>>, vector<1x16xf32>,
          %parallel_loop3A_212 = arith.index_cast %parallel_loop3A_134 : i32 to index
          %parallel_loop3A_213 = arith.constant 112 : index
          %parallel_loop3A_214 = tpu.vector_load %arg11[%parallel_loop3A_212, %parallel_loop3A_213] {strides = array<i32>} : memref<896x128xf32, #tpu.memory_space<vmem>>, vector<1x16xf32>,
          %parallel_loop3A_215 = vector.shape_cast %parallel_loop3A_214 : vector<1x16xf32> to vector<16xf32>
          %parallel_loop3A_216 = vector.broadcast %while3A_37 : f32 to vector<16xf32>
          %parallel_loop3A_217 = arith.mulf %parallel_loop3A_215, %parallel_loop3A_216 : vector<16xf32>
          %parallel_loop3A_218 = arith.index_cast %parallel_loop3A_134 : i32 to index
          %parallel_loop3A_219 = arith.constant 112 : index
          %parallel_loop3A_220 = tpu.vector_load %arg11[%parallel_loop3A_218, %parallel_loop3A_219] {strides = array<i32>} : memref<896x128xf32, #tpu.memory_space<vmem>>, vector<1x16xf32>,
          %parallel_loop3A_221 = vector.shape_cast %parallel_loop3A_220 : vector<1x16xf32> to vector<16xf32>
          %parallel_loop3A_222 = vector.shape_cast %parallel_loop3A_217 : vector<16xf32> to vector<1x16xf32>
          tpu.vector_store %arg11[%parallel_loop3A_218, %parallel_loop3A_219], %parallel_loop3A_222 {strides = array<i32>} : memref<896x128xf32, #tpu.memory_space<vmem>>, vector<1x16xf32>,
        } {sc.loop_unroll_factor = 1 : i64, sc.parallel_access}
        %mul3A_120 = arith.constant 128 : i32
        %mul3A_121 = arith.muli %sub3A_87, %mul3A_120 : i32
        %mul3A_122 = arith.constant 128 : i32
        %mul3A_123 = arith.muli %rem3A_89, %mul3A_122 : i32
        %add3A_124 = arith.addi %mul3A_26, %mul3A_121 : i32
        %dma_start3A = arith.constant 0 : i32
        %dma_start3A_125 = tpu.memref_slice %arg11[%mul3A_123, %dma_start3A] : memref<896x128xf32, #tpu.memory_space<vmem>> -> memref<128x128xf32, #tpu.memory_space<vmem>>
        %dma_start3A_126 = arith.constant 0 : i32
        %dma_start3A_127 = tpu.memref_slice %arg6[%add3A_124, %dma_start3A_126] : memref<32768x128xf32, #tpu.memory_space<hbm>> -> memref<128x128xf32, #tpu.memory_space<hbm>>
        %dma_start3A_128 = tpu.memref_slice %arg18[%rem3A_89] : memref<7x!tpu.dma_semaphore, #tpu.memory_space<semaphore_mem>> -> memref<1x!tpu.dma_semaphore, #tpu.memory_space<semaphore_mem>>
        %dma_start3A_129 = tpu.memref_squeeze %dma_start3A_128 : memref<1x!tpu.dma_semaphore, #tpu.memory_space<semaphore_mem>> -> memref<!tpu.dma_semaphore, #tpu.memory_space<semaphore_mem>>
        %dma_start3A_130 = arith.constant 0 : i32
        %dma_start3A_131 = tpu.memref_slice %arg6[%add3A_124, %dma_start3A_130] : memref<32768x128xf32, #tpu.memory_space<hbm>> -> memref<128x128xf32, #tpu.memory_space<hbm>>
        %dma_start3A_132 = arith.constant 0 : i32
        %dma_start3A_133 = tpu.memref_slice %arg11[%mul3A_123, %dma_start3A_132] : memref<896x128xf32, #tpu.memory_space<vmem>> -> memref<128x128xf32, #tpu.memory_space<vmem>>
        tpu.enqueue_dma source(%dma_start3A_133 : memref<128x128xf32, #tpu.memory_space<vmem>>) target(%dma_start3A_131 : memref<128x128xf32, #tpu.memory_space<hbm>>) target_semaphore(%dma_start3A_129 : memref<!tpu.dma_semaphore, #tpu.memory_space<semaphore_mem>>)
      } else {
      }
      %lt3A = arith.constant 8 : i32
      %lt3A_82 = arith.cmpi slt, %add3A_77, %lt3A : i32
      %convert_element_type3A_83 = arith.extui %lt3A_82 : i1 to i32
      %cond3A_84 = arith.constant 0 : i32
      %cond3A_85 = arith.cmpi ne, %convert_element_type3A_83, %cond3A_84 : i32
      scf.if %cond3A_85 {
        %rem3A_86 = arith.constant 7 : i32
        %rem3A_87 = arith.remsi %add3A_77, %rem3A_86 : i32
        %ge3A_88 = arith.constant 7 : i32
        %ge3A_89 = arith.cmpi sge, %add3A_77, %ge3A_88 : i32
        %convert_element_type3A_90 = arith.extui %ge3A_89 : i1 to i32
        %cond3A_91 = arith.constant 0 : i32
        %cond3A_92 = arith.cmpi ne, %convert_element_type3A_90, %cond3A_91 : i32
        scf.if %cond3A_92 {
          %sub3A_152 = arith.constant 7 : i32
          %sub3A_153 = arith.subi %add3A_77, %sub3A_152 : i32
          %mul3A_154 = arith.constant 128 : i32
          %mul3A_155 = arith.muli %sub3A_153, %mul3A_154 : i32
          %mul3A_156 = arith.constant 128 : i32
          %mul3A_157 = arith.muli %rem3A_87, %mul3A_156 : i32
          %add3A_158 = arith.addi %mul3A_26, %mul3A_155 : i32
          %dma_wait3A_159 = arith.constant 0 : i32
          %dma_wait3A_160 = tpu.memref_slice %arg11[%mul3A_157, %dma_wait3A_159] : memref<896x128xf32, #tpu.memory_space<vmem>> -> memref<128x128xf32, #tpu.memory_space<vmem>>
          %dma_wait3A_161 = arith.constant 0 : i32
          %dma_wait3A_162 = tpu.memref_slice %arg6[%add3A_158, %dma_wait3A_161] : memref<32768x128xf32, #tpu.memory_space<hbm>> -> memref<128x128xf32, #tpu.memory_space<hbm>>
          %dma_wait3A_163 = tpu.memref_slice %arg18[%rem3A_87] : memref<7x!tpu.dma_semaphore, #tpu.memory_space<semaphore_mem>> -> memref<1x!tpu.dma_semaphore, #tpu.memory_space<semaphore_mem>>
          %dma_wait3A_164 = tpu.memref_squeeze %dma_wait3A_163 : memref<1x!tpu.dma_semaphore, #tpu.memory_space<semaphore_mem>> -> memref<!tpu.dma_semaphore, #tpu.memory_space<semaphore_mem>>
          %dma_wait3A_165 = arith.constant 0 : i32
          %dma_wait3A_166 = tpu.memref_slice %arg6[%add3A_158, %dma_wait3A_165] : memref<32768x128xf32, #tpu.memory_space<hbm>> -> memref<128x128xf32, #tpu.memory_space<hbm>>
          %dma_wait3A_167 = arith.constant 0 : i32
          %dma_wait3A_168 = tpu.memref_slice %arg11[%mul3A_157, %dma_wait3A_167] : memref<896x128xf32, #tpu.memory_space<vmem>> -> memref<128x128xf32, #tpu.memory_space<vmem>>
          tpu.wait_dma2 semaphore(%dma_wait3A_164 : memref<!tpu.dma_semaphore, #tpu.memory_space<semaphore_mem>>) src(%dma_wait3A_168 : memref<128x128xf32, #tpu.memory_space<vmem>>) dst(%dma_wait3A_166 : memref<128x128xf32, #tpu.memory_space<hbm>>)
        } else {
        }
        %mul3A_93 = arith.constant 128 : i32
        %mul3A_94 = arith.muli %rem3A_87, %mul3A_93 : i32
        %broadcast_in_dim3A = arith.constant 0.000000e+00 : f32
        %broadcast_in_dim3A_95 = vector.broadcast %broadcast_in_dim3A : f32 to vector<16xf32>
        %add3A_96 = arith.constant 128 : i32
        %add3A_97 = arith.addi %mul3A_94, %add3A_96 : i32
        %parallel_loop3A = arith.constant 1 : i32
        scf.for %parallel_loop3A_152 = %mul3A_94 to %add3A_97 step %parallel_loop3A  : i32 {
          %parallel_loop3A_153 = arith.index_cast %parallel_loop3A_152 : i32 to index
          %parallel_loop3A_154 = arith.constant 0 : index
          %parallel_loop3A_155 = tpu.vector_load %arg11[%parallel_loop3A_153, %parallel_loop3A_154] {strides = array<i32>} : memref<896x128xf32, #tpu.memory_space<vmem>>, vector<1x16xf32>,
          %parallel_loop3A_156 = vector.shape_cast %parallel_loop3A_155 : vector<1x16xf32> to vector<16xf32>
          %parallel_loop3A_157 = vector.shape_cast %broadcast_in_dim3A_95 : vector<16xf32> to vector<1x16xf32>
          tpu.vector_store %arg11[%parallel_loop3A_153, %parallel_loop3A_154], %parallel_loop3A_157 {strides = array<i32>} : memref<896x128xf32, #tpu.memory_space<vmem>>, vector<1x16xf32>,
          %parallel_loop3A_158 = arith.index_cast %parallel_loop3A_152 : i32 to index
          %parallel_loop3A_159 = arith.constant 16 : index
          %parallel_loop3A_160 = tpu.vector_load %arg11[%parallel_loop3A_158, %parallel_loop3A_159] {strides = array<i32>} : memref<896x128xf32, #tpu.memory_space<vmem>>, vector<1x16xf32>,
          %parallel_loop3A_161 = vector.shape_cast %parallel_loop3A_160 : vector<1x16xf32> to vector<16xf32>
          %parallel_loop3A_162 = vector.shape_cast %broadcast_in_dim3A_95 : vector<16xf32> to vector<1x16xf32>
          tpu.vector_store %arg11[%parallel_loop3A_158, %parallel_loop3A_159], %parallel_loop3A_162 {strides = array<i32>} : memref<896x128xf32, #tpu.memory_space<vmem>>, vector<1x16xf32>,
          %parallel_loop3A_163 = arith.index_cast %parallel_loop3A_152 : i32 to index
          %parallel_loop3A_164 = arith.constant 32 : index
          %parallel_loop3A_165 = tpu.vector_load %arg11[%parallel_loop3A_163, %parallel_loop3A_164] {strides = array<i32>} : memref<896x128xf32, #tpu.memory_space<vmem>>, vector<1x16xf32>,
          %parallel_loop3A_166 = vector.shape_cast %parallel_loop3A_165 : vector<1x16xf32> to vector<16xf32>
          %parallel_loop3A_167 = vector.shape_cast %broadcast_in_dim3A_95 : vector<16xf32> to vector<1x16xf32>
          tpu.vector_store %arg11[%parallel_loop3A_163, %parallel_loop3A_164], %parallel_loop3A_167 {strides = array<i32>} : memref<896x128xf32, #tpu.memory_space<vmem>>, vector<1x16xf32>,
          %parallel_loop3A_168 = arith.index_cast %parallel_loop3A_152 : i32 to index
          %parallel_loop3A_169 = arith.constant 48 : index
          %parallel_loop3A_170 = tpu.vector_load %arg11[%parallel_loop3A_168, %parallel_loop3A_169] {strides = array<i32>} : memref<896x128xf32, #tpu.memory_space<vmem>>, vector<1x16xf32>,
          %parallel_loop3A_171 = vector.shape_cast %parallel_loop3A_170 : vector<1x16xf32> to vector<16xf32>
          %parallel_loop3A_172 = vector.shape_cast %broadcast_in_dim3A_95 : vector<16xf32> to vector<1x16xf32>
          tpu.vector_store %arg11[%parallel_loop3A_168, %parallel_loop3A_169], %parallel_loop3A_172 {strides = array<i32>} : memref<896x128xf32, #tpu.memory_space<vmem>>, vector<1x16xf32>,
          %parallel_loop3A_173 = arith.index_cast %parallel_loop3A_152 : i32 to index
          %parallel_loop3A_174 = arith.constant 64 : index
          %parallel_loop3A_175 = tpu.vector_load %arg11[%parallel_loop3A_173, %parallel_loop3A_174] {strides = array<i32>} : memref<896x128xf32, #tpu.memory_space<vmem>>, vector<1x16xf32>,
          %parallel_loop3A_176 = vector.shape_cast %parallel_loop3A_175 : vector<1x16xf32> to vector<16xf32>
          %parallel_loop3A_177 = vector.shape_cast %broadcast_in_dim3A_95 : vector<16xf32> to vector<1x16xf32>
          tpu.vector_store %arg11[%parallel_loop3A_173, %parallel_loop3A_174], %parallel_loop3A_177 {strides = array<i32>} : memref<896x128xf32, #tpu.memory_space<vmem>>, vector<1x16xf32>,
          %parallel_loop3A_178 = arith.index_cast %parallel_loop3A_152 : i32 to index
          %parallel_loop3A_179 = arith.constant 80 : index
          %parallel_loop3A_180 = tpu.vector_load %arg11[%parallel_loop3A_178, %parallel_loop3A_179] {strides = array<i32>} : memref<896x128xf32, #tpu.memory_space<vmem>>, vector<1x16xf32>,
          %parallel_loop3A_181 = vector.shape_cast %parallel_loop3A_180 : vector<1x16xf32> to vector<16xf32>
          %parallel_loop3A_182 = vector.shape_cast %broadcast_in_dim3A_95 : vector<16xf32> to vector<1x16xf32>
          tpu.vector_store %arg11[%parallel_loop3A_178, %parallel_loop3A_179], %parallel_loop3A_182 {strides = array<i32>} : memref<896x128xf32, #tpu.memory_space<vmem>>, vector<1x16xf32>,
          %parallel_loop3A_183 = arith.index_cast %parallel_loop3A_152 : i32 to index
          %parallel_loop3A_184 = arith.constant 96 : index
          %parallel_loop3A_185 = tpu.vector_load %arg11[%parallel_loop3A_183, %parallel_loop3A_184] {strides = array<i32>} : memref<896x128xf32, #tpu.memory_space<vmem>>, vector<1x16xf32>,
          %parallel_loop3A_186 = vector.shape_cast %parallel_loop3A_185 : vector<1x16xf32> to vector<16xf32>
          %parallel_loop3A_187 = vector.shape_cast %broadcast_in_dim3A_95 : vector<16xf32> to vector<1x16xf32>
          tpu.vector_store %arg11[%parallel_loop3A_183, %parallel_loop3A_184], %parallel_loop3A_187 {strides = array<i32>} : memref<896x128xf32, #tpu.memory_space<vmem>>, vector<1x16xf32>,
          %parallel_loop3A_188 = arith.index_cast %parallel_loop3A_152 : i32 to index
          %parallel_loop3A_189 = arith.constant 112 : index
          %parallel_loop3A_190 = tpu.vector_load %arg11[%parallel_loop3A_188, %parallel_loop3A_189] {strides = array<i32>} : memref<896x128xf32, #tpu.memory_space<vmem>>, vector<1x16xf32>,
          %parallel_loop3A_191 = vector.shape_cast %parallel_loop3A_190 : vector<1x16xf32> to vector<16xf32>
          %parallel_loop3A_192 = vector.shape_cast %broadcast_in_dim3A_95 : vector<16xf32> to vector<1x16xf32>
          tpu.vector_store %arg11[%parallel_loop3A_188, %parallel_loop3A_189], %parallel_loop3A_192 {strides = array<i32>} : memref<896x128xf32, #tpu.memory_space<vmem>>, vector<1x16xf32>,
        } {sc.loop_unroll_factor = 1 : i64, sc.parallel_access}
        %mul3A_98 = arith.constant 128 : i32
        %mul3A_99 = arith.muli %add3A_77, %mul3A_98 : i32
        %mul3A_100 = arith.constant 128 : i32
        %mul3A_101 = arith.muli %rem3A_87, %mul3A_100 : i32
        %sub3A_102 = arith.constant 128 : i32
        %sub3A_103 = arith.constant 0 : i32
        %sub3A_104 = arith.subi %sub3A_102, %sub3A_103 : i32
        %sub3A_105 = arith.constant 16 : i32
        %sub3A_106 = arith.constant 1 : i32
        %sub3A_107 = arith.subi %sub3A_105, %sub3A_106 : i32
        %add3A_108 = arith.addi %sub3A_104, %sub3A_107 : i32
        %div3A_109 = arith.constant 16 : i32
        %div3A_110 = arith.divsi %add3A_108, %div3A_109 : i32
        %while3A_111 = arith.constant 16 : i32
        %while3A_112 = arith.constant 0 : i32
        %while3A_113 = arith.constant 0 : i32
        %while3A_114 = arith.subi %div3A_110, %while3A_113 : i32
        %while3A_115 = arith.addi %while3A_113, %while3A_114 : i32
        %while3A_116 = arith.constant 1 : i32
        %while3A_117 = arith.divsi %while3A_114, %while3A_116 : i32
        %while3A_118 = arith.muli %while3A_117, %while3A_116 : i32
        %while3A_119 = arith.addi %while3A_113, %while3A_118 : i32
        %while3A_120 = arith.constant 1 : i32
        scf.for %while3A_152 = %while3A_113 to %while3A_119 step %while3A_120  : i32 {
          %mul3A_153 = arith.muli %while3A_152, %while3A_111 : i32
          %add3A_154 = arith.addi %while3A_112, %mul3A_153 : i32
          %add3A_155 = arith.addi %mul3A_99, %add3A_154 : i32
          %add3A_156 = arith.constant 4 : i32
          %add3A_157 = arith.addi %add3A_155, %add3A_156 : i32
          %get3A = arith.index_cast %add3A_157 : i32 to index
          %get3A_158 = tpu.vector_load %arg7[%get3A] {strides = array<i32>} : memref<1032xi32, #tpu.memory_space<vmem>>, vector<16xi32>,
          %get3A_159 = vector.shape_cast %get3A_158 : vector<16xi32> to vector<16xi32>
          %add3A_160 = arith.constant 3 : i32
          %add3A_161 = arith.addi %add3A_155, %add3A_160 : i32
          %get3A_162 = arith.index_cast %add3A_161 : i32 to index
          %get3A_163 = tpu.vector_load %arg7[%get3A_162] {strides = array<i32>} : memref<1032xi32, #tpu.memory_space<vmem>>, vector<16xi32>,
          %get3A_164 = vector.shape_cast %get3A_163 : vector<16xi32> to vector<16xi32>
          %add3A_165 = arith.constant 2 : i32
          %add3A_166 = arith.addi %add3A_155, %add3A_165 : i32
          %get3A_167 = arith.index_cast %add3A_166 : i32 to index
          %get3A_168 = tpu.vector_load %arg7[%get3A_167] {strides = array<i32>} : memref<1032xi32, #tpu.memory_space<vmem>>, vector<16xi32>,
          %get3A_169 = vector.shape_cast %get3A_168 : vector<16xi32> to vector<16xi32>
          %add3A_170 = arith.constant 1 : i32
          %add3A_171 = arith.addi %add3A_155, %add3A_170 : i32
          %get3A_172 = arith.index_cast %add3A_171 : i32 to index
          %get3A_173 = tpu.vector_load %arg7[%get3A_172] {strides = array<i32>} : memref<1032xi32, #tpu.memory_space<vmem>>, vector<16xi32>,
          %get3A_174 = vector.shape_cast %get3A_173 : vector<16xi32> to vector<16xi32>
          %get3A_175 = arith.index_cast %add3A_155 : i32 to index
          %get3A_176 = tpu.vector_load %arg7[%get3A_175] {strides = array<i32>} : memref<1032xi32, #tpu.memory_space<vmem>>, vector<16xi32>,
          %get3A_177 = vector.shape_cast %get3A_176 : vector<16xi32> to vector<16xi32>
          %mul3A_178 = arith.constant 66049 : i32
          %mul3A_179 = vector.broadcast %mul3A_178 : i32 to vector<16xi32>
          %mul3A_180 = arith.muli %get3A_169, %mul3A_179 : vector<16xi32>
          %mul3A_181 = arith.constant 257 : i32
          %mul3A_182 = vector.broadcast %mul3A_181 : i32 to vector<16xi32>
          %mul3A_183 = arith.muli %get3A_164, %mul3A_182 : vector<16xi32>
          %add3A_184 = arith.addi %mul3A_180, %mul3A_183 : vector<16xi32>
          %add3A_185 = arith.addi %add3A_184, %get3A_159 : vector<16xi32>
          %mul3A_186 = arith.constant 16974593 : i32
          %mul3A_187 = vector.broadcast %mul3A_186 : i32 to vector<16xi32>
          %mul3A_188 = arith.muli %get3A_174, %mul3A_187 : vector<16xi32>
          %add3A_189 = arith.addi %add3A_185, %mul3A_188 : vector<16xi32>
          %mul3A_190 = arith.constant 67503105 : i32
          %mul3A_191 = vector.broadcast %mul3A_190 : i32 to vector<16xi32>
          %mul3A_192 = arith.muli %get3A_177, %mul3A_191 : vector<16xi32>
          %add3A_193 = arith.addi %add3A_189, %mul3A_192 : vector<16xi32>
          %add3A_194 = arith.addi %mul3A_101, %add3A_154 : i32
          %rem3A_195 = arith.constant 50000 : i32
          %rem3A_196 = vector.broadcast %rem3A_195 : i32 to vector<16xi32>
          %rem3A_197 = arith.remsi %add3A_185, %rem3A_196 : vector<16xi32>
          %lt3A_198 = arith.constant 0 : i32
          %lt3A_199 = vector.broadcast %lt3A_198 : i32 to vector<16xi32>
          %lt3A_200 = arith.cmpi slt, %rem3A_197, %lt3A_199 : vector<16xi32>
          %jit3A_201 = arith.constant 50000 : i32
          %jit3A_202 = arith.constant 0 : i32
          %broadcast_in_dim3A_203 = vector.broadcast %jit3A_201 : i32 to vector<16xi32>
          %broadcast_in_dim3A_204 = vector.broadcast %jit3A_202 : i32 to vector<16xi32>
          %select_n3A_205 = arith.select %lt3A_200, %broadcast_in_dim3A_203, %broadcast_in_dim3A_204 : vector<16xi1>, vector<16xi32>
          %add3A_206 = arith.addi %rem3A_197, %select_n3A_205 : vector<16xi32>
          %lt3A_207 = arith.constant 0 : i32
          %lt3A_208 = vector.broadcast %lt3A_207 : i32 to vector<16xi32>
          %lt3A_209 = arith.cmpi slt, %add3A_185, %lt3A_208 : vector<16xi32>
          %jit3A_210 = arith.constant 17296 : i32
          %jit3A_211 = arith.constant 0 : i32
          %broadcast_in_dim3A_212 = vector.broadcast %jit3A_210 : i32 to vector<16xi32>
          %broadcast_in_dim3A_213 = vector.broadcast %jit3A_211 : i32 to vector<16xi32>
          %select_n3A_214 = arith.select %lt3A_209, %broadcast_in_dim3A_212, %broadcast_in_dim3A_213 : vector<16xi1>, vector<16xi32>
          %add3A_215 = arith.addi %add3A_206, %select_n3A_214 : vector<16xi32>
          %ge3A_216 = arith.constant 50000 : i32
          %ge3A_217 = vector.broadcast %ge3A_216 : i32 to vector<16xi32>
          %ge3A_218 = arith.cmpi sge, %add3A_215, %ge3A_217 : vector<16xi32>
          %jit3A_219 = arith.constant 50000 : i32
          %jit3A_220 = arith.constant 0 : i32
          %broadcast_in_dim3A_221 = vector.broadcast %jit3A_219 : i32 to vector<16xi32>
          %broadcast_in_dim3A_222 = vector.broadcast %jit3A_220 : i32 to vector<16xi32>
          %select_n3A_223 = arith.select %ge3A_218, %broadcast_in_dim3A_221, %broadcast_in_dim3A_222 : vector<16xi1>, vector<16xi32>
          %sub3A_224 = arith.subi %add3A_215, %select_n3A_223 : vector<16xi32>
          %swap3A = arith.index_cast %add3A_194 : i32 to index
          %swap3A_225 = tpu.vector_load %arg8[%swap3A] {strides = array<i32>} : memref<896xi32, #tpu.memory_space<vmem>>, vector<16xi32>,
          %swap3A_226 = vector.shape_cast %swap3A_225 : vector<16xi32> to vector<16xi32>
          %swap3A_227 = vector.shape_cast %sub3A_224 : vector<16xi32> to vector<16xi32>
          tpu.vector_store %arg8[%swap3A], %swap3A_227 {strides = array<i32>} : memref<896xi32, #tpu.memory_space<vmem>>, vector<16xi32>,
          %rem3A_228 = arith.constant 50000 : i32
          %rem3A_229 = vector.broadcast %rem3A_228 : i32 to vector<16xi32>
          %rem3A_230 = arith.remsi %add3A_189, %rem3A_229 : vector<16xi32>
          %lt3A_231 = arith.constant 0 : i32
          %lt3A_232 = vector.broadcast %lt3A_231 : i32 to vector<16xi32>
          %lt3A_233 = arith.cmpi slt, %rem3A_230, %lt3A_232 : vector<16xi32>
          %jit3A_234 = arith.constant 50000 : i32
          %jit3A_235 = arith.constant 0 : i32
          %broadcast_in_dim3A_236 = vector.broadcast %jit3A_234 : i32 to vector<16xi32>
          %broadcast_in_dim3A_237 = vector.broadcast %jit3A_235 : i32 to vector<16xi32>
          %select_n3A_238 = arith.select %lt3A_233, %broadcast_in_dim3A_236, %broadcast_in_dim3A_237 : vector<16xi1>, vector<16xi32>
          %add3A_239 = arith.addi %rem3A_230, %select_n3A_238 : vector<16xi32>
          %lt3A_240 = arith.constant 0 : i32
          %lt3A_241 = vector.broadcast %lt3A_240 : i32 to vector<16xi32>
          %lt3A_242 = arith.cmpi slt, %add3A_189, %lt3A_241 : vector<16xi32>
          %jit3A_243 = arith.constant 17296 : i32
          %jit3A_244 = arith.constant 0 : i32
          %broadcast_in_dim3A_245 = vector.broadcast %jit3A_243 : i32 to vector<16xi32>
          %broadcast_in_dim3A_246 = vector.broadcast %jit3A_244 : i32 to vector<16xi32>
          %select_n3A_247 = arith.select %lt3A_242, %broadcast_in_dim3A_245, %broadcast_in_dim3A_246 : vector<16xi1>, vector<16xi32>
          %add3A_248 = arith.addi %add3A_239, %select_n3A_247 : vector<16xi32>
          %ge3A_249 = arith.constant 50000 : i32
          %ge3A_250 = vector.broadcast %ge3A_249 : i32 to vector<16xi32>
          %ge3A_251 = arith.cmpi sge, %add3A_248, %ge3A_250 : vector<16xi32>
          %jit3A_252 = arith.constant 50000 : i32
          %jit3A_253 = arith.constant 0 : i32
          %broadcast_in_dim3A_254 = vector.broadcast %jit3A_252 : i32 to vector<16xi32>
          %broadcast_in_dim3A_255 = vector.broadcast %jit3A_253 : i32 to vector<16xi32>
          %select_n3A_256 = arith.select %ge3A_251, %broadcast_in_dim3A_254, %broadcast_in_dim3A_255 : vector<16xi1>, vector<16xi32>
          %sub3A_257 = arith.subi %add3A_248, %select_n3A_256 : vector<16xi32>
          %swap3A_258 = arith.index_cast %add3A_194 : i32 to index
          %swap3A_259 = tpu.vector_load %arg9[%swap3A_258] {strides = array<i32>} : memref<896xi32, #tpu.memory_space<vmem>>, vector<16xi32>,
          %swap3A_260 = vector.shape_cast %swap3A_259 : vector<16xi32> to vector<16xi32>
          %swap3A_261 = vector.shape_cast %sub3A_257 : vector<16xi32> to vector<16xi32>
          tpu.vector_store %arg9[%swap3A_258], %swap3A_261 {strides = array<i32>} : memref<896xi32, #tpu.memory_space<vmem>>, vector<16xi32>,
          %rem3A_262 = arith.constant 50000 : i32
          %rem3A_263 = vector.broadcast %rem3A_262 : i32 to vector<16xi32>
          %rem3A_264 = arith.remsi %add3A_193, %rem3A_263 : vector<16xi32>
          %lt3A_265 = arith.constant 0 : i32
          %lt3A_266 = vector.broadcast %lt3A_265 : i32 to vector<16xi32>
          %lt3A_267 = arith.cmpi slt, %rem3A_264, %lt3A_266 : vector<16xi32>
          %jit3A_268 = arith.constant 50000 : i32
          %jit3A_269 = arith.constant 0 : i32
          %broadcast_in_dim3A_270 = vector.broadcast %jit3A_268 : i32 to vector<16xi32>
          %broadcast_in_dim3A_271 = vector.broadcast %jit3A_269 : i32 to vector<16xi32>
          %select_n3A_272 = arith.select %lt3A_267, %broadcast_in_dim3A_270, %broadcast_in_dim3A_271 : vector<16xi1>, vector<16xi32>
          %add3A_273 = arith.addi %rem3A_264, %select_n3A_272 : vector<16xi32>
          %lt3A_274 = arith.constant 0 : i32
          %lt3A_275 = vector.broadcast %lt3A_274 : i32 to vector<16xi32>
          %lt3A_276 = arith.cmpi slt, %add3A_193, %lt3A_275 : vector<16xi32>
          %jit3A_277 = arith.constant 17296 : i32
          %jit3A_278 = arith.constant 0 : i32
          %broadcast_in_dim3A_279 = vector.broadcast %jit3A_277 : i32 to vector<16xi32>
          %broadcast_in_dim3A_280 = vector.broadcast %jit3A_278 : i32 to vector<16xi32>
          %select_n3A_281 = arith.select %lt3A_276, %broadcast_in_dim3A_279, %broadcast_in_dim3A_280 : vector<16xi1>, vector<16xi32>
          %add3A_282 = arith.addi %add3A_273, %select_n3A_281 : vector<16xi32>
          %ge3A_283 = arith.constant 50000 : i32
          %ge3A_284 = vector.broadcast %ge3A_283 : i32 to vector<16xi32>
          %ge3A_285 = arith.cmpi sge, %add3A_282, %ge3A_284 : vector<16xi32>
          %jit3A_286 = arith.constant 50000 : i32
          %jit3A_287 = arith.constant 0 : i32
          %broadcast_in_dim3A_288 = vector.broadcast %jit3A_286 : i32 to vector<16xi32>
          %broadcast_in_dim3A_289 = vector.broadcast %jit3A_287 : i32 to vector<16xi32>
          %select_n3A_290 = arith.select %ge3A_285, %broadcast_in_dim3A_288, %broadcast_in_dim3A_289 : vector<16xi1>, vector<16xi32>
          %sub3A_291 = arith.subi %add3A_282, %select_n3A_290 : vector<16xi32>
          %swap3A_292 = arith.index_cast %add3A_194 : i32 to index
          %swap3A_293 = tpu.vector_load %arg10[%swap3A_292] {strides = array<i32>} : memref<896xi32, #tpu.memory_space<vmem>>, vector<16xi32>,
          %swap3A_294 = vector.shape_cast %swap3A_293 : vector<16xi32> to vector<16xi32>
          %swap3A_295 = vector.shape_cast %sub3A_291 : vector<16xi32> to vector<16xi32>
          tpu.vector_store %arg10[%swap3A_292], %swap3A_295 {strides = array<i32>} : memref<896xi32, #tpu.memory_space<vmem>>, vector<16xi32>,
        }
        %while3A_121 = arith.constant 1 : i32
        scf.for %while3A_152 = %while3A_119 to %while3A_115 step %while3A_121  : i32 {
          %mul3A_153 = arith.muli %while3A_152, %while3A_111 : i32
          %add3A_154 = arith.addi %while3A_112, %mul3A_153 : i32
          %add3A_155 = arith.addi %mul3A_99, %add3A_154 : i32
          %add3A_156 = arith.constant 4 : i32
          %add3A_157 = arith.addi %add3A_155, %add3A_156 : i32
          %get3A = arith.index_cast %add3A_157 : i32 to index
          %get3A_158 = tpu.vector_load %arg7[%get3A] {strides = array<i32>} : memref<1032xi32, #tpu.memory_space<vmem>>, vector<16xi32>,
          %get3A_159 = vector.shape_cast %get3A_158 : vector<16xi32> to vector<16xi32>
          %add3A_160 = arith.constant 3 : i32
          %add3A_161 = arith.addi %add3A_155, %add3A_160 : i32
          %get3A_162 = arith.index_cast %add3A_161 : i32 to index
          %get3A_163 = tpu.vector_load %arg7[%get3A_162] {strides = array<i32>} : memref<1032xi32, #tpu.memory_space<vmem>>, vector<16xi32>,
          %get3A_164 = vector.shape_cast %get3A_163 : vector<16xi32> to vector<16xi32>
          %add3A_165 = arith.constant 2 : i32
          %add3A_166 = arith.addi %add3A_155, %add3A_165 : i32
          %get3A_167 = arith.index_cast %add3A_166 : i32 to index
          %get3A_168 = tpu.vector_load %arg7[%get3A_167] {strides = array<i32>} : memref<1032xi32, #tpu.memory_space<vmem>>, vector<16xi32>,
          %get3A_169 = vector.shape_cast %get3A_168 : vector<16xi32> to vector<16xi32>
          %add3A_170 = arith.constant 1 : i32
          %add3A_171 = arith.addi %add3A_155, %add3A_170 : i32
          %get3A_172 = arith.index_cast %add3A_171 : i32 to index
          %get3A_173 = tpu.vector_load %arg7[%get3A_172] {strides = array<i32>} : memref<1032xi32, #tpu.memory_space<vmem>>, vector<16xi32>,
          %get3A_174 = vector.shape_cast %get3A_173 : vector<16xi32> to vector<16xi32>
          %get3A_175 = arith.index_cast %add3A_155 : i32 to index
          %get3A_176 = tpu.vector_load %arg7[%get3A_175] {strides = array<i32>} : memref<1032xi32, #tpu.memory_space<vmem>>, vector<16xi32>,
          %get3A_177 = vector.shape_cast %get3A_176 : vector<16xi32> to vector<16xi32>
          %mul3A_178 = arith.constant 66049 : i32
          %mul3A_179 = vector.broadcast %mul3A_178 : i32 to vector<16xi32>
          %mul3A_180 = arith.muli %get3A_169, %mul3A_179 : vector<16xi32>
          %mul3A_181 = arith.constant 257 : i32
          %mul3A_182 = vector.broadcast %mul3A_181 : i32 to vector<16xi32>
          %mul3A_183 = arith.muli %get3A_164, %mul3A_182 : vector<16xi32>
          %add3A_184 = arith.addi %mul3A_180, %mul3A_183 : vector<16xi32>
          %add3A_185 = arith.addi %add3A_184, %get3A_159 : vector<16xi32>
          %mul3A_186 = arith.constant 16974593 : i32
          %mul3A_187 = vector.broadcast %mul3A_186 : i32 to vector<16xi32>
          %mul3A_188 = arith.muli %get3A_174, %mul3A_187 : vector<16xi32>
          %add3A_189 = arith.addi %add3A_185, %mul3A_188 : vector<16xi32>
          %mul3A_190 = arith.constant 67503105 : i32
          %mul3A_191 = vector.broadcast %mul3A_190 : i32 to vector<16xi32>
          %mul3A_192 = arith.muli %get3A_177, %mul3A_191 : vector<16xi32>
          %add3A_193 = arith.addi %add3A_189, %mul3A_192 : vector<16xi32>
          %add3A_194 = arith.addi %mul3A_101, %add3A_154 : i32
          %rem3A_195 = arith.constant 50000 : i32
          %rem3A_196 = vector.broadcast %rem3A_195 : i32 to vector<16xi32>
          %rem3A_197 = arith.remsi %add3A_185, %rem3A_196 : vector<16xi32>
          %lt3A_198 = arith.constant 0 : i32
          %lt3A_199 = vector.broadcast %lt3A_198 : i32 to vector<16xi32>
          %lt3A_200 = arith.cmpi slt, %rem3A_197, %lt3A_199 : vector<16xi32>
          %jit3A_201 = arith.constant 50000 : i32
          %jit3A_202 = arith.constant 0 : i32
          %broadcast_in_dim3A_203 = vector.broadcast %jit3A_201 : i32 to vector<16xi32>
          %broadcast_in_dim3A_204 = vector.broadcast %jit3A_202 : i32 to vector<16xi32>
          %select_n3A_205 = arith.select %lt3A_200, %broadcast_in_dim3A_203, %broadcast_in_dim3A_204 : vector<16xi1>, vector<16xi32>
          %add3A_206 = arith.addi %rem3A_197, %select_n3A_205 : vector<16xi32>
          %lt3A_207 = arith.constant 0 : i32
          %lt3A_208 = vector.broadcast %lt3A_207 : i32 to vector<16xi32>
          %lt3A_209 = arith.cmpi slt, %add3A_185, %lt3A_208 : vector<16xi32>
          %jit3A_210 = arith.constant 17296 : i32
          %jit3A_211 = arith.constant 0 : i32
          %broadcast_in_dim3A_212 = vector.broadcast %jit3A_210 : i32 to vector<16xi32>
          %broadcast_in_dim3A_213 = vector.broadcast %jit3A_211 : i32 to vector<16xi32>
          %select_n3A_214 = arith.select %lt3A_209, %broadcast_in_dim3A_212, %broadcast_in_dim3A_213 : vector<16xi1>, vector<16xi32>
          %add3A_215 = arith.addi %add3A_206, %select_n3A_214 : vector<16xi32>
          %ge3A_216 = arith.constant 50000 : i32
          %ge3A_217 = vector.broadcast %ge3A_216 : i32 to vector<16xi32>
          %ge3A_218 = arith.cmpi sge, %add3A_215, %ge3A_217 : vector<16xi32>
          %jit3A_219 = arith.constant 50000 : i32
          %jit3A_220 = arith.constant 0 : i32
          %broadcast_in_dim3A_221 = vector.broadcast %jit3A_219 : i32 to vector<16xi32>
          %broadcast_in_dim3A_222 = vector.broadcast %jit3A_220 : i32 to vector<16xi32>
          %select_n3A_223 = arith.select %ge3A_218, %broadcast_in_dim3A_221, %broadcast_in_dim3A_222 : vector<16xi1>, vector<16xi32>
          %sub3A_224 = arith.subi %add3A_215, %select_n3A_223 : vector<16xi32>
          %swap3A = arith.index_cast %add3A_194 : i32 to index
          %swap3A_225 = tpu.vector_load %arg8[%swap3A] {strides = array<i32>} : memref<896xi32, #tpu.memory_space<vmem>>, vector<16xi32>,
          %swap3A_226 = vector.shape_cast %swap3A_225 : vector<16xi32> to vector<16xi32>
          %swap3A_227 = vector.shape_cast %sub3A_224 : vector<16xi32> to vector<16xi32>
          tpu.vector_store %arg8[%swap3A], %swap3A_227 {strides = array<i32>} : memref<896xi32, #tpu.memory_space<vmem>>, vector<16xi32>,
          %rem3A_228 = arith.constant 50000 : i32
          %rem3A_229 = vector.broadcast %rem3A_228 : i32 to vector<16xi32>
          %rem3A_230 = arith.remsi %add3A_189, %rem3A_229 : vector<16xi32>
          %lt3A_231 = arith.constant 0 : i32
          %lt3A_232 = vector.broadcast %lt3A_231 : i32 to vector<16xi32>
          %lt3A_233 = arith.cmpi slt, %rem3A_230, %lt3A_232 : vector<16xi32>
          %jit3A_234 = arith.constant 50000 : i32
          %jit3A_235 = arith.constant 0 : i32
          %broadcast_in_dim3A_236 = vector.broadcast %jit3A_234 : i32 to vector<16xi32>
          %broadcast_in_dim3A_237 = vector.broadcast %jit3A_235 : i32 to vector<16xi32>
          %select_n3A_238 = arith.select %lt3A_233, %broadcast_in_dim3A_236, %broadcast_in_dim3A_237 : vector<16xi1>, vector<16xi32>
          %add3A_239 = arith.addi %rem3A_230, %select_n3A_238 : vector<16xi32>
          %lt3A_240 = arith.constant 0 : i32
          %lt3A_241 = vector.broadcast %lt3A_240 : i32 to vector<16xi32>
          %lt3A_242 = arith.cmpi slt, %add3A_189, %lt3A_241 : vector<16xi32>
          %jit3A_243 = arith.constant 17296 : i32
          %jit3A_244 = arith.constant 0 : i32
          %broadcast_in_dim3A_245 = vector.broadcast %jit3A_243 : i32 to vector<16xi32>
          %broadcast_in_dim3A_246 = vector.broadcast %jit3A_244 : i32 to vector<16xi32>
          %select_n3A_247 = arith.select %lt3A_242, %broadcast_in_dim3A_245, %broadcast_in_dim3A_246 : vector<16xi1>, vector<16xi32>
          %add3A_248 = arith.addi %add3A_239, %select_n3A_247 : vector<16xi32>
          %ge3A_249 = arith.constant 50000 : i32
          %ge3A_250 = vector.broadcast %ge3A_249 : i32 to vector<16xi32>
          %ge3A_251 = arith.cmpi sge, %add3A_248, %ge3A_250 : vector<16xi32>
          %jit3A_252 = arith.constant 50000 : i32
          %jit3A_253 = arith.constant 0 : i32
          %broadcast_in_dim3A_254 = vector.broadcast %jit3A_252 : i32 to vector<16xi32>
          %broadcast_in_dim3A_255 = vector.broadcast %jit3A_253 : i32 to vector<16xi32>
          %select_n3A_256 = arith.select %ge3A_251, %broadcast_in_dim3A_254, %broadcast_in_dim3A_255 : vector<16xi1>, vector<16xi32>
          %sub3A_257 = arith.subi %add3A_248, %select_n3A_256 : vector<16xi32>
          %swap3A_258 = arith.index_cast %add3A_194 : i32 to index
          %swap3A_259 = tpu.vector_load %arg9[%swap3A_258] {strides = array<i32>} : memref<896xi32, #tpu.memory_space<vmem>>, vector<16xi32>,
          %swap3A_260 = vector.shape_cast %swap3A_259 : vector<16xi32> to vector<16xi32>
          %swap3A_261 = vector.shape_cast %sub3A_257 : vector<16xi32> to vector<16xi32>
          tpu.vector_store %arg9[%swap3A_258], %swap3A_261 {strides = array<i32>} : memref<896xi32, #tpu.memory_space<vmem>>, vector<16xi32>,
          %rem3A_262 = arith.constant 50000 : i32
          %rem3A_263 = vector.broadcast %rem3A_262 : i32 to vector<16xi32>
          %rem3A_264 = arith.remsi %add3A_193, %rem3A_263 : vector<16xi32>
          %lt3A_265 = arith.constant 0 : i32
          %lt3A_266 = vector.broadcast %lt3A_265 : i32 to vector<16xi32>
          %lt3A_267 = arith.cmpi slt, %rem3A_264, %lt3A_266 : vector<16xi32>
          %jit3A_268 = arith.constant 50000 : i32
          %jit3A_269 = arith.constant 0 : i32
          %broadcast_in_dim3A_270 = vector.broadcast %jit3A_268 : i32 to vector<16xi32>
          %broadcast_in_dim3A_271 = vector.broadcast %jit3A_269 : i32 to vector<16xi32>
          %select_n3A_272 = arith.select %lt3A_267, %broadcast_in_dim3A_270, %broadcast_in_dim3A_271 : vector<16xi1>, vector<16xi32>
          %add3A_273 = arith.addi %rem3A_264, %select_n3A_272 : vector<16xi32>
          %lt3A_274 = arith.constant 0 : i32
          %lt3A_275 = vector.broadcast %lt3A_274 : i32 to vector<16xi32>
          %lt3A_276 = arith.cmpi slt, %add3A_193, %lt3A_275 : vector<16xi32>
          %jit3A_277 = arith.constant 17296 : i32
          %jit3A_278 = arith.constant 0 : i32
          %broadcast_in_dim3A_279 = vector.broadcast %jit3A_277 : i32 to vector<16xi32>
          %broadcast_in_dim3A_280 = vector.broadcast %jit3A_278 : i32 to vector<16xi32>
          %select_n3A_281 = arith.select %lt3A_276, %broadcast_in_dim3A_279, %broadcast_in_dim3A_280 : vector<16xi1>, vector<16xi32>
          %add3A_282 = arith.addi %add3A_273, %select_n3A_281 : vector<16xi32>
          %ge3A_283 = arith.constant 50000 : i32
          %ge3A_284 = vector.broadcast %ge3A_283 : i32 to vector<16xi32>
          %ge3A_285 = arith.cmpi sge, %add3A_282, %ge3A_284 : vector<16xi32>
          %jit3A_286 = arith.constant 50000 : i32
          %jit3A_287 = arith.constant 0 : i32
          %broadcast_in_dim3A_288 = vector.broadcast %jit3A_286 : i32 to vector<16xi32>
          %broadcast_in_dim3A_289 = vector.broadcast %jit3A_287 : i32 to vector<16xi32>
          %select_n3A_290 = arith.select %ge3A_285, %broadcast_in_dim3A_288, %broadcast_in_dim3A_289 : vector<16xi1>, vector<16xi32>
          %sub3A_291 = arith.subi %add3A_282, %select_n3A_290 : vector<16xi32>
          %swap3A_292 = arith.index_cast %add3A_194 : i32 to index
          %swap3A_293 = tpu.vector_load %arg10[%swap3A_292] {strides = array<i32>} : memref<896xi32, #tpu.memory_space<vmem>>, vector<16xi32>,
          %swap3A_294 = vector.shape_cast %swap3A_293 : vector<16xi32> to vector<16xi32>
          %swap3A_295 = vector.shape_cast %sub3A_291 : vector<16xi32> to vector<16xi32>
          tpu.vector_store %arg10[%swap3A_292], %swap3A_295 {strides = array<i32>} : memref<896xi32, #tpu.memory_space<vmem>>, vector<16xi32>,
        }
        %mul3A_122 = arith.constant 128 : i32
        %mul3A_123 = arith.muli %rem3A_87, %mul3A_122 : i32
        %dma_start3A = arith.constant 0 : i32
        %dma_start3A_124 = tpu.memref_slice %arg11[%mul3A_123, %dma_start3A] : memref<896x128xf32, #tpu.memory_space<vmem>> -> memref<128x128xf32, #tpu.memory_space<vmem>>
        %dma_start3A_125 = tpu.memref_slice %arg8[%mul3A_123] : memref<896xi32, #tpu.memory_space<vmem>> -> memref<128xi32, #tpu.memory_space<vmem>>
        %dma_start3A_126 = arith.constant 0 : i32
        %dma_start3A_127 = arith.constant 0 : i32
        %dma_start3A_128 = tpu.memref_slice %arg3[%dma_start3A_126, %dma_start3A_127] : memref<50000x128xf32, #tpu.memory_space<hbm>> -> memref<50000x128xf32, #tpu.memory_space<hbm>>
        %dma_start3A_129 = tpu.memref_slice %arg17[%rem3A_87] : memref<7x!tpu.dma_semaphore, #tpu.memory_space<semaphore_mem>> -> memref<1x!tpu.dma_semaphore, #tpu.memory_space<semaphore_mem>>
        %dma_start3A_130 = tpu.memref_squeeze %dma_start3A_129 : memref<1x!tpu.dma_semaphore, #tpu.memory_space<semaphore_mem>> -> memref<!tpu.dma_semaphore, #tpu.memory_space<semaphore_mem>>
        tpu.enqueue_indirect_dma source(%dma_start3A_128 : memref<50000x128xf32, #tpu.memory_space<hbm>>) target(%dma_start3A_124 : memref<128x128xf32, #tpu.memory_space<vmem>>) offsets(%dma_start3A_125 : memref<128xi32, #tpu.memory_space<vmem>>) semaphore(%dma_start3A_130 : memref<!tpu.dma_semaphore, #tpu.memory_space<semaphore_mem>>) {add = true}
        %dma_start3A_131 = arith.constant 0 : i32
        %dma_start3A_132 = tpu.memref_slice %arg11[%mul3A_123, %dma_start3A_131] : memref<896x128xf32, #tpu.memory_space<vmem>> -> memref<128x128xf32, #tpu.memory_space<vmem>>
        %dma_start3A_133 = tpu.memref_slice %arg9[%mul3A_123] : memref<896xi32, #tpu.memory_space<vmem>> -> memref<128xi32, #tpu.memory_space<vmem>>
        %dma_start3A_134 = arith.constant 0 : i32
        %dma_start3A_135 = arith.constant 0 : i32
        %dma_start3A_136 = tpu.memref_slice %arg4[%dma_start3A_134, %dma_start3A_135] : memref<50000x128xf32, #tpu.memory_space<hbm>> -> memref<50000x128xf32, #tpu.memory_space<hbm>>
        %dma_start3A_137 = tpu.memref_slice %arg17[%rem3A_87] : memref<7x!tpu.dma_semaphore, #tpu.memory_space<semaphore_mem>> -> memref<1x!tpu.dma_semaphore, #tpu.memory_space<semaphore_mem>>
        %dma_start3A_138 = tpu.memref_squeeze %dma_start3A_137 : memref<1x!tpu.dma_semaphore, #tpu.memory_space<semaphore_mem>> -> memref<!tpu.dma_semaphore, #tpu.memory_space<semaphore_mem>>
        tpu.enqueue_indirect_dma source(%dma_start3A_136 : memref<50000x128xf32, #tpu.memory_space<hbm>>) target(%dma_start3A_132 : memref<128x128xf32, #tpu.memory_space<vmem>>) offsets(%dma_start3A_133 : memref<128xi32, #tpu.memory_space<vmem>>) semaphore(%dma_start3A_138 : memref<!tpu.dma_semaphore, #tpu.memory_space<semaphore_mem>>) {add = true}
        %dma_start3A_139 = arith.constant 0 : i32
        %dma_start3A_140 = tpu.memref_slice %arg11[%mul3A_123, %dma_start3A_139] : memref<896x128xf32, #tpu.memory_space<vmem>> -> memref<128x128xf32, #tpu.memory_space<vmem>>
        %dma_start3A_141 = tpu.memref_slice %arg10[%mul3A_123] : memref<896xi32, #tpu.memory_space<vmem>> -> memref<128xi32, #tpu.memory_space<vmem>>
        %dma_start3A_142 = arith.constant 0 : i32
        %dma_start3A_143 = arith.constant 0 : i32
        %dma_start3A_144 = tpu.memref_slice %arg5[%dma_start3A_142, %dma_start3A_143] : memref<50000x128xf32, #tpu.memory_space<hbm>> -> memref<50000x128xf32, #tpu.memory_space<hbm>>
        %dma_start3A_145 = tpu.memref_slice %arg17[%rem3A_87] : memref<7x!tpu.dma_semaphore, #tpu.memory_space<semaphore_mem>> -> memref<1x!tpu.dma_semaphore, #tpu.memory_space<semaphore_mem>>
        %dma_start3A_146 = tpu.memref_squeeze %dma_start3A_145 : memref<1x!tpu.dma_semaphore, #tpu.memory_space<semaphore_mem>> -> memref<!tpu.dma_semaphore, #tpu.memory_space<semaphore_mem>>
        tpu.enqueue_indirect_dma source(%dma_start3A_144 : memref<50000x128xf32, #tpu.memory_space<hbm>>) target(%dma_start3A_140 : memref<128x128xf32, #tpu.memory_space<vmem>>) offsets(%dma_start3A_141 : memref<128xi32, #tpu.memory_space<vmem>>) semaphore(%dma_start3A_146 : memref<!tpu.dma_semaphore, #tpu.memory_space<semaphore_mem>>) {add = true}
        %eq3A_147 = arith.constant 0 : i32
        %eq3A_148 = arith.cmpi eq, %add3A_77, %eq3A_147 : i32
        %convert_element_type3A_149 = arith.extui %eq3A_148 : i1 to i32
        %cond3A_150 = arith.constant 0 : i32
        %cond3A_151 = arith.cmpi ne, %convert_element_type3A_149, %cond3A_150 : i32
        scf.if %cond3A_151 {
          %get3A = arith.constant 0 : index
          %get3A_152 = tpu.vector_load %arg8[%get3A] {strides = array<i32>} : memref<896xi32, #tpu.memory_space<vmem>>, vector<16xi32>,
          %get3A_153 = vector.shape_cast %get3A_152 : vector<16xi32> to vector<16xi32>
          %swap3A = arith.constant 0 : index
          %swap3A_154 = tpu.vector_load %arg12[%swap3A] {strides = array<i32>} : memref<16xi32, #tpu.memory_space<vmem>>, vector<16xi32>,
          %swap3A_155 = vector.shape_cast %swap3A_154 : vector<16xi32> to vector<16xi32>
          %swap3A_156 = vector.shape_cast %get3A_153 : vector<16xi32> to vector<16xi32>
          tpu.vector_store %arg12[%swap3A], %swap3A_156 {strides = array<i32>} : memref<16xi32, #tpu.memory_space<vmem>>, vector<16xi32>,
          %get3A_157 = arith.constant 0 : index
          %get3A_158 = tpu.vector_load %arg9[%get3A_157] {strides = array<i32>} : memref<896xi32, #tpu.memory_space<vmem>>, vector<16xi32>,
          %get3A_159 = vector.shape_cast %get3A_158 : vector<16xi32> to vector<16xi32>
          %swap3A_160 = arith.constant 0 : index
          %swap3A_161 = tpu.vector_load %arg13[%swap3A_160] {strides = array<i32>} : memref<16xi32, #tpu.memory_space<vmem>>, vector<16xi32>,
          %swap3A_162 = vector.shape_cast %swap3A_161 : vector<16xi32> to vector<16xi32>
          %swap3A_163 = vector.shape_cast %get3A_159 : vector<16xi32> to vector<16xi32>
          tpu.vector_store %arg13[%swap3A_160], %swap3A_163 {strides = array<i32>} : memref<16xi32, #tpu.memory_space<vmem>>, vector<16xi32>,
          %dma_start3A_164 = arith.constant 0 : i32
          %dma_start3A_165 = arith.constant 0 : i32
          %dma_start3A_166 = tpu.memref_slice %arg3[%dma_start3A_164, %dma_start3A_165] : memref<50000x128xf32, #tpu.memory_space<hbm>> -> memref<50000x128xf32, #tpu.memory_space<hbm>>
          tpu.enqueue_indirect_dma source(%dma_start3A_166 : memref<50000x128xf32, #tpu.memory_space<hbm>>) target(%arg14 : memref<16x128xf32, #tpu.memory_space<vmem>>) offsets(%arg12 : memref<16xi32, #tpu.memory_space<vmem>>) semaphore(%arg19 : memref<!tpu.dma_semaphore, #tpu.memory_space<semaphore_mem>>)
          %dma_start3A_167 = arith.constant 0 : i32
          %dma_start3A_168 = arith.constant 0 : i32
          %dma_start3A_169 = tpu.memref_slice %arg4[%dma_start3A_167, %dma_start3A_168] : memref<50000x128xf32, #tpu.memory_space<hbm>> -> memref<50000x128xf32, #tpu.memory_space<hbm>>
          tpu.enqueue_indirect_dma source(%dma_start3A_169 : memref<50000x128xf32, #tpu.memory_space<hbm>>) target(%arg15 : memref<16x128xf32, #tpu.memory_space<vmem>>) offsets(%arg13 : memref<16xi32, #tpu.memory_space<vmem>>) semaphore(%arg19 : memref<!tpu.dma_semaphore, #tpu.memory_space<semaphore_mem>>)
        } else {
        }
      } else {
      }
    }
    %sub3A_47 = arith.constant 8 : i32
    %sub3A_48 = arith.constant 1 : i32
    %sub3A_49 = arith.subi %sub3A_47, %sub3A_48 : i32
    %sub3A_50 = arith.constant 1 : i32
    %sub3A_51 = arith.constant 1 : i32
    %sub3A_52 = arith.subi %sub3A_50, %sub3A_51 : i32
    %add3A_53 = arith.addi %sub3A_49, %sub3A_52 : i32
    %div3A_54 = arith.constant 1 : i32
    %div3A_55 = arith.divsi %add3A_53, %div3A_54 : i32
    %while3A_56 = arith.constant 1 : i32
    %while3A_57 = arith.constant 1 : i32
    %while3A_58 = arith.constant 0 : i32
    %while3A_59 = arith.subi %div3A_55, %while3A_58 : i32
    %while3A_60 = arith.addi %while3A_58, %while3A_59 : i32
    %while3A_61 = arith.constant 1 : i32
    %while3A_62 = arith.divsi %while3A_59, %while3A_61 : i32
    %while3A_63 = arith.muli %while3A_62, %while3A_61 : i32
    %while3A_64 = arith.addi %while3A_58, %while3A_63 : i32
    %while3A_65 = arith.constant 1 : i32
    scf.for %while3A_75 = %while3A_58 to %while3A_64 step %while3A_65  : i32 {
      %mul3A_76 = arith.muli %while3A_75, %while3A_56 : i32
      %add3A_77 = arith.addi %while3A_57, %mul3A_76 : i32
      %rem3A_78 = arith.constant 7 : i32
      %rem3A_79 = arith.remsi %add3A_77, %rem3A_78 : i32
      %mul3A_80 = arith.constant 128 : i32
      %mul3A_81 = arith.muli %add3A_77, %mul3A_80 : i32
      %mul3A_82 = arith.constant 128 : i32
      %mul3A_83 = arith.muli %rem3A_79, %mul3A_82 : i32
      %add3A_84 = arith.addi %mul3A_26, %mul3A_81 : i32
      %dma_wait3A_85 = arith.constant 0 : i32
      %dma_wait3A_86 = tpu.memref_slice %arg11[%mul3A_83, %dma_wait3A_85] : memref<896x128xf32, #tpu.memory_space<vmem>> -> memref<128x128xf32, #tpu.memory_space<vmem>>
      %dma_wait3A_87 = arith.constant 0 : i32
      %dma_wait3A_88 = tpu.memref_slice %arg6[%add3A_84, %dma_wait3A_87] : memref<32768x128xf32, #tpu.memory_space<hbm>> -> memref<128x128xf32, #tpu.memory_space<hbm>>
      %dma_wait3A_89 = tpu.memref_slice %arg18[%rem3A_79] : memref<7x!tpu.dma_semaphore, #tpu.memory_space<semaphore_mem>> -> memref<1x!tpu.dma_semaphore, #tpu.memory_space<semaphore_mem>>
      %dma_wait3A_90 = tpu.memref_squeeze %dma_wait3A_89 : memref<1x!tpu.dma_semaphore, #tpu.memory_space<semaphore_mem>> -> memref<!tpu.dma_semaphore, #tpu.memory_space<semaphore_mem>>
      %dma_wait3A_91 = arith.constant 0 : i32
      %dma_wait3A_92 = tpu.memref_slice %arg6[%add3A_84, %dma_wait3A_91] : memref<32768x128xf32, #tpu.memory_space<hbm>> -> memref<128x128xf32, #tpu.memory_space<hbm>>
      %dma_wait3A_93 = arith.constant 0 : i32
      %dma_wait3A_94 = tpu.memref_slice %arg11[%mul3A_83, %dma_wait3A_93] : memref<896x128xf32, #tpu.memory_space<vmem>> -> memref<128x128xf32, #tpu.memory_space<vmem>>
      tpu.wait_dma2 semaphore(%dma_wait3A_90 : memref<!tpu.dma_semaphore, #tpu.memory_space<semaphore_mem>>) src(%dma_wait3A_94 : memref<128x128xf32, #tpu.memory_space<vmem>>) dst(%dma_wait3A_92 : memref<128x128xf32, #tpu.memory_space<hbm>>)
    }
    %while3A_66 = arith.constant 1 : i32
    scf.for %while3A_75 = %while3A_64 to %while3A_60 step %while3A_66  : i32 {
      %mul3A_76 = arith.muli %while3A_75, %while3A_56 : i32
      %add3A_77 = arith.addi %while3A_57, %mul3A_76 : i32
      %rem3A_78 = arith.constant 7 : i32
      %rem3A_79 = arith.remsi %add3A_77, %rem3A_78 : i32
      %mul3A_80 = arith.constant 128 : i32
      %mul3A_81 = arith.muli %add3A_77, %mul3A_80 : i32
      %mul3A_82 = arith.constant 128 : i32
      %mul3A_83 = arith.muli %rem3A_79, %mul3A_82 : i32
      %add3A_84 = arith.addi %mul3A_26, %mul3A_81 : i32
      %dma_wait3A_85 = arith.constant 0 : i32
      %dma_wait3A_86 = tpu.memref_slice %arg11[%mul3A_83, %dma_wait3A_85] : memref<896x128xf32, #tpu.memory_space<vmem>> -> memref<128x128xf32, #tpu.memory_space<vmem>>
      %dma_wait3A_87 = arith.constant 0 : i32
      %dma_wait3A_88 = tpu.memref_slice %arg6[%add3A_84, %dma_wait3A_87] : memref<32768x128xf32, #tpu.memory_space<hbm>> -> memref<128x128xf32, #tpu.memory_space<hbm>>
      %dma_wait3A_89 = tpu.memref_slice %arg18[%rem3A_79] : memref<7x!tpu.dma_semaphore, #tpu.memory_space<semaphore_mem>> -> memref<1x!tpu.dma_semaphore, #tpu.memory_space<semaphore_mem>>
      %dma_wait3A_90 = tpu.memref_squeeze %dma_wait3A_89 : memref<1x!tpu.dma_semaphore, #tpu.memory_space<semaphore_mem>> -> memref<!tpu.dma_semaphore, #tpu.memory_space<semaphore_mem>>
      %dma_wait3A_91 = arith.constant 0 : i32
      %dma_wait3A_92 = tpu.memref_slice %arg6[%add3A_84, %dma_wait3A_91] : memref<32768x128xf32, #tpu.memory_space<hbm>> -> memref<128x128xf32, #tpu.memory_space<hbm>>
      %dma_wait3A_93 = arith.constant 0 : i32
      %dma_wait3A_94 = tpu.memref_slice %arg11[%mul3A_83, %dma_wait3A_93] : memref<896x128xf32, #tpu.memory_space<vmem>> -> memref<128x128xf32, #tpu.memory_space<vmem>>
      tpu.wait_dma2 semaphore(%dma_wait3A_90 : memref<!tpu.dma_semaphore, #tpu.memory_space<semaphore_mem>>) src(%dma_wait3A_94 : memref<128x128xf32, #tpu.memory_space<vmem>>) dst(%dma_wait3A_92 : memref<128x128xf32, #tpu.memory_space<hbm>>)
    }
    %dma_wait3A = arith.constant 0 : i32
    %dma_wait3A_67 = arith.constant 0 : i32
    %dma_wait3A_68 = tpu.memref_slice %arg3[%dma_wait3A, %dma_wait3A_67] : memref<50000x128xf32, #tpu.memory_space<hbm>> -> memref<50000x128xf32, #tpu.memory_space<hbm>>
    tpu.wait_indirect_dma semaphore(%arg19 : memref<!tpu.dma_semaphore, #tpu.memory_space<semaphore_mem>>) src(%dma_wait3A_68 : memref<50000x128xf32, #tpu.memory_space<hbm>>) dst(%arg14 : memref<16x128xf32, #tpu.memory_space<vmem>>)
    %dma_wait3A_69 = arith.constant 0 : i32
    %dma_wait3A_70 = arith.constant 0 : i32
    %dma_wait3A_71 = tpu.memref_slice %arg4[%dma_wait3A_69, %dma_wait3A_70] : memref<50000x128xf32, #tpu.memory_space<hbm>> -> memref<50000x128xf32, #tpu.memory_space<hbm>>
    tpu.wait_indirect_dma semaphore(%arg19 : memref<!tpu.dma_semaphore, #tpu.memory_space<semaphore_mem>>) src(%dma_wait3A_71 : memref<50000x128xf32, #tpu.memory_space<hbm>>) dst(%arg15 : memref<16x128xf32, #tpu.memory_space<vmem>>)
    %eq3A = arith.constant 0 : i32
    %eq3A_72 = arith.cmpi eq, %sub3A_19, %eq3A : i32
    %convert_element_type3A = arith.extui %eq3A_72 : i1 to i32
    %cond3A = arith.constant 0.333333343 : f32
    %cond3A_73 = arith.constant 0 : i32
    %cond3A_74 = arith.cmpi ne, %convert_element_type3A, %cond3A_73 : i32
    scf.if %cond3A_74 {
      %broadcast_in_dim3A = arith.constant 0.000000e+00 : f32
      %broadcast_in_dim3A_75 = vector.broadcast %broadcast_in_dim3A : f32 to vector<16xf32>
      %swap3A = arith.constant 0 : i64
      %swap3A_76 = arith.index_cast %swap3A : i64 to index
      %swap3A_77 = arith.constant 0 : index
      %swap3A_78 = tpu.vector_load %arg16[%swap3A_76, %swap3A_77] {strides = array<i32>} : memref<4x128xf32, #tpu.memory_space<vmem>>, vector<1x16xf32>,
      %swap3A_79 = vector.shape_cast %swap3A_78 : vector<1x16xf32> to vector<16xf32>
      %swap3A_80 = vector.shape_cast %broadcast_in_dim3A_75 : vector<16xf32> to vector<1x16xf32>
      tpu.vector_store %arg16[%swap3A_76, %swap3A_77], %swap3A_80 {strides = array<i32>} : memref<4x128xf32, #tpu.memory_space<vmem>>, vector<1x16xf32>,
      %swap3A_81 = arith.constant 1 : i64
      %swap3A_82 = arith.index_cast %swap3A_81 : i64 to index
      %swap3A_83 = arith.constant 0 : index
      %swap3A_84 = tpu.vector_load %arg16[%swap3A_82, %swap3A_83] {strides = array<i32>} : memref<4x128xf32, #tpu.memory_space<vmem>>, vector<1x16xf32>,
      %swap3A_85 = vector.shape_cast %swap3A_84 : vector<1x16xf32> to vector<16xf32>
      %swap3A_86 = vector.shape_cast %broadcast_in_dim3A_75 : vector<16xf32> to vector<1x16xf32>
      tpu.vector_store %arg16[%swap3A_82, %swap3A_83], %swap3A_86 {strides = array<i32>} : memref<4x128xf32, #tpu.memory_space<vmem>>, vector<1x16xf32>,
      %get3A = arith.constant 2 : i64
      %get3A_87 = arith.index_cast %get3A : i64 to index
      %get3A_88 = arith.constant 0 : index
      %get3A_89 = tpu.vector_load %arg14[%get3A_87, %get3A_88] {strides = array<i32>} : memref<16x128xf32, #tpu.memory_space<vmem>>, vector<1x16xf32>,
      %get3A_90 = vector.shape_cast %get3A_89 : vector<1x16xf32> to vector<16xf32>
      %mul3A_91 = vector.broadcast %cond3A : f32 to vector<16xf32>
      %mul3A_92 = arith.mulf %get3A_90, %mul3A_91 : vector<16xf32>
      %swap3A_93 = arith.constant 2 : i64
      %swap3A_94 = arith.index_cast %swap3A_93 : i64 to index
      %swap3A_95 = arith.constant 0 : index
      %swap3A_96 = tpu.vector_load %arg16[%swap3A_94, %swap3A_95] {strides = array<i32>} : memref<4x128xf32, #tpu.memory_space<vmem>>, vector<1x16xf32>,
      %swap3A_97 = vector.shape_cast %swap3A_96 : vector<1x16xf32> to vector<16xf32>
      %swap3A_98 = vector.shape_cast %mul3A_92 : vector<16xf32> to vector<1x16xf32>
      tpu.vector_store %arg16[%swap3A_94, %swap3A_95], %swap3A_98 {strides = array<i32>} : memref<4x128xf32, #tpu.memory_space<vmem>>, vector<1x16xf32>,
      %get3A_99 = arith.constant 3 : i64
      %get3A_100 = arith.index_cast %get3A_99 : i64 to index
      %get3A_101 = arith.constant 0 : index
      %get3A_102 = tpu.vector_load %arg14[%get3A_100, %get3A_101] {strides = array<i32>} : memref<16x128xf32, #tpu.memory_space<vmem>>, vector<1x16xf32>,
      %get3A_103 = vector.shape_cast %get3A_102 : vector<1x16xf32> to vector<16xf32>
      %get3A_104 = arith.constant 3 : i64
      %get3A_105 = arith.index_cast %get3A_104 : i64 to index
      %get3A_106 = arith.constant 0 : index
      %get3A_107 = tpu.vector_load %arg15[%get3A_105, %get3A_106] {strides = array<i32>} : memref<16x128xf32, #tpu.memory_space<vmem>>, vector<1x16xf32>,
      %get3A_108 = vector.shape_cast %get3A_107 : vector<1x16xf32> to vector<16xf32>
      %add3A_109 = arith.addf %get3A_103, %get3A_108 : vector<16xf32>
      %mul3A_110 = vector.broadcast %cond3A : f32 to vector<16xf32>
      %mul3A_111 = arith.mulf %add3A_109, %mul3A_110 : vector<16xf32>
      %swap3A_112 = arith.constant 3 : i64
      %swap3A_113 = arith.index_cast %swap3A_112 : i64 to index
      %swap3A_114 = arith.constant 0 : index
      %swap3A_115 = tpu.vector_load %arg16[%swap3A_113, %swap3A_114] {strides = array<i32>} : memref<4x128xf32, #tpu.memory_space<vmem>>, vector<1x16xf32>,
      %swap3A_116 = vector.shape_cast %swap3A_115 : vector<1x16xf32> to vector<16xf32>
      %swap3A_117 = vector.shape_cast %mul3A_111 : vector<16xf32> to vector<1x16xf32>
      tpu.vector_store %arg16[%swap3A_113, %swap3A_114], %swap3A_117 {strides = array<i32>} : memref<4x128xf32, #tpu.memory_space<vmem>>, vector<1x16xf32>,
      %swap3A_118 = arith.constant 0 : i64
      %swap3A_119 = arith.index_cast %swap3A_118 : i64 to index
      %swap3A_120 = arith.constant 16 : index
      %swap3A_121 = tpu.vector_load %arg16[%swap3A_119, %swap3A_120] {strides = array<i32>} : memref<4x128xf32, #tpu.memory_space<vmem>>, vector<1x16xf32>,
      %swap3A_122 = vector.shape_cast %swap3A_121 : vector<1x16xf32> to vector<16xf32>
      %swap3A_123 = vector.shape_cast %broadcast_in_dim3A_75 : vector<16xf32> to vector<1x16xf32>
      tpu.vector_store %arg16[%swap3A_119, %swap3A_120], %swap3A_123 {strides = array<i32>} : memref<4x128xf32, #tpu.memory_space<vmem>>, vector<1x16xf32>,
      %swap3A_124 = arith.constant 1 : i64
      %swap3A_125 = arith.index_cast %swap3A_124 : i64 to index
      %swap3A_126 = arith.constant 16 : index
      %swap3A_127 = tpu.vector_load %arg16[%swap3A_125, %swap3A_126] {strides = array<i32>} : memref<4x128xf32, #tpu.memory_space<vmem>>, vector<1x16xf32>,
      %swap3A_128 = vector.shape_cast %swap3A_127 : vector<1x16xf32> to vector<16xf32>
      %swap3A_129 = vector.shape_cast %broadcast_in_dim3A_75 : vector<16xf32> to vector<1x16xf32>
      tpu.vector_store %arg16[%swap3A_125, %swap3A_126], %swap3A_129 {strides = array<i32>} : memref<4x128xf32, #tpu.memory_space<vmem>>, vector<1x16xf32>,
      %get3A_130 = arith.constant 2 : i64
      %get3A_131 = arith.index_cast %get3A_130 : i64 to index
      %get3A_132 = arith.constant 16 : index
      %get3A_133 = tpu.vector_load %arg14[%get3A_131, %get3A_132] {strides = array<i32>} : memref<16x128xf32, #tpu.memory_space<vmem>>, vector<1x16xf32>,
      %get3A_134 = vector.shape_cast %get3A_133 : vector<1x16xf32> to vector<16xf32>
      %mul3A_135 = vector.broadcast %cond3A : f32 to vector<16xf32>
      %mul3A_136 = arith.mulf %get3A_134, %mul3A_135 : vector<16xf32>
      %swap3A_137 = arith.constant 2 : i64
      %swap3A_138 = arith.index_cast %swap3A_137 : i64 to index
      %swap3A_139 = arith.constant 16 : index
      %swap3A_140 = tpu.vector_load %arg16[%swap3A_138, %swap3A_139] {strides = array<i32>} : memref<4x128xf32, #tpu.memory_space<vmem>>, vector<1x16xf32>,
      %swap3A_141 = vector.shape_cast %swap3A_140 : vector<1x16xf32> to vector<16xf32>
      %swap3A_142 = vector.shape_cast %mul3A_136 : vector<16xf32> to vector<1x16xf32>
      tpu.vector_store %arg16[%swap3A_138, %swap3A_139], %swap3A_142 {strides = array<i32>} : memref<4x128xf32, #tpu.memory_space<vmem>>, vector<1x16xf32>,
      %get3A_143 = arith.constant 3 : i64
      %get3A_144 = arith.index_cast %get3A_143 : i64 to index
      %get3A_145 = arith.constant 16 : index
      %get3A_146 = tpu.vector_load %arg14[%get3A_144, %get3A_145] {strides = array<i32>} : memref<16x128xf32, #tpu.memory_space<vmem>>, vector<1x16xf32>,
      %get3A_147 = vector.shape_cast %get3A_146 : vector<1x16xf32> to vector<16xf32>
      %get3A_148 = arith.constant 3 : i64
      %get3A_149 = arith.index_cast %get3A_148 : i64 to index
      %get3A_150 = arith.constant 16 : index
      %get3A_151 = tpu.vector_load %arg15[%get3A_149, %get3A_150] {strides = array<i32>} : memref<16x128xf32, #tpu.memory_space<vmem>>, vector<1x16xf32>,
      %get3A_152 = vector.shape_cast %get3A_151 : vector<1x16xf32> to vector<16xf32>
      %add3A_153 = arith.addf %get3A_147, %get3A_152 : vector<16xf32>
      %mul3A_154 = vector.broadcast %cond3A : f32 to vector<16xf32>
      %mul3A_155 = arith.mulf %add3A_153, %mul3A_154 : vector<16xf32>
      %swap3A_156 = arith.constant 3 : i64
      %swap3A_157 = arith.index_cast %swap3A_156 : i64 to index
      %swap3A_158 = arith.constant 16 : index
      %swap3A_159 = tpu.vector_load %arg16[%swap3A_157, %swap3A_158] {strides = array<i32>} : memref<4x128xf32, #tpu.memory_space<vmem>>, vector<1x16xf32>,
      %swap3A_160 = vector.shape_cast %swap3A_159 : vector<1x16xf32> to vector<16xf32>
      %swap3A_161 = vector.shape_cast %mul3A_155 : vector<16xf32> to vector<1x16xf32>
      tpu.vector_store %arg16[%swap3A_157, %swap3A_158], %swap3A_161 {strides = array<i32>} : memref<4x128xf32, #tpu.memory_space<vmem>>, vector<1x16xf32>,
      %swap3A_162 = arith.constant 0 : i64
      %swap3A_163 = arith.index_cast %swap3A_162 : i64 to index
      %swap3A_164 = arith.constant 32 : index
      %swap3A_165 = tpu.vector_load %arg16[%swap3A_163, %swap3A_164] {strides = array<i32>} : memref<4x128xf32, #tpu.memory_space<vmem>>, vector<1x16xf32>,
      %swap3A_166 = vector.shape_cast %swap3A_165 : vector<1x16xf32> to vector<16xf32>
      %swap3A_167 = vector.shape_cast %broadcast_in_dim3A_75 : vector<16xf32> to vector<1x16xf32>
      tpu.vector_store %arg16[%swap3A_163, %swap3A_164], %swap3A_167 {strides = array<i32>} : memref<4x128xf32, #tpu.memory_space<vmem>>, vector<1x16xf32>,
      %swap3A_168 = arith.constant 1 : i64
      %swap3A_169 = arith.index_cast %swap3A_168 : i64 to index
      %swap3A_170 = arith.constant 32 : index
      %swap3A_171 = tpu.vector_load %arg16[%swap3A_169, %swap3A_170] {strides = array<i32>} : memref<4x128xf32, #tpu.memory_space<vmem>>, vector<1x16xf32>,
      %swap3A_172 = vector.shape_cast %swap3A_171 : vector<1x16xf32> to vector<16xf32>
      %swap3A_173 = vector.shape_cast %broadcast_in_dim3A_75 : vector<16xf32> to vector<1x16xf32>
      tpu.vector_store %arg16[%swap3A_169, %swap3A_170], %swap3A_173 {strides = array<i32>} : memref<4x128xf32, #tpu.memory_space<vmem>>, vector<1x16xf32>,
      %get3A_174 = arith.constant 2 : i64
      %get3A_175 = arith.index_cast %get3A_174 : i64 to index
      %get3A_176 = arith.constant 32 : index
      %get3A_177 = tpu.vector_load %arg14[%get3A_175, %get3A_176] {strides = array<i32>} : memref<16x128xf32, #tpu.memory_space<vmem>>, vector<1x16xf32>,
      %get3A_178 = vector.shape_cast %get3A_177 : vector<1x16xf32> to vector<16xf32>
      %mul3A_179 = vector.broadcast %cond3A : f32 to vector<16xf32>
      %mul3A_180 = arith.mulf %get3A_178, %mul3A_179 : vector<16xf32>
      %swap3A_181 = arith.constant 2 : i64
      %swap3A_182 = arith.index_cast %swap3A_181 : i64 to index
      %swap3A_183 = arith.constant 32 : index
      %swap3A_184 = tpu.vector_load %arg16[%swap3A_182, %swap3A_183] {strides = array<i32>} : memref<4x128xf32, #tpu.memory_space<vmem>>, vector<1x16xf32>,
      %swap3A_185 = vector.shape_cast %swap3A_184 : vector<1x16xf32> to vector<16xf32>
      %swap3A_186 = vector.shape_cast %mul3A_180 : vector<16xf32> to vector<1x16xf32>
      tpu.vector_store %arg16[%swap3A_182, %swap3A_183], %swap3A_186 {strides = array<i32>} : memref<4x128xf32, #tpu.memory_space<vmem>>, vector<1x16xf32>,
      %get3A_187 = arith.constant 3 : i64
      %get3A_188 = arith.index_cast %get3A_187 : i64 to index
      %get3A_189 = arith.constant 32 : index
      %get3A_190 = tpu.vector_load %arg14[%get3A_188, %get3A_189] {strides = array<i32>} : memref<16x128xf32, #tpu.memory_space<vmem>>, vector<1x16xf32>,
      %get3A_191 = vector.shape_cast %get3A_190 : vector<1x16xf32> to vector<16xf32>
      %get3A_192 = arith.constant 3 : i64
      %get3A_193 = arith.index_cast %get3A_192 : i64 to index
      %get3A_194 = arith.constant 32 : index
      %get3A_195 = tpu.vector_load %arg15[%get3A_193, %get3A_194] {strides = array<i32>} : memref<16x128xf32, #tpu.memory_space<vmem>>, vector<1x16xf32>,
      %get3A_196 = vector.shape_cast %get3A_195 : vector<1x16xf32> to vector<16xf32>
      %add3A_197 = arith.addf %get3A_191, %get3A_196 : vector<16xf32>
      %mul3A_198 = vector.broadcast %cond3A : f32 to vector<16xf32>
      %mul3A_199 = arith.mulf %add3A_197, %mul3A_198 : vector<16xf32>
      %swap3A_200 = arith.constant 3 : i64
      %swap3A_201 = arith.index_cast %swap3A_200 : i64 to index
      %swap3A_202 = arith.constant 32 : index
      %swap3A_203 = tpu.vector_load %arg16[%swap3A_201, %swap3A_202] {strides = array<i32>} : memref<4x128xf32, #tpu.memory_space<vmem>>, vector<1x16xf32>,
      %swap3A_204 = vector.shape_cast %swap3A_203 : vector<1x16xf32> to vector<16xf32>
      %swap3A_205 = vector.shape_cast %mul3A_199 : vector<16xf32> to vector<1x16xf32>
      tpu.vector_store %arg16[%swap3A_201, %swap3A_202], %swap3A_205 {strides = array<i32>} : memref<4x128xf32, #tpu.memory_space<vmem>>, vector<1x16xf32>,
      %swap3A_206 = arith.constant 0 : i64
      %swap3A_207 = arith.index_cast %swap3A_206 : i64 to index
      %swap3A_208 = arith.constant 48 : index
      %swap3A_209 = tpu.vector_load %arg16[%swap3A_207, %swap3A_208] {strides = array<i32>} : memref<4x128xf32, #tpu.memory_space<vmem>>, vector<1x16xf32>,
      %swap3A_210 = vector.shape_cast %swap3A_209 : vector<1x16xf32> to vector<16xf32>
      %swap3A_211 = vector.shape_cast %broadcast_in_dim3A_75 : vector<16xf32> to vector<1x16xf32>
      tpu.vector_store %arg16[%swap3A_207, %swap3A_208], %swap3A_211 {strides = array<i32>} : memref<4x128xf32, #tpu.memory_space<vmem>>, vector<1x16xf32>,
      %swap3A_212 = arith.constant 1 : i64
      %swap3A_213 = arith.index_cast %swap3A_212 : i64 to index
      %swap3A_214 = arith.constant 48 : index
      %swap3A_215 = tpu.vector_load %arg16[%swap3A_213, %swap3A_214] {strides = array<i32>} : memref<4x128xf32, #tpu.memory_space<vmem>>, vector<1x16xf32>,
      %swap3A_216 = vector.shape_cast %swap3A_215 : vector<1x16xf32> to vector<16xf32>
      %swap3A_217 = vector.shape_cast %broadcast_in_dim3A_75 : vector<16xf32> to vector<1x16xf32>
      tpu.vector_store %arg16[%swap3A_213, %swap3A_214], %swap3A_217 {strides = array<i32>} : memref<4x128xf32, #tpu.memory_space<vmem>>, vector<1x16xf32>,
      %get3A_218 = arith.constant 2 : i64
      %get3A_219 = arith.index_cast %get3A_218 : i64 to index
      %get3A_220 = arith.constant 48 : index
      %get3A_221 = tpu.vector_load %arg14[%get3A_219, %get3A_220] {strides = array<i32>} : memref<16x128xf32, #tpu.memory_space<vmem>>, vector<1x16xf32>,
      %get3A_222 = vector.shape_cast %get3A_221 : vector<1x16xf32> to vector<16xf32>
      %mul3A_223 = vector.broadcast %cond3A : f32 to vector<16xf32>
      %mul3A_224 = arith.mulf %get3A_222, %mul3A_223 : vector<16xf32>
      %swap3A_225 = arith.constant 2 : i64
      %swap3A_226 = arith.index_cast %swap3A_225 : i64 to index
      %swap3A_227 = arith.constant 48 : index
      %swap3A_228 = tpu.vector_load %arg16[%swap3A_226, %swap3A_227] {strides = array<i32>} : memref<4x128xf32, #tpu.memory_space<vmem>>, vector<1x16xf32>,
      %swap3A_229 = vector.shape_cast %swap3A_228 : vector<1x16xf32> to vector<16xf32>
      %swap3A_230 = vector.shape_cast %mul3A_224 : vector<16xf32> to vector<1x16xf32>
      tpu.vector_store %arg16[%swap3A_226, %swap3A_227], %swap3A_230 {strides = array<i32>} : memref<4x128xf32, #tpu.memory_space<vmem>>, vector<1x16xf32>,
      %get3A_231 = arith.constant 3 : i64
      %get3A_232 = arith.index_cast %get3A_231 : i64 to index
      %get3A_233 = arith.constant 48 : index
      %get3A_234 = tpu.vector_load %arg14[%get3A_232, %get3A_233] {strides = array<i32>} : memref<16x128xf32, #tpu.memory_space<vmem>>, vector<1x16xf32>,
      %get3A_235 = vector.shape_cast %get3A_234 : vector<1x16xf32> to vector<16xf32>
      %get3A_236 = arith.constant 3 : i64
      %get3A_237 = arith.index_cast %get3A_236 : i64 to index
      %get3A_238 = arith.constant 48 : index
      %get3A_239 = tpu.vector_load %arg15[%get3A_237, %get3A_238] {strides = array<i32>} : memref<16x128xf32, #tpu.memory_space<vmem>>, vector<1x16xf32>,
      %get3A_240 = vector.shape_cast %get3A_239 : vector<1x16xf32> to vector<16xf32>
      %add3A_241 = arith.addf %get3A_235, %get3A_240 : vector<16xf32>
      %mul3A_242 = vector.broadcast %cond3A : f32 to vector<16xf32>
      %mul3A_243 = arith.mulf %add3A_241, %mul3A_242 : vector<16xf32>
      %swap3A_244 = arith.constant 3 : i64
      %swap3A_245 = arith.index_cast %swap3A_244 : i64 to index
      %swap3A_246 = arith.constant 48 : index
      %swap3A_247 = tpu.vector_load %arg16[%swap3A_245, %swap3A_246] {strides = array<i32>} : memref<4x128xf32, #tpu.memory_space<vmem>>, vector<1x16xf32>,
      %swap3A_248 = vector.shape_cast %swap3A_247 : vector<1x16xf32> to vector<16xf32>
      %swap3A_249 = vector.shape_cast %mul3A_243 : vector<16xf32> to vector<1x16xf32>
      tpu.vector_store %arg16[%swap3A_245, %swap3A_246], %swap3A_249 {strides = array<i32>} : memref<4x128xf32, #tpu.memory_space<vmem>>, vector<1x16xf32>,
      %swap3A_250 = arith.constant 0 : i64
      %swap3A_251 = arith.index_cast %swap3A_250 : i64 to index
      %swap3A_252 = arith.constant 64 : index
      %swap3A_253 = tpu.vector_load %arg16[%swap3A_251, %swap3A_252] {strides = array<i32>} : memref<4x128xf32, #tpu.memory_space<vmem>>, vector<1x16xf32>,
      %swap3A_254 = vector.shape_cast %swap3A_253 : vector<1x16xf32> to vector<16xf32>
      %swap3A_255 = vector.shape_cast %broadcast_in_dim3A_75 : vector<16xf32> to vector<1x16xf32>
      tpu.vector_store %arg16[%swap3A_251, %swap3A_252], %swap3A_255 {strides = array<i32>} : memref<4x128xf32, #tpu.memory_space<vmem>>, vector<1x16xf32>,
      %swap3A_256 = arith.constant 1 : i64
      %swap3A_257 = arith.index_cast %swap3A_256 : i64 to index
      %swap3A_258 = arith.constant 64 : index
      %swap3A_259 = tpu.vector_load %arg16[%swap3A_257, %swap3A_258] {strides = array<i32>} : memref<4x128xf32, #tpu.memory_space<vmem>>, vector<1x16xf32>,
      %swap3A_260 = vector.shape_cast %swap3A_259 : vector<1x16xf32> to vector<16xf32>
      %swap3A_261 = vector.shape_cast %broadcast_in_dim3A_75 : vector<16xf32> to vector<1x16xf32>
      tpu.vector_store %arg16[%swap3A_257, %swap3A_258], %swap3A_261 {strides = array<i32>} : memref<4x128xf32, #tpu.memory_space<vmem>>, vector<1x16xf32>,
      %get3A_262 = arith.constant 2 : i64
      %get3A_263 = arith.index_cast %get3A_262 : i64 to index
      %get3A_264 = arith.constant 64 : index
      %get3A_265 = tpu.vector_load %arg14[%get3A_263, %get3A_264] {strides = array<i32>} : memref<16x128xf32, #tpu.memory_space<vmem>>, vector<1x16xf32>,
      %get3A_266 = vector.shape_cast %get3A_265 : vector<1x16xf32> to vector<16xf32>
      %mul3A_267 = vector.broadcast %cond3A : f32 to vector<16xf32>
      %mul3A_268 = arith.mulf %get3A_266, %mul3A_267 : vector<16xf32>
      %swap3A_269 = arith.constant 2 : i64
      %swap3A_270 = arith.index_cast %swap3A_269 : i64 to index
      %swap3A_271 = arith.constant 64 : index
      %swap3A_272 = tpu.vector_load %arg16[%swap3A_270, %swap3A_271] {strides = array<i32>} : memref<4x128xf32, #tpu.memory_space<vmem>>, vector<1x16xf32>,
      %swap3A_273 = vector.shape_cast %swap3A_272 : vector<1x16xf32> to vector<16xf32>
      %swap3A_274 = vector.shape_cast %mul3A_268 : vector<16xf32> to vector<1x16xf32>
      tpu.vector_store %arg16[%swap3A_270, %swap3A_271], %swap3A_274 {strides = array<i32>} : memref<4x128xf32, #tpu.memory_space<vmem>>, vector<1x16xf32>,
      %get3A_275 = arith.constant 3 : i64
      %get3A_276 = arith.index_cast %get3A_275 : i64 to index
      %get3A_277 = arith.constant 64 : index
      %get3A_278 = tpu.vector_load %arg14[%get3A_276, %get3A_277] {strides = array<i32>} : memref<16x128xf32, #tpu.memory_space<vmem>>, vector<1x16xf32>,
      %get3A_279 = vector.shape_cast %get3A_278 : vector<1x16xf32> to vector<16xf32>
      %get3A_280 = arith.constant 3 : i64
      %get3A_281 = arith.index_cast %get3A_280 : i64 to index
      %get3A_282 = arith.constant 64 : index
      %get3A_283 = tpu.vector_load %arg15[%get3A_281, %get3A_282] {strides = array<i32>} : memref<16x128xf32, #tpu.memory_space<vmem>>, vector<1x16xf32>,
      %get3A_284 = vector.shape_cast %get3A_283 : vector<1x16xf32> to vector<16xf32>
      %add3A_285 = arith.addf %get3A_279, %get3A_284 : vector<16xf32>
      %mul3A_286 = vector.broadcast %cond3A : f32 to vector<16xf32>
      %mul3A_287 = arith.mulf %add3A_285, %mul3A_286 : vector<16xf32>
      %swap3A_288 = arith.constant 3 : i64
      %swap3A_289 = arith.index_cast %swap3A_288 : i64 to index
      %swap3A_290 = arith.constant 64 : index
      %swap3A_291 = tpu.vector_load %arg16[%swap3A_289, %swap3A_290] {strides = array<i32>} : memref<4x128xf32, #tpu.memory_space<vmem>>, vector<1x16xf32>,
      %swap3A_292 = vector.shape_cast %swap3A_291 : vector<1x16xf32> to vector<16xf32>
      %swap3A_293 = vector.shape_cast %mul3A_287 : vector<16xf32> to vector<1x16xf32>
      tpu.vector_store %arg16[%swap3A_289, %swap3A_290], %swap3A_293 {strides = array<i32>} : memref<4x128xf32, #tpu.memory_space<vmem>>, vector<1x16xf32>,
      %swap3A_294 = arith.constant 0 : i64
      %swap3A_295 = arith.index_cast %swap3A_294 : i64 to index
      %swap3A_296 = arith.constant 80 : index
      %swap3A_297 = tpu.vector_load %arg16[%swap3A_295, %swap3A_296] {strides = array<i32>} : memref<4x128xf32, #tpu.memory_space<vmem>>, vector<1x16xf32>,
      %swap3A_298 = vector.shape_cast %swap3A_297 : vector<1x16xf32> to vector<16xf32>
      %swap3A_299 = vector.shape_cast %broadcast_in_dim3A_75 : vector<16xf32> to vector<1x16xf32>
      tpu.vector_store %arg16[%swap3A_295, %swap3A_296], %swap3A_299 {strides = array<i32>} : memref<4x128xf32, #tpu.memory_space<vmem>>, vector<1x16xf32>,
      %swap3A_300 = arith.constant 1 : i64
      %swap3A_301 = arith.index_cast %swap3A_300 : i64 to index
      %swap3A_302 = arith.constant 80 : index
      %swap3A_303 = tpu.vector_load %arg16[%swap3A_301, %swap3A_302] {strides = array<i32>} : memref<4x128xf32, #tpu.memory_space<vmem>>, vector<1x16xf32>,
      %swap3A_304 = vector.shape_cast %swap3A_303 : vector<1x16xf32> to vector<16xf32>
      %swap3A_305 = vector.shape_cast %broadcast_in_dim3A_75 : vector<16xf32> to vector<1x16xf32>
      tpu.vector_store %arg16[%swap3A_301, %swap3A_302], %swap3A_305 {strides = array<i32>} : memref<4x128xf32, #tpu.memory_space<vmem>>, vector<1x16xf32>,
      %get3A_306 = arith.constant 2 : i64
      %get3A_307 = arith.index_cast %get3A_306 : i64 to index
      %get3A_308 = arith.constant 80 : index
      %get3A_309 = tpu.vector_load %arg14[%get3A_307, %get3A_308] {strides = array<i32>} : memref<16x128xf32, #tpu.memory_space<vmem>>, vector<1x16xf32>,
      %get3A_310 = vector.shape_cast %get3A_309 : vector<1x16xf32> to vector<16xf32>
      %mul3A_311 = vector.broadcast %cond3A : f32 to vector<16xf32>
      %mul3A_312 = arith.mulf %get3A_310, %mul3A_311 : vector<16xf32>
      %swap3A_313 = arith.constant 2 : i64
      %swap3A_314 = arith.index_cast %swap3A_313 : i64 to index
      %swap3A_315 = arith.constant 80 : index
      %swap3A_316 = tpu.vector_load %arg16[%swap3A_314, %swap3A_315] {strides = array<i32>} : memref<4x128xf32, #tpu.memory_space<vmem>>, vector<1x16xf32>,
      %swap3A_317 = vector.shape_cast %swap3A_316 : vector<1x16xf32> to vector<16xf32>
      %swap3A_318 = vector.shape_cast %mul3A_312 : vector<16xf32> to vector<1x16xf32>
      tpu.vector_store %arg16[%swap3A_314, %swap3A_315], %swap3A_318 {strides = array<i32>} : memref<4x128xf32, #tpu.memory_space<vmem>>, vector<1x16xf32>,
      %get3A_319 = arith.constant 3 : i64
      %get3A_320 = arith.index_cast %get3A_319 : i64 to index
      %get3A_321 = arith.constant 80 : index
      %get3A_322 = tpu.vector_load %arg14[%get3A_320, %get3A_321] {strides = array<i32>} : memref<16x128xf32, #tpu.memory_space<vmem>>, vector<1x16xf32>,
      %get3A_323 = vector.shape_cast %get3A_322 : vector<1x16xf32> to vector<16xf32>
      %get3A_324 = arith.constant 3 : i64
      %get3A_325 = arith.index_cast %get3A_324 : i64 to index
      %get3A_326 = arith.constant 80 : index
      %get3A_327 = tpu.vector_load %arg15[%get3A_325, %get3A_326] {strides = array<i32>} : memref<16x128xf32, #tpu.memory_space<vmem>>, vector<1x16xf32>,
      %get3A_328 = vector.shape_cast %get3A_327 : vector<1x16xf32> to vector<16xf32>
      %add3A_329 = arith.addf %get3A_323, %get3A_328 : vector<16xf32>
      %mul3A_330 = vector.broadcast %cond3A : f32 to vector<16xf32>
      %mul3A_331 = arith.mulf %add3A_329, %mul3A_330 : vector<16xf32>
      %swap3A_332 = arith.constant 3 : i64
      %swap3A_333 = arith.index_cast %swap3A_332 : i64 to index
      %swap3A_334 = arith.constant 80 : index
      %swap3A_335 = tpu.vector_load %arg16[%swap3A_333, %swap3A_334] {strides = array<i32>} : memref<4x128xf32, #tpu.memory_space<vmem>>, vector<1x16xf32>,
      %swap3A_336 = vector.shape_cast %swap3A_335 : vector<1x16xf32> to vector<16xf32>
      %swap3A_337 = vector.shape_cast %mul3A_331 : vector<16xf32> to vector<1x16xf32>
      tpu.vector_store %arg16[%swap3A_333, %swap3A_334], %swap3A_337 {strides = array<i32>} : memref<4x128xf32, #tpu.memory_space<vmem>>, vector<1x16xf32>,
      %swap3A_338 = arith.constant 0 : i64
      %swap3A_339 = arith.index_cast %swap3A_338 : i64 to index
      %swap3A_340 = arith.constant 96 : index
      %swap3A_341 = tpu.vector_load %arg16[%swap3A_339, %swap3A_340] {strides = array<i32>} : memref<4x128xf32, #tpu.memory_space<vmem>>, vector<1x16xf32>,
      %swap3A_342 = vector.shape_cast %swap3A_341 : vector<1x16xf32> to vector<16xf32>
      %swap3A_343 = vector.shape_cast %broadcast_in_dim3A_75 : vector<16xf32> to vector<1x16xf32>
      tpu.vector_store %arg16[%swap3A_339, %swap3A_340], %swap3A_343 {strides = array<i32>} : memref<4x128xf32, #tpu.memory_space<vmem>>, vector<1x16xf32>,
      %swap3A_344 = arith.constant 1 : i64
      %swap3A_345 = arith.index_cast %swap3A_344 : i64 to index
      %swap3A_346 = arith.constant 96 : index
      %swap3A_347 = tpu.vector_load %arg16[%swap3A_345, %swap3A_346] {strides = array<i32>} : memref<4x128xf32, #tpu.memory_space<vmem>>, vector<1x16xf32>,
      %swap3A_348 = vector.shape_cast %swap3A_347 : vector<1x16xf32> to vector<16xf32>
      %swap3A_349 = vector.shape_cast %broadcast_in_dim3A_75 : vector<16xf32> to vector<1x16xf32>
      tpu.vector_store %arg16[%swap3A_345, %swap3A_346], %swap3A_349 {strides = array<i32>} : memref<4x128xf32, #tpu.memory_space<vmem>>, vector<1x16xf32>,
      %get3A_350 = arith.constant 2 : i64
      %get3A_351 = arith.index_cast %get3A_350 : i64 to index
      %get3A_352 = arith.constant 96 : index
      %get3A_353 = tpu.vector_load %arg14[%get3A_351, %get3A_352] {strides = array<i32>} : memref<16x128xf32, #tpu.memory_space<vmem>>, vector<1x16xf32>,
      %get3A_354 = vector.shape_cast %get3A_353 : vector<1x16xf32> to vector<16xf32>
      %mul3A_355 = vector.broadcast %cond3A : f32 to vector<16xf32>
      %mul3A_356 = arith.mulf %get3A_354, %mul3A_355 : vector<16xf32>
      %swap3A_357 = arith.constant 2 : i64
      %swap3A_358 = arith.index_cast %swap3A_357 : i64 to index
      %swap3A_359 = arith.constant 96 : index
      %swap3A_360 = tpu.vector_load %arg16[%swap3A_358, %swap3A_359] {strides = array<i32>} : memref<4x128xf32, #tpu.memory_space<vmem>>, vector<1x16xf32>,
      %swap3A_361 = vector.shape_cast %swap3A_360 : vector<1x16xf32> to vector<16xf32>
      %swap3A_362 = vector.shape_cast %mul3A_356 : vector<16xf32> to vector<1x16xf32>
      tpu.vector_store %arg16[%swap3A_358, %swap3A_359], %swap3A_362 {strides = array<i32>} : memref<4x128xf32, #tpu.memory_space<vmem>>, vector<1x16xf32>,
      %get3A_363 = arith.constant 3 : i64
      %get3A_364 = arith.index_cast %get3A_363 : i64 to index
      %get3A_365 = arith.constant 96 : index
      %get3A_366 = tpu.vector_load %arg14[%get3A_364, %get3A_365] {strides = array<i32>} : memref<16x128xf32, #tpu.memory_space<vmem>>, vector<1x16xf32>,
      %get3A_367 = vector.shape_cast %get3A_366 : vector<1x16xf32> to vector<16xf32>
      %get3A_368 = arith.constant 3 : i64
      %get3A_369 = arith.index_cast %get3A_368 : i64 to index
      %get3A_370 = arith.constant 96 : index
      %get3A_371 = tpu.vector_load %arg15[%get3A_369, %get3A_370] {strides = array<i32>} : memref<16x128xf32, #tpu.memory_space<vmem>>, vector<1x16xf32>,
      %get3A_372 = vector.shape_cast %get3A_371 : vector<1x16xf32> to vector<16xf32>
      %add3A_373 = arith.addf %get3A_367, %get3A_372 : vector<16xf32>
      %mul3A_374 = vector.broadcast %cond3A : f32 to vector<16xf32>
      %mul3A_375 = arith.mulf %add3A_373, %mul3A_374 : vector<16xf32>
      %swap3A_376 = arith.constant 3 : i64
      %swap3A_377 = arith.index_cast %swap3A_376 : i64 to index
      %swap3A_378 = arith.constant 96 : index
      %swap3A_379 = tpu.vector_load %arg16[%swap3A_377, %swap3A_378] {strides = array<i32>} : memref<4x128xf32, #tpu.memory_space<vmem>>, vector<1x16xf32>,
      %swap3A_380 = vector.shape_cast %swap3A_379 : vector<1x16xf32> to vector<16xf32>
      %swap3A_381 = vector.shape_cast %mul3A_375 : vector<16xf32> to vector<1x16xf32>
      tpu.vector_store %arg16[%swap3A_377, %swap3A_378], %swap3A_381 {strides = array<i32>} : memref<4x128xf32, #tpu.memory_space<vmem>>, vector<1x16xf32>,
      %swap3A_382 = arith.constant 0 : i64
      %swap3A_383 = arith.index_cast %swap3A_382 : i64 to index
      %swap3A_384 = arith.constant 112 : index
      %swap3A_385 = tpu.vector_load %arg16[%swap3A_383, %swap3A_384] {strides = array<i32>} : memref<4x128xf32, #tpu.memory_space<vmem>>, vector<1x16xf32>,
      %swap3A_386 = vector.shape_cast %swap3A_385 : vector<1x16xf32> to vector<16xf32>
      %swap3A_387 = vector.shape_cast %broadcast_in_dim3A_75 : vector<16xf32> to vector<1x16xf32>
      tpu.vector_store %arg16[%swap3A_383, %swap3A_384], %swap3A_387 {strides = array<i32>} : memref<4x128xf32, #tpu.memory_space<vmem>>, vector<1x16xf32>,
      %swap3A_388 = arith.constant 1 : i64
      %swap3A_389 = arith.index_cast %swap3A_388 : i64 to index
      %swap3A_390 = arith.constant 112 : index
      %swap3A_391 = tpu.vector_load %arg16[%swap3A_389, %swap3A_390] {strides = array<i32>} : memref<4x128xf32, #tpu.memory_space<vmem>>, vector<1x16xf32>,
      %swap3A_392 = vector.shape_cast %swap3A_391 : vector<1x16xf32> to vector<16xf32>
      %swap3A_393 = vector.shape_cast %broadcast_in_dim3A_75 : vector<16xf32> to vector<1x16xf32>
      tpu.vector_store %arg16[%swap3A_389, %swap3A_390], %swap3A_393 {strides = array<i32>} : memref<4x128xf32, #tpu.memory_space<vmem>>, vector<1x16xf32>,
      %get3A_394 = arith.constant 2 : i64
      %get3A_395 = arith.index_cast %get3A_394 : i64 to index
      %get3A_396 = arith.constant 112 : index
      %get3A_397 = tpu.vector_load %arg14[%get3A_395, %get3A_396] {strides = array<i32>} : memref<16x128xf32, #tpu.memory_space<vmem>>, vector<1x16xf32>,
      %get3A_398 = vector.shape_cast %get3A_397 : vector<1x16xf32> to vector<16xf32>
      %mul3A_399 = vector.broadcast %cond3A : f32 to vector<16xf32>
      %mul3A_400 = arith.mulf %get3A_398, %mul3A_399 : vector<16xf32>
      %swap3A_401 = arith.constant 2 : i64
      %swap3A_402 = arith.index_cast %swap3A_401 : i64 to index
      %swap3A_403 = arith.constant 112 : index
      %swap3A_404 = tpu.vector_load %arg16[%swap3A_402, %swap3A_403] {strides = array<i32>} : memref<4x128xf32, #tpu.memory_space<vmem>>, vector<1x16xf32>,
      %swap3A_405 = vector.shape_cast %swap3A_404 : vector<1x16xf32> to vector<16xf32>
      %swap3A_406 = vector.shape_cast %mul3A_400 : vector<16xf32> to vector<1x16xf32>
      tpu.vector_store %arg16[%swap3A_402, %swap3A_403], %swap3A_406 {strides = array<i32>} : memref<4x128xf32, #tpu.memory_space<vmem>>, vector<1x16xf32>,
      %get3A_407 = arith.constant 3 : i64
      %get3A_408 = arith.index_cast %get3A_407 : i64 to index
      %get3A_409 = arith.constant 112 : index
      %get3A_410 = tpu.vector_load %arg14[%get3A_408, %get3A_409] {strides = array<i32>} : memref<16x128xf32, #tpu.memory_space<vmem>>, vector<1x16xf32>,
      %get3A_411 = vector.shape_cast %get3A_410 : vector<1x16xf32> to vector<16xf32>
      %get3A_412 = arith.constant 3 : i64
      %get3A_413 = arith.index_cast %get3A_412 : i64 to index
      %get3A_414 = arith.constant 112 : index
      %get3A_415 = tpu.vector_load %arg15[%get3A_413, %get3A_414] {strides = array<i32>} : memref<16x128xf32, #tpu.memory_space<vmem>>, vector<1x16xf32>,
      %get3A_416 = vector.shape_cast %get3A_415 : vector<1x16xf32> to vector<16xf32>
      %add3A_417 = arith.addf %get3A_411, %get3A_416 : vector<16xf32>
      %mul3A_418 = vector.broadcast %cond3A : f32 to vector<16xf32>
      %mul3A_419 = arith.mulf %add3A_417, %mul3A_418 : vector<16xf32>
      %swap3A_420 = arith.constant 3 : i64
      %swap3A_421 = arith.index_cast %swap3A_420 : i64 to index
      %swap3A_422 = arith.constant 112 : index
      %swap3A_423 = tpu.vector_load %arg16[%swap3A_421, %swap3A_422] {strides = array<i32>} : memref<4x128xf32, #tpu.memory_space<vmem>>, vector<1x16xf32>,
      %swap3A_424 = vector.shape_cast %swap3A_423 : vector<1x16xf32> to vector<16xf32>
      %swap3A_425 = vector.shape_cast %mul3A_419 : vector<16xf32> to vector<1x16xf32>
      tpu.vector_store %arg16[%swap3A_421, %swap3A_422], %swap3A_425 {strides = array<i32>} : memref<4x128xf32, #tpu.memory_space<vmem>>, vector<1x16xf32>,
      "tpu.region"() ({
        %run_scoped3A = tpu.sem_alloc : memref<!tpu.dma_semaphore, #tpu.memory_space<semaphore_mem>>
        %dma_start3A = arith.constant 0 : i32
        %dma_start3A_426 = tpu.memref_slice %arg6[%mul3A_26, %dma_start3A] : memref<32768x128xf32, #tpu.memory_space<hbm>> -> memref<4x128xf32, #tpu.memory_space<hbm>>
        %dma_start3A_427 = arith.constant 0 : i32
        %dma_start3A_428 = tpu.memref_slice %arg6[%mul3A_26, %dma_start3A_427] : memref<32768x128xf32, #tpu.memory_space<hbm>> -> memref<4x128xf32, #tpu.memory_space<hbm>>
        tpu.enqueue_dma source(%arg16 : memref<4x128xf32, #tpu.memory_space<vmem>>) target(%dma_start3A_428 : memref<4x128xf32, #tpu.memory_space<hbm>>) target_semaphore(%run_scoped3A : memref<!tpu.dma_semaphore, #tpu.memory_space<semaphore_mem>>)
        %dma_wait3A_429 = arith.constant 0 : i32
        %dma_wait3A_430 = tpu.memref_slice %arg6[%mul3A_26, %dma_wait3A_429] : memref<32768x128xf32, #tpu.memory_space<hbm>> -> memref<4x128xf32, #tpu.memory_space<hbm>>
        %dma_wait3A_431 = arith.constant 0 : i32
        %dma_wait3A_432 = tpu.memref_slice %arg6[%mul3A_26, %dma_wait3A_431] : memref<32768x128xf32, #tpu.memory_space<hbm>> -> memref<4x128xf32, #tpu.memory_space<hbm>>
        tpu.wait_dma2 semaphore(%run_scoped3A : memref<!tpu.dma_semaphore, #tpu.memory_space<semaphore_mem>>) src(%arg16 : memref<4x128xf32, #tpu.memory_space<vmem>>) dst(%dma_wait3A_432 : memref<4x128xf32, #tpu.memory_space<hbm>>)
        tpu.yield
      }) : () -> ()
    } else {
    }
    return
  }
}

</mosaic_0001>

<sc_bundles>
// kernel: _sc_embed.3.cloned.1.call-start
scs
__scs_entry_jumppad:
0x0: {  	(pc) =	sbr.rel $0x88, $3  }
0x1: {  	(tag) =	ssettag $0x0;
	lr =	simm.s32 $0x1  }
0x2: {  	[smem:$0x3F9D] =	sst lr;
	_ =	strace $0xD0000000  }
0x3: {  	_ = 	snop  }
0x4: {  	_ = 	snop  }
0x5: {  	_ = 	snop  }
0x6: {  	_ = 	snop  }
0x7: {  	_ = 	snop  }
__scs_overlays_trampoline_lowered:
0x8: {  	[smem:$0x3FAC] =	sst s0  }
0x9: {  	[smem:$0x3FAD] =	sst s1  }
0xa: {  	[smem:$0x3FAE] =	sst s2  }
0xb: {  	[smem:$0x3FAF] =	sst s3  }
0xc: {  	[smem:$0x3FB0] =	sst s4  }
0xd: {  	[smem:$0x3FB1] =	sst s5  }
0xe: {  	[smem:$0x3FB2] =	sst s6  }
0xf: {  	[smem:$0x3FB3] =	sst s7  }
0x10: {  	[smem:$0x3FB4] =	sst s8  }
0x11: {  	[smem:$0x3FB5] =	sst s9;
	s0 =	simm.s32 @!p0 $0x0  }
0x12: {  	s1 =	sld [smem:$0x3F9B];
	s0 =	simm.s32 @p0 $0x1  }
0x13: {  	[smem:$0x3FB6] =	sst s0;
	s0 =	simm.s32 @!p1 $0x0  }
0x14: {  	s2 =	sld [smem:$0x3F9A];
	s0 =	simm.s32 @p1 $0x1  }
0x15: {  	[smem:$0x3FB7] =	sst s0;
	s0 =	simm.s32 @!p2 $0x0  }
0x16: {  	s3 =	sld [smem:$0x3FDB];
	s0 =	simm.s32 @p2 $0x1  }
0x17: {  	s4 =	simm.s32 $0x1BF5;
	[smem:$0x3FB9] =	sst s0  }
0x18: {  	s0 =	sld [smem:$0x3F9C];
	_ =	swait.ge [sflag:s4], $0x0  }
0x19: {  	s7 =	sld [smem:$0x3F9D]  }
0x1a: {  	s8 =	sadd.s32 $0xFFFFE003, lr  }
0x1b: {  	s9 =	sadd.s32 $0xFFFFFEF7, lr;
	s5 =	simm.s32 $0xFFFFFFFF;
	p2 =	slt.u32 s8, $0xFFFFF086  }
0x1c: {  	p1 =	slt.u32 s9, $0xF7A;
	s5 =	simm.s32 @!p2 $0x0  }
0x1d: {  	s5 =	simm.s32 @p1 $0x1;
	p0 =	seq.s32 s7, s2  }
0x1e: {  	s7 =	smul.u32 @!p0 $0xF7A, s2;
	p2 =	seq.s32 @!p0 s5, $0x0  }
0x1f: {  	s9 =	smul.u32 $0xF7A, s1;
	s8 =	simm.s32 @!p0 $0x1BF5;
	p2 =	por !p2, p0  }
0x20: {  	[sflag:s8] =	ssyncset.s32 @!p0 $0xFFFFF086;
	s6 =	sadd.s32 @!p0 s3, s7;
	s7 =	simm.s32 @!p0 $0x108  }
0x21: {  	s3 =	sadd.s32 s3, s9;
	s6 =	sadd.s32 @!p0 $0x88, s6;
	s7 =	simm.s32 @p2 $0x1082  }
0x22: {  	[simem:s7], [sflag:s8] =	dma.local @!p0 [hbm:s6], $0xF7A  }
0x23: {  	s9 =	sor.u32 $0xD0000000, s2;
	s6 =	simm.s32 $0x108;
	_ =	swait.ge @!p0 [sflag:s8], $0x0  }
0x24: {  	s3 =	sadd.s32 $0x88, s3;
	s6 =	simm.s32 @!p1 $0x1082;
	[sflag:s4] =	ssyncset.s32 $0xFFFFF086  }
0x25: {  	[simem:s6], [sflag:s4] =	dma.local [hbm:s3], $0xF7A  }
0x26: {  	[smem:$0x3F9D] =	sst s1;
	(tag) =	ssettag s2;
	_ =	strace s9  }
0x27: {  	s1 =	sld [smem:$0x3FAD]  }
0x28: {  	s2 =	sld [smem:$0x3FAE]  }
0x29: {  	s4 =	sld [smem:$0x3FB0]  }
0x2a: {  	p0 =	seq.s32 s5, $0x0;
	s5 =	sld [smem:$0x3FB1]  }
0x2b: {  	s6 =	sld [smem:$0x3FB2]  }
0x2c: {  	s7 =	sld [smem:$0x3FB3]  }
0x2d: {  	s3 =	simm.s32 $0x108;
	s8 =	sld [smem:$0x3FB4]  }
0x2e: {  	s3 =	simm.s32 @!p0 $0x1082;
	s9 =	sld [smem:$0x3FB5]  }
0x2f: {  	lr =	sadd.s32 s0, s3;
	s0 =	sld [smem:$0x3FAC]  }
0x30: {  	s3 =	sld [smem:$0x3FAF]  }
0x31: {  	[smem:$0x3FB8] =	sst s10  }
0x32: {  	s10 =	sld [smem:$0x3FB6];
	_ =	sdelay $0x3  }
0x33: {  	p0 =	seq.s32 s10, $0x1;
	s10 =	sld [smem:$0x3FB8];
	_ =	sdelay $0x3  }
0x34: {  	[smem:$0x3FB8] =	sst s10  }
0x35: {  	s10 =	sld [smem:$0x3FB7];
	_ =	sdelay $0x3  }
0x36: {  	p1 =	seq.s32 s10, $0x1;
	s10 =	sld [smem:$0x3FB8];
	_ =	sdelay $0x3  }
0x37: {  	[smem:$0x3FB8] =	sst s10  }
0x38: {  	s10 =	sld [smem:$0x3FB9]  }
0x39: {  	_ = 	snop;
	(pc) =	sbr.ind lr, $3  }
0x3a: {  	_ = 	snop  }
0x3b: {  	_ = 	snop  }
0x3c: {  	p2 =	seq.s32 s10, $0x1;
	s10 =	sld [smem:$0x3FB8]  }
0x3d: {  	_ =	shalt  }
0x3e: {  	_ =	shalt  }
0x3f: {  	_ =	shalt  }
0x40: {  	_ =	shalt  }
0x41: {  	_ =	shalt  }
0x42: {  	_ =	shalt  }
0x43: {  	_ =	shalt  }
0x44: {  	_ =	shalt  }
0x45: {  	_ =	shalt  }
0x46: {  	_ =	shalt  }
0x47: {  	_ =	shalt  }
0x48: {  	_ =	shalt  }
0x49: {  	_ =	shalt  }
0x4a: {  	_ =	shalt  }
0x4b: {  	_ =	shalt  }
0x4c: {  	_ =	shalt  }
0x4d: {  	_ =	shalt  }
0x4e: {  	_ =	shalt  }
0x4f: {  	_ =	shalt  }
0x50: {  	_ =	shalt  }
0x51: {  	_ =	shalt  }
0x52: {  	_ =	shalt  }
0x53: {  	_ =	shalt  }
0x54: {  	_ =	shalt  }
0x55: {  	_ =	shalt  }
0x56: {  	_ =	shalt  }
0x57: {  	_ =	shalt  }
0x58: {  	_ =	shalt  }
0x59: {  	_ =	shalt  }
0x5a: {  	_ =	shalt  }
0x5b: {  	_ =	shalt  }
0x5c: {  	_ =	shalt  }
0x5d: {  	_ =	shalt  }
0x5e: {  	_ =	shalt  }
0x5f: {  	_ =	shalt  }
0x60: {  	_ =	shalt  }
0x61: {  	_ =	shalt  }
0x62: {  	_ =	shalt  }
0x63: {  	_ =	shalt  }
0x64: {  	_ =	shalt  }
0x65: {  	_ =	shalt  }
0x66: {  	_ =	shalt  }
0x67: {  	_ =	shalt  }
0x68: {  	_ =	shalt  }
0x69: {  	_ =	shalt  }
0x6a: {  	_ =	shalt  }
0x6b: {  	_ =	shalt  }
0x6c: {  	_ =	shalt  }
0x6d: {  	_ =	shalt  }
0x6e: {  	_ =	shalt  }
0x6f: {  	_ =	shalt  }
0x70: {  	_ =	shalt  }
0x71: {  	_ =	shalt  }
0x72: {  	_ =	shalt  }
0x73: {  	_ =	shalt  }
0x74: {  	_ =	shalt  }
0x75: {  	_ =	shalt  }
0x76: {  	_ =	shalt  }
0x77: {  	_ =	shalt  }
0x78: {  	_ =	shalt  }
0x79: {  	_ =	shalt  }
0x7a: {  	_ =	shalt  }
0x7b: {  	_ =	shalt  }
0x7c: {  	_ =	shalt  }
0x7d: {  	_ =	shalt  }
0x7e: {  	_ =	shalt  }
0x7f: {  	_ =	shalt  }
0x80: {  	_ =	shalt  }
0x81: {  	_ =	shalt  }
0x82: {  	_ =	shalt  }
0x83: {  	_ =	shalt  }
0x84: {  	_ =	shalt  }
0x85: {  	_ =	shalt  }
0x86: {  	_ =	shalt  }
0x87: {  	_ =	shalt  }
.Lfunc_end0:
.L_simem_size_0:
called_computation_lowered:
.L_overlay_start_0:
0x88: {  	s2 =	sld [smem:$0x3FD9]  }
0x89: {  	s3 =	sld [smem:$0x3FFE];
	_ =	sdelay $0x1  }
0x8a: {  	s1 =	srdreg.scid  }
0x8b: {  	s0 =	sand.u32 $0x1, s1  }
0x8c: {  	s18 =	sshll.u32 s0, $0xA;
	s2 =	sadd.s32 s3, s2  }
0x8d: {  	s2 =	sadd.s32 s2, s18  }
0x8e: {  	[smem:$0x3FC4] =	sst s2  }
0x8f: {  	_ = 	snop  }
0x90: {  	s2 =	sld [smem:$0x3FC9]  }
0x91: {  	s19 =	sld [smem:$0x3FC8]  }
0x92: {  	s4 =	sld [smem:$0x3FC7]  }
0x93: {  	s5 =	sld [smem:$0x3FC6]  }
0x94: {  	s6 =	sld [smem:$0x3FD0];
	(tm) =	ssettm $0x1  }
0x95: {  	s7 =	sld [smem:$0x3FFB];
	_ =	sdelay $0x3  }
0x96: {  	_ =	strace s7  }
0x97: {  	s7 =	sld [smem:$0x3FFC];
	_ =	sdelay $0x3  }
0x98: {  	_ =	strace s7  }
0x99: {  	s7 =	sld [smem:$0x3FFD];
	_ =	sdelay $0x3  }
0x9a: {  	_ =	strace s7  }
0x9b: {  	_ =	strace $0x8FFFFFFF  }
0x9c: {  	s20 =	sld [smem:$0x3FDB];
	_ =	sdelay $0x1  }
0x9d: {  	s8 =	simm.s32 $_scs_section_size  }
0x9e: {  	s9 =	simm.s32 $_size__tile_overlayer_lowered;
	s10 =	simm.s32 $_tile_overlayer_lowered  }
0x9f: {  	s23 =	simm.s32 $0x1BFF;
	s22 =	sshll.u32 s10, $0x1;
	s7 =	sadd.s32 s8, s20  }
0xa0: {  	s11 =	simm.s32 $0x0;
	s21 =	sshll.u32 s9, $0x1;
	s9 =	sadd.s32 s22, s7  }
0xa1: {  	[timem:s11], [sflag:s23] =	dma.local [hbm:s9], s21  }
0xa2: {  	_ =	swait.ge [sflag:s23], s21  }
0xa3: {  	s8 =	ssub.s32 $0x0, s21;
	[sflag:s23] =	ssyncset.done $0x0  }
0xa4: {  	[sflag:s23] =	ssyncadd.s32 s8;
	_ =	sdelay $0x1  }
0xa5: {  	s24 =	simm.s32 $0x1B8B  }
0xa6: {  	_ =	swait.ge [sflag:s24], $0x1  }
0xa7: {  	[sflag:s24] =	ssyncset.done $0x0  }
0xa8: {  	s25 =	simm.s32 $0x1B8E;
	[sflag:s24] =	ssyncadd.s32 $0xFFFFFFFF  }
0xa9: {  	s26 =	simm.s32 $execute0_lowered;
	[smem:$0x3FD2] =	sst s25  }
0xaa: {  	s8 =	sshll.u32 s26, $0x1;
	_ =	strace $0x80000046;
	[dreg:$0x1] =	wrdreg $0xFFFFFFFF  }
0xab: {  	s28 =	simm.s32 $_size_execute0_lowered;
	s7 =	sadd.s32 s7, s8;
	[dreg:$0x0] =	wrdreg $0x0  }
0xac: {  	s8 =	sshll.u32 s28, $0x1;
	[dreg:$0x2] =	wrdreg s7  }
0xad: {  	[dreg:$0x3] =	wrdreg s8  }
0xae: {  	[dreg:$0x4] =	wrdreg $0xC0  }
0xaf: {  	_ =	task [dreg:s11], $0x5FFFF  }
0xb0: {  	[dreg:$0x1] =	wrdreg $0xFFFFFFFF  }
0xb1: {  	[dreg:$0x0] =	wrdreg $0x60  }
0xb2: {  	[dreg:$0x2] =	wrdreg s2  }
0xb3: {  	[dreg:$0x3] =	wrdreg s19  }
0xb4: {  	[dreg:$0x4] =	wrdreg s4  }
0xb5: {  	[dreg:$0x5] =	wrdreg s5  }
0xb6: {  	[dreg:$0x6] =	wrdreg s6  }
0xb7: {  	[dreg:$0x7] =	wrdreg $0x9  }
0xb8: {  	_ =	task.clear_ibuf [dreg:s11], $0x8FFFF;
	_ =	strace $0x90000046  }
0xb9: {  	s29 =	simm.s32 $0x9;
	_ =	strace $0x80000048  }
0xba: {  	_ =	swait.ge [sflag:s29], $0x1  }
0xbb: {  	[sflag:s29] =	ssyncadd.s32 $0xFFFFFFFF  }
0xbc: {  	_ =	strace $0x90000048  }
0xbd: {  	_ =	sfence  }
0xbe: {  	s30 =	sld [smem:$0x0];
	_ =	sdelay $0x2  }
0xbf: {  	s31 =	sshll.u32 s1, $0xD;
	s1 =	sshrl.u32 s1, $0x2  }
0xc0: {  	s3 =	sand.u32 $0x4000, s31;
	s1 =	sadd.s32 s1, s30  }
0xc1: {  	s0 =	sor.u32 s3, s0;
	s1 =	sshll.u32 s1, $0x11  }
0xc2: {  	s0 =	sor.u32 s1, s0  }
0xc3: {  	s0 =	sadd.s32 $0x8F2B, s0  }
0xc4: {  	[sflag:s0] =	ssyncadd.remote.s32 $0x1  }
0xc5: {  	_ =	sfence.sel $0xFFFF  }
0xc6: {  	[dreg:$0x0] =	wrdreg $0xFFFFFFFF;
	(pc) =	sbr.abs _section_cstart, $3  }
0xc7: {  	[dreg:$0x1] =	wrdreg $0xFFFFFFFF  }
0xc8: {  	_ =	task.clear_ibuf [dreg:s11], $0x2FFFF;
	_ =	strace $0x9FFFFFFF  }
0xc9: {  	(tm) =	ssettm $0x7FFFFFFF  }
tec
execute0_lowered:
.L_overlay_start_1:
0x0: {  	(tag) =	ssettag $0x1  }
0x1: {  	s0 =	rddreg [dreg:$0x0]  }
0x2: {  	s1 =	srdreg.scid;
	s3 =	stileid.u32  }
0x3: {  	s7 =	rddreg [dreg:$0x4];
	s6 =	simm.s32 $0x0;
	s1 =	sand.u32 $0x1, s1  }
0x4: {  	s2 =	sshll.u32 s3, $0x1;
	s3 =	sshrl.u32 s3, $0x2;
	[smem:$0x7FF] =	sst s6  }
0x5: {  	v0 =	vimm.s32 $0xECA86420;
	vm0 =	vcmask $0xB08;
	s2 =	sor.u32 s1, s2;
	s4 =	sshll.u32 s3, $0x3;
	s3 =	smul.u32 $0x2008, s3  }
0x6: {  	vm1 =	vcmask $0x1310;
	vm2 =	vcmask $0x1B18;
	vm3 =	vcmask $0x300;
	s1 =	ssub.s32 $0x2, s1;
	_ =	strace $0x80000047;
	s5 =	ssub.s32 s2, s4  }
0x7: {  	vm4 =	vcmask $0x2320;
	vm5 =	vcmask $0x2B28;
	v2 =	vlaneseq.u32;
	s28 =	sshrl.u32 s1, $0x1;
	s29 =	sshll.u32 s2, $0x11;
	s5 =	sshll.u32 s5, $0xA  }
.Ltmp0:
0x8: {  	vm6 =	vcmask $0x3330;
	vm7 =	vcmask $0x3B38;
	vm8 =	vmmov $0xff;
	s1 =	ssub.s32 s1, s28;
	s3 =	sadd.s32 s3, s5;
	(pc) =	sbr.rel .LBB2_1-.Ltmp0, $4  }
0x9: {  	vm9 =	vcmask $0x704;
	vm10 =	vcmask $0xF0C;
	vm11 =	vcmask $0x1714;
	[dreg:$0x6] =	wrdreg s29;
	s31 =	smax.u32 s1, $0x1;
	s3 =	sshrl.u32 s3, $0x3  }
0xa: {  	vm12 =	vcmask $0x1F1C;
	vm13 =	vcmask $0x2724;
	v1 =	vunpack.c.l.s4.s8 v0;
	s30 =	sshll.u32 s2, $0xE;
	[dreg:$0x9] =	wrdreg s31;
	s0 =	sadd.s32 s0, s3  }
0xb: {  	vm14 =	vcmask $0x2F2C;
	vm15 =	vcmask $0x3734;
	v3 =	vimm.s32 $0xFFFF3CB0;
	[dreg:$0x7] =	wrdreg s0;
	s0 =	sadd.s32 s7, s30  }
0xc: {  	v0 =	vimm.f32 $0.0e+00;
	v2 =	vmul.u32 $0x2, v2;
	v1 =	vunpack.c.0.s8.s32 v1;
	p0 =	sne.s32 s2, s4;
	s3 =	simm.s32 $0x0;
	[dreg:$0x8] =	wrdreg s0  }
.LBB2_15:
0xd: {  	s3 =	sadd.s32 $0x1, s3;
	s0 =	rddreg [dreg:$0x9]  }
0xe: {  	p1 =	sne.s32 s3, s0  }
.Ltmp1:
0xf: {  	_ = 	snop;
	(pc) =	sbr.rel @!p1 .LBB2_16-.Ltmp1, $1  }
0x10: {  	_ =	sdelay $0x3  }
.LBB2_1:
0x11: {  	[dreg:$0xa] =	wrdreg s3;
	s0 =	simm.s32 $0x0  }
.Ltmp2:
0x12: {  	s1 =	rddreg [dreg:$0x7];
	s31 =	simm.s32 $0x10;
	(pc) =	sbr.rel .LBB2_2-.Ltmp2, $4  }
0x13: {  	[tilespmem:s0], [sflag:$0x10] =	stream.linear.gather [hbm4b:s1+s0], $0x408, $0x38;
	[tilespmem:$0x1E200] =	vst v63  }
0x14: {  	_ =	swait.ge [sflag:s31], $0x408  }
0x15: {  	[sflag:s31] =	ssyncset.done $0x0  }
0x16: {  	s6 =	simm.s32 $0x2;
	s7 =	simm.s32 $0x0;
	[sflag:s31] =	ssyncadd.s32 $0xFFFFFBF8  }
.LBB2_12:
0x17: {  	s7 =	sadd.s32 $0x1, s7  }
0x18: {  	p1 =	sne.s32 s7, $0xA  }
.Ltmp3:
0x19: {  	_ = 	snop;
	(pc) =	sbr.rel @!p1 .LBB2_13-.Ltmp3, $2  }
0x1a: {  	_ =	sdelay $0x2  }
0x1b: {  	s6 =	sadd.s32 $0x80, s6  }
.LBB2_2:
0x1c: {  	p1 =	slt.u32 s7, $0x2  }
.Ltmp4:
0x1d: {  	_ = 	snop;
	(pc) =	sbr.rel @p1 .LBB2_7-.Ltmp4, $2  }
0x1e: {  	_ =	sdelay $0x2  }
0x1f: {  	s1 =	smov.u32 s7  }
0x20: {  	s1 =	sadd.s32 $0xFFFFFFFE, s7  }
0x21: {  	s0 =	sadd.s32 $0xFFFFFFF7, s7;
	p1 =	slt.u32 s1, $0x7  }
0x22: {  	s0 =	smov.u32 @p1 s1  }
0x23: {  	s2 =	sadd.s32 $0x1, s0  }
0x24: {  	_ =	swait.ge [sflag:s2], $0x4000  }
0x25: {  	[sflag:s2] =	ssyncset.done $0x0  }
0x26: {  	[sflag:s2] =	ssyncadd.s32 $0xFFFFC000  }
0x27: {  	_ =	swait.ge [sflag:s2], $0x4000  }
0x28: {  	[sflag:s2] =	ssyncset.done $0x0  }
0x29: {  	[sflag:s2] =	ssyncadd.s32 $0xFFFFC000  }
0x2a: {  	s3 =	sshll.u32 s0, $0x10;
	_ =	swait.ge [sflag:s2], $0x4000  }
0x2b: {  	s5 =	sshra.s32 s3, $0x2;
	[sflag:s2] =	ssyncset.done $0x0  }
0x2c: {  	[sflag:s2] =	ssyncadd.s32 $0xFFFFC000;
	s2 =	sor.u32 $0xF40, s5  }
0x2d: {  	s4 =	sshll.u32 s0, $0x7;
	v6 =	vld [tilespmem:s2+$0x30]  }
0x2e: {  	s3 =	sadd.s32 $0x80, s4;
	s4 =	sadd.s32 $0x1, s4;
	v9 =	vld [tilespmem:s2+$0xFFFFFFD0]  }
0x2f: {  	p1 =	slt.u32 s4, s3;
	v10 =	vld [tilespmem:s2+$0xFFFFFFE0]  }
.Ltmp5:
0x30: {  	v7 =	vld [tilespmem:s2+$0xFFFFFFF0];
	(pc) =	sbr.rel @!p1 .LBB2_5-.Ltmp5, $4  }
0x31: {  	v5 =	vld [tilespmem:s2+$0x0]  }
0x32: {  	v4 =	vld [tilespmem:s2+$0x10];
	v11 =	vmul.f32 $3.333333430e-01, v6  }
0x33: {  	v6 =	vld [tilespmem:s2+$0x20];
	v9 =	vmul.f32 $3.333333430e-01, v9  }
0x34: {  	v8 =	vld [tilespmem:s2+$0xFFFFFFC0];
	s5 =	sadd.s32 $0x80, s2;
	v10 =	vmul.f32 $3.333333430e-01, v10;
	[tilespmem:s2+$0x30] =	vst v11  }
.LBB2_4:
0x35: {  	v11 =	vld [tilespmem:s5+$0x30];
	s4 =	sadd.s32 $0x1, s4;
	[tilespmem:s2+$0xFFFFFFD0] =	vst v9;
	v7 =	vmul.f32 $3.333333430e-01, v7  }
0x36: {  	v9 =	vld [tilespmem:s5+$0xFFFFFFD0];
	p1 =	slt.u32 s4, s3;
	[tilespmem:s2+$0xFFFFFFE0] =	vst v10;
	v5 =	vmul.f32 $3.333333430e-01, v5  }
0x37: {  	v10 =	vld [tilespmem:s5+$0xFFFFFFE0];
	[tilespmem:s2+$0xFFFFFFF0] =	vst v7;
	v4 =	vmul.f32 $3.333333430e-01, v4  }
.Ltmp6:
0x38: {  	v7 =	vld [tilespmem:s5+$0xFFFFFFF0];
	[tilespmem:s2+$0x0] =	vst v5;
	v6 =	vmul.f32 $3.333333430e-01, v6;
	(pc) =	sbr.rel @p1 .LBB2_4-.Ltmp6, $4  }
0x39: {  	v5 =	vld [tilespmem:s5+$0x0];
	v8 =	vmul.f32 $3.333333430e-01, v8;
	[tilespmem:s2+$0x10] =	vst v4  }
0x3a: {  	v4 =	vld [tilespmem:s5+$0x10];
	v11 =	vmul.f32 $3.333333430e-01, v11;
	[tilespmem:s2+$0x20] =	vst v6  }
0x3b: {  	v9 =	vmul.f32 $3.333333430e-01, v9;
	v6 =	vld [tilespmem:s5+$0x20];
	[tilespmem:s2+$0xFFFFFFC0] =	vst v8;
	s2 =	smov.u32 s5  }
0x3c: {  	s5 =	sadd.s32 $0x80, s5;
	v8 =	vld [tilespmem:s2+$0xFFFFFFC0];
	v10 =	vmul.f32 $3.333333430e-01, v10;
	[tilespmem:s2+$0x30] =	vst v11  }
.LBB2_5:
0x3d: {  	[tilespmem:s2+$0xFFFFFFD0] =	vst v9;
	v7 =	vmul.f32 $3.333333430e-01, v7  }
0x3e: {  	[tilespmem:s2+$0xFFFFFFE0] =	vst v10;
	v5 =	vmul.f32 $3.333333430e-01, v5  }
0x3f: {  	[tilespmem:s2+$0xFFFFFFF0] =	vst v7;
	v4 =	vmul.f32 $3.333333430e-01, v4  }
0x40: {  	[tilespmem:s2+$0x0] =	vst v5;
	v5 =	vmul.f32 $3.333333430e-01, v6  }
0x41: {  	v63 =	vmul.f32 $3.333333430e-01, v8;
	[tilespmem:s2+$0x10] =	vst v4  }
0x42: {  	[tilespmem:s2+$0x20] =	vst v5  }
0x43: {  	p1 =	slt.u32 s7, $0x8;
	[tilespmem:s2+$0xFFFFFFC0] =	vst v63  }
.Ltmp7:
0x44: {  	s1 =	sshll.u32 s1, $0xE;
	s3 =	rddreg [dreg:$0x6];
	(pc) =	sbr.rel @!p1 .LBB2_12-.Ltmp7, $4  }
0x45: {  	s28 =	sshll.u32 s0, $0xE;
	s29 =	sadd.s32 $0x8, s0;
	s1 =	sadd.s32 s3, s1  }
0x46: {  	s30 =	rddreg [dreg:$0x4];
	s2 =	sand.u32 $0x3FFFC000, s28;
	s1 =	sshrl.u32 s1, $0x3  }
0x47: {  	s31 =	simm.s32 $0x0;
	s2 =	sor.u32 $0xF00, s2;
	s1 =	sadd.s32 s30, s1  }
0x48: {  	[hbm4b:s1+s31] =	stream.linear.scatter [tilespmem:s2], [sflag:s29], $0x4000, $0x38;
	[tilespmem:$0x1E200] =	vst v63  }
0x49: {  	p1 =	sne.s32 s7, $0x7  }
0x4a: {  	s0 =	simm.s32 @!p1 $0x8  }
0x4b: {  	_ =	swait.ge @!p1 [sflag:s0], $0x4000  }
0x4c: {  	s1 =	smov.u32 s7;
	[sflag:s0] =	ssyncset.done @!p1 $0x0  }
0x4d: {  	s1 =	simm.s32 @!p1 $0x0;
	[sflag:s0] =	ssyncadd.s32 @!p1 $0xFFFFC000  }
.LBB2_7:
0x4e: {  	s0 =	sshll.u32 s1, $0xE  }
0x4f: {  	s0 =	sand.u32 $0x3FFFC000, s0  }
0x50: {  	[dreg:$0xf] =	wrdreg s0;
	s0 =	sor.u32 $0xF40, s0  }
0x51: {  	v4 =	vmov s0;
	_ =	sdelay $0x2  }
0x52: {  	[dreg:$0xd] =	wrdreg s1  }
0x53: {  	[dreg:$0xc] =	wrdreg s7;
	s0 =	simm.s32 $0x0  }
0x54: {  	[tilespmem:v4+s0+$0xFFFFFFC0 ss:$0x1] =	vst.idx.msk $0xffff, v0  }
0x55: {  	[tilespmem:v4+s0+$0xFFFFFFD0 ss:$0x1] =	vst.idx.msk $0xffff, v0  }
0x56: {  	[tilespmem:v4+s0+$0xFFFFFFE0 ss:$0x1] =	vst.idx.msk $0xffff, v0  }
0x57: {  	[tilespmem:v4+s0+$0xFFFFFFF0 ss:$0x1] =	vst.idx.msk $0xffff, v0  }
0x58: {  	[tilespmem:v4+s0+$0x0 ss:$0x1] =	vst.idx.msk $0xffff, v0  }
0x59: {  	[tilespmem:v4+s0+$0x10 ss:$0x1] =	vst.idx.msk $0xffff, v0  }
0x5a: {  	s2 =	sshll.u32 s1, $0x7;
	s1 =	simm.s32 $0x200;
	[tilespmem:v4+s0+$0x20 ss:$0x1] =	vst.idx.msk $0xffff, v0  }
.LBB2_8:
0x5b: {  	p1 =	seq.s32 s1, $0xFE00;
	[tilespmem:v4+s0+$0x30 ss:$0x1] =	vst.idx.msk $0xffff, v0;
	s0 =	sshra.s32 s1, $0x2  }
0x5c: {  	[tilespmem:v4+s0+$0xFFFFFFC0 ss:$0x1] =	vst.idx.msk $0xffff, v0  }
0x5d: {  	[tilespmem:v4+s0+$0xFFFFFFD0 ss:$0x1] =	vst.idx.msk $0xffff, v0  }
.Ltmp8:
0x5e: {  	[tilespmem:v4+s0+$0xFFFFFFE0 ss:$0x1] =	vst.idx.msk $0xffff, v0;
	(pc) =	sbr.rel @!p1 .LBB2_8-.Ltmp8, $4  }
0x5f: {  	[tilespmem:v4+s0+$0xFFFFFFF0 ss:$0x1] =	vst.idx.msk $0xffff, v0  }
0x60: {  	[tilespmem:v4+s0+$0x0 ss:$0x1] =	vst.idx.msk $0xffff, v0  }
0x61: {  	[tilespmem:v4+s0+$0x10 ss:$0x1] =	vst.idx.msk $0xffff, v0  }
0x62: {  	s1 =	sadd.s32 $0x200, s1;
	[tilespmem:v4+s0+$0x20 ss:$0x1] =	vst.idx.msk $0xffff, v0  }
0x63: {  	_ =	sdelay $0x3  }
0x64: {  	[tilespmem:v4+s0+$0x30 ss:$0x1] =	vst.idx.msk $0xffff, v0;
	v4 =	vmov s6  }
0x65: {  	s31 =	sand.u32 $0x3FFFFF80, s2;
	[dreg:$0xe] =	wrdreg s2  }
0x66: {  	s1 =	sadd.s32 $0x480, s31;
	s2 =	sadd.s32 $0x800, s31;
	s0 =	sadd.s32 $0xB80, s31  }
0x67: {  	s3 =	simm.s32 $0x0;
	[dreg:$0xb] =	wrdreg s6;
	v5 =	vmov s1;
	v6 =	vmov s2;
	v7 =	vmov s0  }
.LBB2_10:
0x68: {  	s8 =	sshra.s32 s3, $0x2  }
0x69: {  	v8 =	vld.idx.msk [tilespmem:v4+s8+$0x1 ss:$0x1], $0xffff  }
0x6a: {  	v9 =	vld.idx.msk [tilespmem:v4+s8+$0x0 ss:$0x1], $0xffff  }
0x6b: {  	v10 =	vld.idx.msk [tilespmem:v4+s8+$0x2 ss:$0x1], $0xffff;
	_ =	sdelay $0x2  }
0x6c: {  	v8 =	vmul.u32 $0x101, v8  }
0x6d: {  	v9 =	vmul.u32 $0x10201, v9  }
0x6e: {  	v8 =	vadd.s32 v10, v8  }
0x6f: {  	v8 =	vadd.s32 v9, v8  }
0x70: {  	(v2sf) =	vpush v8, $0xD;
	_ =	sdelay $0x1  }
0x71: {  	(v2sf) =	vpush v8, $0xC;
	_ =	sdelay $0x1  }
0x72: {  	(v2sf) =	vpush v8, $0xE;
	_ =	sdelay $0x1  }
0x73: {  	(v2sf) =	vpush v8, $0xF  }
0x74: {  	(v2sf) =	vpush v8, $0x9  }
0x75: {  	(v2sf) =	vpush v8, $0x8;
	_ =	sdelay $0x3  }
0x76: {  	(v2sf) =	vpush v8, $0xA;
	_ =	sdelay $0x1  }
0x77: {  	(v2sf) =	vpush v8, $0xB  }
0x78: {  	s0 =	spop (v2sf)  }
0x79: {  	(v2sf) =	vpush v8, $0x0;
	s10 =	smulhi.u32 $0x14F8B589, s0;
	s0 =	sshra.s32 s0, $0x1F  }
0x7a: {  	s23 =	spop (v2sf);
	(v2sf) =	vpush v8, $0x1;
	s24 =	smul.u32 $0x14F8B589, s0  }
0x7b: {  	s11 =	smulhi.u32 $0x14F8B589, s23;
	s0 =	sshra.s32 s23, $0x1F  }
0x7c: {  	s25 =	spop (v2sf);
	(v2sf) =	vpush v8, $0x2;
	s29 =	smul.u32 $0x14F8B589, s0  }
0x7d: {  	s12 =	smulhi.u32 $0x14F8B589, s25;
	s0 =	sshra.s32 s25, $0x1F  }
0x7e: {  	s26 =	spop (v2sf);
	(v2sf) =	vpush v8, $0x3;
	s21 =	smul.u32 $0x14F8B589, s0  }
0x7f: {  	s13 =	smulhi.u32 $0x14F8B589, s26;
	s0 =	sshra.s32 s26, $0x1F;
	s28 =	spop (v2sf);
	(v2sf) =	vpush v8, $0x4  }
0x80: {  	s9 =	smul.u32 $0x14F8B589, s0;
	s30 =	spop (v2sf);
	(v2sf) =	vpush v8, $0x5  }
0x81: {  	v45 =	vld.idx.msk [tilespmem:v4+s8+$0xFFFFFFFF ss:$0x1], $0xffff;
	s14 =	smulhi.u32 $0x14F8B589, s28;
	s0 =	sshra.s32 s28, $0x1F  }
0x82: {  	s6 =	smul.u32 $0x14F8B589, s0  }
0x83: {  	s15 =	smulhi.u32 $0x14F8B589, s30;
	s0 =	sshra.s32 s30, $0x1F;
	(v2sf) =	vpush v8, $0x6  }
0x84: {  	s31 =	spop (v2sf);
	s5 =	smul.u32 $0x14F8B589, s0  }
0x85: {  	[dreg:$0x10] =	wrdreg s3;
	s16 =	smulhi.u32 $0x14F8B589, s31;
	s0 =	sshra.s32 s31, $0x1F  }
0x86: {  	v9 =	vmul.u32 $0x1030301, v45;
	s1 =	spop (v2sf);
	s3 =	smul.u32 $0x14F8B589, s0  }
0x87: {  	(v2sf) =	vpush v8, $0x7;
	s17 =	smulhi.u32 $0x14F8B589, s1;
	s0 =	sshra.s32 s1, $0x1F  }
0x88: {  	v9 =	vadd.s32 v9, v8;
	s4 =	smul.u32 $0x14F8B589, s0;
	s2 =	spop (v2sf)  }
0x89: {  	(v2sf) =	vpush v9, $0xD;
	s18 =	smulhi.u32 $0x14F8B589, s2;
	s1 =	spop (v2sf)  }
0x8a: {  	s19 =	smulhi.u32 $0x14F8B589, s1;
	s1 =	sshra.s32 s1, $0x1F  }
0x8b: {  	(v2sf) =	vpush v9, $0xC;
	s7 =	spop (v2sf);
	s31 =	smul.u32 $0x14F8B589, s1  }
0x8c: {  	[dreg:$0x11] =	wrdreg s8;
	s22 =	smulhi.u32 $0x14F8B589, s7;
	s1 =	sshra.s32 s7, $0x1F  }
0x8d: {  	s0 =	sshra.s32 s2, $0x1F;
	(v2sf) =	vpush v9, $0xE;
	s2 =	spop (v2sf);
	s23 =	smul.u32 $0x14F8B589, s1  }
0x8e: {  	s25 =	smulhi.u32 $0x14F8B589, s2;
	s26 =	spop (v2sf)  }
0x8f: {  	s2 =	sshra.s32 s2, $0x1F;
	s28 =	smulhi.u32 $0x14F8B589, s26;
	s30 =	spop (v2sf)  }
0x90: {  	[smem:$0x7D9] =	sst s23;
	s23 =	smul.u32 $0x14F8B589, s2  }
0x91: {  	(v2sf) =	vpush v9, $0xF;
	[smem:$0x7DA] =	sst s25;
	s2 =	sshra.s32 s26, $0x1F;
	s1 =	smulhi.u32 $0x14F8B589, s30  }
0x92: {  	s11 =	sadd.s32 s29, s11;
	s7 =	spop (v2sf);
	s25 =	smul.u32 $0x14F8B589, s2  }
0x93: {  	(v2sf) =	vpush v9, $0x9;
	[smem:$0x7D8] =	sst s22;
	s2 =	sshra.s32 s30, $0x1F;
	s22 =	smulhi.u32 $0x14F8B589, s7  }
0x94: {  	[smem:$0x7F3] =	sst s11;
	s26 =	smul.u32 $0x14F8B589, s2;
	s2 =	sshra.s32 s7, $0x1F  }
0x95: {  	(v2sf) =	vpush v9, $0x8;
	[smem:$0x7DB] =	sst s28;
	s28 =	smul.u32 $0x14F8B589, s2  }
0x96: {  	[smem:$0x7DC] =	sst s1;
	s7 =	spop (v2sf)  }
0x97: {  	s30 =	smulhi.u32 $0x14F8B589, s7;
	s7 =	sshra.s32 s7, $0x1F;
	[smem:$0x7DE] =	sst s28  }
0x98: {  	s28 =	smul.u32 $0x14F8B589, s7;
	s1 =	spop (v2sf)  }
0x99: {  	[smem:$0x7DD] =	sst s22;
	s2 =	smulhi.u32 $0x14F8B589, s1;
	s7 =	sshra.s32 s1, $0x1F  }
0x9a: {  	(v2sf) =	vpush v9, $0xA;
	s22 =	spop (v2sf);
	s7 =	smul.u32 $0x14F8B589, s7  }
0x9b: {  	(v2sf) =	vpush v9, $0xB;
	[smem:$0x7DF] =	sst s30;
	s30 =	smulhi.u32 $0x14F8B589, s22  }
0x9c: {  	[smem:$0x7E0] =	sst s2;
	s2 =	spop (v2sf)  }
0x9d: {  	[smem:$0x7E1] =	sst s7;
	s7 =	sshra.s32 s22, $0x1F;
	s22 =	smulhi.u32 $0x14F8B589, s2  }
0x9e: {  	[smem:$0x7E2] =	sst s30;
	s1 =	smul.u32 $0x14F8B589, s7;
	s7 =	sshra.s32 s2, $0x1F  }
0x9f: {  	[smem:$0x7E4] =	sst s22;
	s30 =	smul.u32 $0x14F8B589, s7  }
0xa0: {  	[smem:$0x7E3] =	sst s1;
	s1 =	spop (v2sf)  }
0xa1: {  	[smem:$0x7E5] =	sst s30;
	s2 =	smulhi.u32 $0x14F8B589, s1;
	s7 =	sshra.s32 s1, $0x1F  }
0xa2: {  	s22 =	spop (v2sf);
	s7 =	smul.u32 $0x14F8B589, s7  }
0xa3: {  	s30 =	smulhi.u32 $0x14F8B589, s22;
	[smem:$0x7E6] =	sst s2  }
0xa4: {  	s2 =	spop (v2sf);
	[smem:$0x7E7] =	sst s7  }
0xa5: {  	v46 =	vld.idx.msk [tilespmem:v4+s8+$0xFFFFFFFE ss:$0x1], $0xffff;
	[smem:$0x7E8] =	sst s30;
	s7 =	sshra.s32 s22, $0x1F;
	s8 =	smulhi.u32 $0x14F8B589, s2  }
0xa6: {  	(v2sf) =	vpush v9, $0x0;
	s1 =	smul.u32 $0x14F8B589, s7;
	s7 =	sshra.s32 s2, $0x1F;
	s2 =	sadd.s32 s24, s10  }
0xa7: {  	s24 =	sadd.s32 s21, s12;
	s12 =	sadd.s32 s3, s16;
	s16 =	sld [smem:$0x7D9]  }
0xa8: {  	(v2sf) =	vpush v9, $0x1;
	[smem:$0x7EA] =	sst s8  }
0xa9: {  	s30 =	spop (v2sf);
	[smem:$0x7F2] =	sst s2  }
0xaa: {  	s10 =	spop (v2sf);
	[smem:$0x7F4] =	sst s24  }
0xab: {  	s22 =	smul.u32 $0x14F8B589, s7;
	[smem:$0x7F8] =	sst s12  }
0xac: {  	s7 =	sshra.s32 s30, $0x1F;
	[smem:$0x7E9] =	sst s1;
	s1 =	smulhi.u32 $0x14F8B589, s30  }
0xad: {  	(v2sf) =	vpush v9, $0x2;
	s8 =	smul.u32 $0x14F8B589, s7;
	s7 =	sshra.s32 s10, $0x1F;
	[smem:$0x7EB] =	sst s22  }
0xae: {  	s22 =	smulhi.u32 $0x14F8B589, s10;
	s10 =	sadd.s32 s5, s15;
	s15 =	sld [smem:$0x7D8]  }
0xaf: {  	s5 =	sld [smem:$0x7DC]  }
0xb0: {  	(v2sf) =	vpush v9, $0x3;
	[smem:$0x7EC] =	sst s1  }
0xb1: {  	[smem:$0x7ED] =	sst s8  }
0xb2: {  	(v2sf) =	vpush v9, $0x4;
	[smem:$0x7F7] =	sst s10  }
0xb3: {  	s20 =	smul.u32 $0x14F8B589, s0;
	s8 =	sadd.s32 s6, s14;
	s6 =	sld [smem:$0x7DD]  }
0xb4: {  	s29 =	smul.u32 $0x14F8B589, s7;
	s10 =	sld [smem:$0x7DF]  }
0xb5: {  	(v2sf) =	vpush v9, $0x5;
	s30 =	spop (v2sf);
	[smem:$0x7EE] =	sst s22  }
0xb6: {  	s1 =	sadd.s32 s9, s13;
	s2 =	smulhi.u32 $0x14F8B589, s30;
	[smem:$0x7EF] =	sst s29  }
0xb7: {  	(v2sf) =	vpush v9, $0x6;
	s9 =	spop (v2sf);
	[smem:$0x7F5] =	sst s1  }
0xb8: {  	s7 =	sshra.s32 s30, $0x1F;
	[smem:$0x7F6] =	sst s8;
	s11 =	smulhi.u32 $0x14F8B589, s9  }
0xb9: {  	(v2sf) =	vpush v9, $0x7;
	s0 =	sshra.s32 s9, $0x1F;
	s9 =	sadd.s32 s20, s18;
	s20 =	sld [smem:$0x7DA]  }
0xba: {  	v10 =	vmul.u32 $0x4060401, v46;
	s29 =	smul.u32 $0x14F8B589, s7;
	s7 =	sld [smem:$0x7DE]  }
0xbb: {  	[smem:$0x7F0] =	sst s2;
	s1 =	smul.u32 $0x14F8B589, s0  }
0xbc: {  	v10 =	vadd.s32 v10, v9;
	s31 =	sadd.s32 s31, s19;
	s13 =	spop (v2sf);
	[smem:$0x7F1] =	sst s11  }
0xbd: {  	(v2sf) =	vpush v10, $0xD;
	s30 =	sadd.s32 s4, s17;
	s24 =	smulhi.u32 $0x14F8B589, s13;
	s11 =	sld [smem:$0x7E0]  }
0xbe: {  	s0 =	sshra.s32 s13, $0x1F;
	s23 =	sadd.s32 s23, s20;
	s20 =	sld [smem:$0x7E1]  }
0xbf: {  	s26 =	sadd.s32 s26, s5;
	s21 =	smul.u32 $0x14F8B589, s0;
	s14 =	spop (v2sf)  }
0xc0: {  	s5 =	sld [smem:$0x7E2];
	s22 =	smulhi.u32 $0x14F8B589, s14;
	s0 =	sshra.s32 s14, $0x1F  }
0xc1: {  	s17 =	spop (v2sf);
	s2 =	sadd.s32 s20, s11;
	s19 =	smul.u32 $0x14F8B589, s0  }
0xc2: {  	(v2sf) =	vpush v10, $0xC;
	s18 =	smulhi.u32 $0x14F8B589, s17;
	[smem:$0x7F9] =	sst s2  }
0xc3: {  	s0 =	sshra.s32 s17, $0x1F;
	s17 =	sadd.s32 s7, s6;
	s6 =	sld [smem:$0x7E3]  }
0xc4: {  	s12 =	sadd.s32 s16, s15;
	s15 =	smul.u32 $0x14F8B589, s0;
	s4 =	spop (v2sf)  }
0xc5: {  	s7 =	sld [smem:$0x7E4];
	s16 =	smulhi.u32 $0x14F8B589, s4;
	s0 =	sshra.s32 s4, $0x1F  }
0xc6: {  	s8 =	spop (v2sf);
	s13 =	smul.u32 $0x14F8B589, s0  }
0xc7: {  	s14 =	smulhi.u32 $0x14F8B589, s8;
	s0 =	sshra.s32 s8, $0x1F;
	s8 =	sld [smem:$0x7E5]  }
0xc8: {  	s4 =	spop (v2sf);
	s2 =	sadd.s32 s6, s5;
	s5 =	sld [smem:$0x7E7]  }
0xc9: {  	s28 =	sadd.s32 s28, s10;
	s6 =	sld [smem:$0x7E8];
	s10 =	smul.u32 $0x14F8B589, s0  }
0xca: {  	[smem:$0x7FA] =	sst s2;
	s11 =	smulhi.u32 $0x14F8B589, s4;
	s0 =	sshra.s32 s4, $0x1F  }
0xcb: {  	s4 =	sld [smem:$0x7E6];
	s2 =	sadd.s32 s8, s7;
	s7 =	smul.u32 $0x14F8B589, s0  }
0xcc: {  	(v2sf) =	vpush v10, $0xE;
	s20 =	spop (v2sf);
	[dreg:$0x1e] =	wrdreg s2  }
0xcd: {  	s8 =	smulhi.u32 $0x14F8B589, s20;
	s0 =	sshra.s32 s20, $0x1F;
	s20 =	sld [smem:$0x7E9]  }
0xce: {  	s2 =	sadd.s32 s5, s4;
	s5 =	sld [smem:$0x7EA]  }
0xcf: {  	[dreg:$0x1d] =	wrdreg s2  }
0xd0: {  	(v2sf) =	vpush v10, $0xF;
	s2 =	sadd.s32 s20, s6;
	s20 =	sld [smem:$0x7EB]  }
0xd1: {  	s3 =	sld [smem:$0x7DB];
	s4 =	spop (v2sf)  }
0xd2: {  	(v2sf) =	vpush v10, $0x9;
	s6 =	smul.u32 $0x14F8B589, s0;
	s0 =	sshra.s32 s4, $0x1F;
	[dreg:$0x1c] =	wrdreg s2  }
0xd3: {  	s2 =	sadd.s32 s20, s5;
	s5 =	smulhi.u32 $0x14F8B589, s4;
	s4 =	sld [smem:$0x7EC]  }
0xd4: {  	s20 =	sld [smem:$0x7ED]  }
0xd5: {  	s25 =	sadd.s32 s25, s3;
	s3 =	sld [smem:$0x7EE];
	(v2sf) =	vpush v10, $0x8  }
0xd6: {  	[dreg:$0x1b] =	wrdreg s2  }
0xd7: {  	(v2sf) =	vpush v10, $0xA;
	s7 =	sadd.s32 s7, s11;
	s2 =	sadd.s32 s20, s4;
	s20 =	sld [smem:$0x7EF]  }
0xd8: {  	s21 =	sadd.s32 s21, s24;
	[dreg:$0x1f] =	wrdreg s7  }
0xd9: {  	s19 =	sadd.s32 s19, s22;
	s4 =	smul.u32 $0x14F8B589, s0;
	[dreg:$0x19] =	wrdreg s2  }
0xda: {  	s6 =	sadd.s32 s6, s8;
	s2 =	sadd.s32 s20, s3;
	s20 =	sld [smem:$0x7F0]  }
0xdb: {  	[dreg:$0x17] =	wrdreg s6;
	s0 =	spop (v2sf);
	s4 =	sadd.s32 s4, s5  }
0xdc: {  	s3 =	smulhi.u32 $0x14F8B589, s0;
	s0 =	sshra.s32 s0, $0x1F;
	[dreg:$0x1a] =	wrdreg s2  }
0xdd: {  	s2 =	smul.u32 $0x14F8B589, s0;
	s29 =	sadd.s32 s29, s20;
	s20 =	sld [smem:$0x7F1]  }
0xde: {  	s15 =	sadd.s32 s15, s18;
	s13 =	sadd.s32 s13, s16;
	[dreg:$0x18] =	wrdreg s4  }
0xdf: {  	s0 =	spop (v2sf);
	s2 =	sadd.s32 s2, s3;
	s3 =	sld [smem:$0x7F2]  }
0xe0: {  	s20 =	sadd.s32 s1, s20;
	s1 =	smulhi.u32 $0x14F8B589, s0;
	s0 =	sshra.s32 s0, $0x1F  }
0xe1: {  	s10 =	sadd.s32 s10, s14;
	s24 =	smul.u32 $0x14F8B589, s0;
	s0 =	spop (v2sf)  }
0xe2: {  	s4 =	sld [smem:$0x7F3];
	s22 =	smulhi.u32 $0x14F8B589, s0;
	s0 =	sshra.s32 s0, $0x1F  }
0xe3: {  	[dreg:$0x16] =	wrdreg s2;
	s18 =	smul.u32 $0x14F8B589, s0;
	s1 =	sadd.s32 s24, s1  }
0xe4: {  	s0 =	spop (v2sf);
	[dreg:$0x15] =	wrdreg s1;
	s1 =	sshra.s32 s3, $0xC  }
0xe5: {  	s16 =	smulhi.u32 $0x14F8B589, s0;
	s0 =	sshra.s32 s0, $0x1F;
	[smem:$0x7FB] =	sst s1  }
0xe6: {  	s14 =	spop (v2sf);
	s24 =	sadd.s32 s18, s22;
	s18 =	sld [smem:$0x7F6]  }
0xe7: {  	s0 =	smul.u32 $0x14F8B589, s0;
	s22 =	sld [smem:$0x7F7]  }
0xe8: {  	s7 =	smulhi.u32 $0x14F8B589, s14;
	s14 =	sshra.s32 s14, $0x1F;
	[dreg:$0x14] =	wrdreg s24  }
0xe9: {  	s14 =	smul.u32 $0x14F8B589, s14;
	s24 =	sld [smem:$0x7F8]  }
0xea: {  	s5 =	sshrl.u32 s4, $0x1F;
	s0 =	sadd.s32 s0, s16;
	s16 =	sld [smem:$0x7F5]  }
0xeb: {  	s1 =	sshra.s32 s4, $0xC;
	[dreg:$0x13] =	wrdreg s0;
	s2 =	sadd.s32 s14, s7  }
0xec: {  	s0 =	sshrl.u32 s3, $0x1F;
	s14 =	sld [smem:$0x7F4];
	s8 =	sshrl.u32 s18, $0x1F  }
0xed: {  	s11 =	sshra.s32 s18, $0xC;
	s3 =	sshra.s32 s22, $0xC;
	[dreg:$0x12] =	wrdreg s2  }
0xee: {  	v11 =	vmov s5;
	s2 =	sshrl.u32 s22, $0x1F;
	s18 =	sshrl.u32 s24, $0x1F;
	s5 =	sshra.s32 s24, $0xC  }
0xef: {  	v11 =	vsel vm0, s0, v11;
	s0 =	sshrl.u32 s30, $0x1F;
	s22 =	sshra.s32 s9, $0xC;
	s6 =	sshrl.u32 s16, $0x1F  }
0xf0: {  	v16 =	vmov s3;
	s7 =	sshra.s32 s16, $0xC;
	s16 =	sshra.s32 s30, $0xC;
	s30 =	sshra.s32 s28, $0x1F  }
0xf1: {  	s24 =	sshra.s32 s31, $0xC;
	v12 =	vmov s2;
	s2 =	sshrl.u32 s31, $0x1F;
	v16 =	vsel vm0, s11, v16;
	s4 =	sshrl.u32 s14, $0x1F;
	v14 =	vmov s30  }
0xf2: {  	s14 =	sshra.s32 s14, $0xC;
	v12 =	vsel vm0, s8, v12;
	v11 =	vsel vm1, s4, v11;
	s4 =	sshrl.u32 s9, $0x1F;
	s9 =	sshra.s32 s9, $0x1F;
	v14 =	vsel vm3, s22, v14  }
0xf3: {  	s8 =	sshra.s32 s12, $0xC;
	s30 =	sshra.s32 s25, $0xC;
	v16 =	vsel vm1, s5, v16;
	s5 =	sshra.s32 s29, $0x1F;
	v13 =	vmov s4;
	v14 =	vsel vm9, s9, v14  }
0xf4: {  	v12 =	vsel vm1, s18, v12;
	s18 =	sshrl.u32 s23, $0x1F;
	s22 =	sshra.s32 s23, $0xC;
	s4 =	sshra.s32 s31, $0x1F;
	v13 =	vnsel vm3, $0x0, v13;
	v14 =	vsel vm0, s24, v14  }
0xf5: {  	v16 =	vsel vm2, s16, v16;
	s16 =	sshra.s32 s20, $0x1F;
	s31 =	sshrl.u32 s12, $0x1F;
	s12 =	sshra.s32 s12, $0x1F;
	v13 =	vsel vm0, s2, v13;
	v14 =	vsel vm10, s4, v14  }
0xf6: {  	s24 =	sshra.s32 s25, $0x1F;
	s2 =	sshrl.u32 s25, $0x1F;
	s25 =	sld [smem:$0x7F9];
	v13 =	vsel vm1, s31, v13;
	v14 =	vsel vm1, s8, v14  }
0xf7: {  	(v2sf) =	vpush v10, $0xB;
	s9 =	sshra.s32 s23, $0x1F;
	s23 =	sshrl.u32 s26, $0x1F;
	s8 =	rddreg [dreg:$0x1e];
	v13 =	vsel vm2, s18, v13;
	v14 =	vsel vm11, s12, v14  }
0xf8: {  	v11 =	vsel vm2, s6, v11;
	s6 =	sshrl.u32 s28, $0x1F;
	s28 =	sshra.s32 s28, $0xC;
	v13 =	vsel vm4, s2, v13;
	s2 =	sld [smem:$0x7FA];
	v14 =	vsel vm2, s22, v14  }
0xf9: {  	(v2sf) =	vpush v10, $0x0;
	v12 =	vsel vm2, s0, v12;
	s4 =	sshrl.u32 s17, $0x1F;
	s0 =	sshra.s32 s25, $0xC;
	v14 =	vsel vm12, s9, v14;
	s9 =	rddreg [dreg:$0x1d]  }
0xfa: {  	s31 =	sshra.s32 s26, $0xC;
	[smem:$0x7FC] =	sst s0;
	s0 =	sshra.s32 s9, $0xC  }
0xfb: {  	(v2sf) =	vpush v10, $0x1;
	s18 =	sshra.s32 s26, $0x1F;
	s26 =	sshra.s32 s17, $0xC;
	v13 =	vsel vm5, s23, v13;
	[smem:$0x7FD] =	sst s0  }
0xfc: {  	v13 =	vsel vm6, s4, v13;
	s23 =	sshrl.u32 s2, $0x1F;
	s4 =	sshra.s32 s2, $0xC;
	s2 =	rddreg [dreg:$0x1c]  }
0xfd: {  	(v2sf) =	vpush v10, $0x2;
	s17 =	sshra.s32 s17, $0x1F;
	v14 =	vsel vm4, s30, v14;
	v13 =	vsel vm7, s6, v13;
	s6 =	sshrl.u32 s9, $0x1F;
	s9 =	rddreg [dreg:$0x1b]  }
0xfe: {  	s12 =	sshrl.u32 s25, $0x1F;
	s25 =	sshrl.u32 s8, $0x1F;
	v14 =	vsel vm13, s24, v14;
	s24 =	rddreg [dreg:$0x19]  }
0xff: {  	(v2sf) =	vpush v10, $0x3;
	s22 =	sshra.s32 s8, $0xC;
	s0 =	rddreg [dreg:$0x1a];
	s8 =	sshrl.u32 s2, $0x1F  }
0x100: {  	(v2sf) =	vpush v10, $0x4;
	v15 =	vmov s1;
	s30 =	sshra.s32 s2, $0xC;
	s1 =	sshrl.u32 s9, $0x1F;
	s9 =	sshra.s32 s9, $0xC  }
0x101: {  	(v2sf) =	vpush v10, $0x5;
	s2 =	sld [smem:$0x7FB];
	s3 =	sshrl.u32 s24, $0x1F;
	s24 =	sshra.s32 s24, $0xC;
	v14 =	vsel vm5, s31, v14;
	v17 =	vmov s23  }
0x102: {  	(v2sf) =	vpush v10, $0x6;
	s11 =	sshra.s32 s0, $0xC;
	s31 =	sshra.s32 s29, $0xC;
	s23 =	sshrl.u32 s19, $0x1F;
	v14 =	vsel vm14, s18, v14;
	v17 =	vsel vm0, s12, v17  }
0x103: {  	s18 =	sshrl.u32 s20, $0x1F;
	v20 =	vmov s1;
	s1 =	sshra.s32 s15, $0x1F;
	v22 =	vmov s9;
	v14 =	vsel vm6, s26, v14;
	s26 =	rddreg [dreg:$0x1f]  }
0x104: {  	v17 =	vsel vm1, s25, v17;
	s25 =	sshra.s32 s15, $0xC;
	v22 =	vsel vm0, s30, v22;
	v15 =	vsel vm0, s2, v15;
	s2 =	sshrl.u32 s0, $0x1F;
	s0 =	sshra.s32 s26, $0x1F  }
0x105: {  	v14 =	vsel vm15, s17, v14;
	s17 =	sshra.s32 s21, $0xC;
	v22 =	vsel vm1, s24, v22;
	s24 =	rddreg [dreg:$0x13];
	v15 =	vsel vm1, s14, v15;
	s14 =	sshrl.u32 s29, $0x1F  }
0x106: {  	(v2sf) =	vpush v10, $0x7;
	s29 =	sshra.s32 s20, $0xC;
	s20 =	sshrl.u32 s21, $0x1F;
	v18 =	vmov s0;
	s0 =	spop (v2sf)  }
0x107: {  	s21 =	sshra.s32 s21, $0x1F;
	v14 =	vsel vm7, s28, v14;
	v15 =	vsel vm2, s7, v15;
	v18 =	vsel vm3, s31, v18;
	s7 =	smulhi.u32 $0x14F8B589, s0;
	s28 =	sshra.s32 s0, $0x1F  }
0x108: {  	s30 =	sshrl.u32 s24, $0x1F;
	v19 =	vmov s14;
	s31 =	spop (v2sf);
	v18 =	vsel vm9, s5, v18;
	s5 =	smul.u32 $0x14F8B589, s28  }
0x109: {  	v11 =	vcombine.low v12, v11;
	v17 =	vsel vm2, s6, v17;
	s0 =	sshrl.u32 s15, $0x1F;
	v19 =	vnsel vm3, $0x0, v19;
	s15 =	smulhi.u32 $0x14F8B589, s31;
	s6 =	sshra.s32 s31, $0x1F  }
0x10a: {  	s14 =	sshra.s32 s19, $0xC;
	s28 =	spop (v2sf);
	v19 =	vsel vm0, s18, v19;
	s6 =	smul.u32 $0x14F8B589, s6  }
0x10b: {  	v11 =	vperm.xlane v11, v1;
	s19 =	sshra.s32 s19, $0x1F;
	s31 =	sshra.s32 s13, $0xC;
	v18 =	vsel vm0, s29, v18;
	s18 =	smulhi.u32 $0x14F8B589, s28;
	v19 =	vsel vm1, s20, v19  }
0x10c: {  	v21 =	vmov s4;
	s29 =	sshrl.u32 s13, $0x1F;
	v18 =	vsel vm10, s16, v18;
	s20 =	spop (v2sf);
	v19 =	vsel vm2, s23, v19;
	s23 =	sld [smem:$0x7FC]  }
0x10d: {  	v13 =	vperm.xlane v13, v2;
	v18 =	vsel vm1, s17, v18;
	s17 =	smulhi.u32 $0x14F8B589, s20;
	s6 =	sadd.s32 s6, s15;
	s15 =	rddreg [dreg:$0x12];
	v19 =	vsel vm4, s0, v19  }
0x10e: {  	v20 =	vsel vm0, s8, v20;
	v18 =	vsel vm11, s21, v18;
	s0 =	spop (v2sf);
	s21 =	sshrl.u32 s10, $0x1F;
	v19 =	vsel vm5, s29, v19;
	s29 =	sld [smem:$0x7FD]  }
0x10f: {  	v20 =	vsel vm1, s3, v20;
	v15 =	vcombine.low v16, v15;
	s13 =	sshra.s32 s13, $0x1F;
	s16 =	spop (v2sf);
	v19 =	vsel vm6, s21, v19;
	s21 =	rddreg [dreg:$0x17]  }
0x110: {  	v48 =	vmov s30;
	v18 =	vsel vm2, s14, v18;
	s14 =	sshra.s32 s10, $0xC;
	v21 =	vsel vm0, s23, v21;
	s4 =	spop (v2sf);
	s23 =	rddreg [dreg:$0x18]  }
0x111: {  	v14 =	vperm.xlane v14, v2;
	v15 =	vperm.xlane v15, v1;
	s10 =	sshra.s32 s10, $0x1F;
	v18 =	vsel vm12, s19, v18;
	s19 =	rddreg [dreg:$0x15];
	s30 =	smulhi.u32 $0x14F8B589, s16  }
0x112: {  	v11 =	vsel vm8, v13, v11;
	v20 =	vsel vm2, s2, v20;
	v18 =	vsel vm4, s25, v18;
	s25 =	sshra.s32 s28, $0x1F;
	s28 =	sshrl.u32 s26, $0x1F;
	s2 =	spop (v2sf)  }
0x113: {  	v51 =	vsel vm8, v14, v15;
	v21 =	vsel vm1, s22, v21;
	s22 =	sshrl.u32 s23, $0x1F;
	v18 =	vsel vm13, s1, v18;
	s1 =	sshra.s32 s26, $0xC;
	s8 =	smul.u32 $0x14F8B589, s25  }
0x114: {  	v17 =	vcombine.low v20, v17;
	v11 =	vadd.s32 v11, v51;
	v19 =	vsel vm7, s28, v19;
	s25 =	sshra.s32 s20, $0x1F;
	s20 =	rddreg [dreg:$0x16];
	s28 =	sshrl.u32 s19, $0x1F  }
0x115: {  	v11 =	vmul.u32 $0xC350, v11;
	v23 =	vmov s22;
	s22 =	rddreg [dreg:$0x14];
	v18 =	vsel vm5, s31, v18;
	s31 =	sshrl.u32 s21, $0x1F;
	s26 =	sshrl.u32 s20, $0x1F  }
0x116: {  	v22 =	vsel vm2, s11, v22;
	v21 =	vsel vm2, s29, v21;
	s29 =	sshrl.u32 s22, $0x1F;
	s3 =	smul.u32 $0x14F8B589, s25;
	v23 =	vsel vm0, s31, v23;
	s31 =	spop (v2sf)  }
0x117: {  	v17 =	vperm.xlane v17, v1;
	v11 =	vsub.s32 v8, v11;
	s25 =	sshrl.u32 s6, $0x1F;
	v18 =	vsel vm14, s13, v18;
	s8 =	sadd.s32 s8, s18;
	s13 =	smulhi.u32 $0x14F8B589, s31  }
0x118: {  	v8 =	vshra.s32 v8, $0x1F;
	v53 =	vcombine.low v22, v21;
	v18 =	vsel vm6, s14, v18;
	s18 =	sshra.s32 s31, $0x1F;
	s3 =	sadd.s32 s3, s17;
	s17 =	smulhi.u32 $0x14F8B589, s4  }
0x119: {  	v19 =	vperm.xlane v19, v2;
	v47 =	vsel vm1, s26, v23;
	s26 =	sshrl.u32 s15, $0x1F;
	s31 =	sshra.s32 s16, $0x1F;
	v18 =	vsel vm15, s10, v18;
	s10 =	smulhi.u32 $0x14F8B589, s0  }
0x11a: {  	v8 =	vand.u32 $0x4390, v8;
	v16 =	vsel vm0, s29, v48;
	v49 =	vmov s25;
	s14 =	sshra.s32 s6, $0xC;
	s6 =	sshra.s32 s6, $0x1F;
	s11 =	smul.u32 $0x14F8B589, s18  }
0x11b: {  	v8 =	vadd.s32 v11, v8;
	v11 =	vshra.s32 v11, $0x1F;
	v23 =	vnsel vm3, $0x0, v49;
	s4 =	sshra.s32 s4, $0x1F;
	s0 =	sshra.s32 s0, $0x1F;
	s9 =	smul.u32 $0x14F8B589, s31  }
0x11c: {  	v15 =	vperm.xlane v53, v1;
	v12 =	vsel vm2, s28, v47;
	s28 =	sshrl.u32 s8, $0x1F;
	s4 =	smul.u32 $0x14F8B589, s4;
	v18 =	vsel vm7, s1, v18;
	s1 =	sadd.s32 s11, s13  }
0x11d: {  	v17 =	vsel vm8, v19, v17;
	v11 =	vand.u32 $0xC350, v11;
	v16 =	vsel vm1, s26, v16;
	s16 =	sshrl.u32 s3, $0x1F;
	s29 =	smul.u32 $0x14F8B589, s0;
	s12 =	sshra.s32 s1, $0x1F  }
0x11e: {  	s18 =	sshra.s32 s8, $0xC;
	s8 =	sshra.s32 s8, $0x1F;
	s26 =	smulhi.u32 $0x14F8B589, s2;
	v50 =	vsel vm0, s28, v23;
	v18 =	vperm.xlane v18, v2;
	v52 =	vmov s12  }
0x11f: {  	v8 =	vadd.s32 v11, v8;
	s0 =	sadd.s32 s5, s7;
	v20 =	vsel vm1, s16, v50;
	s11 =	sshra.s32 s23, $0xC;
	s13 =	sadd.s32 s29, s10;
	v14 =	vsel vm3, s14, v52  }
0x120: {  	s2 =	sshra.s32 s2, $0x1F;
	s29 =	sshrl.u32 s0, $0x1F;
	v55 =	vmov s11;
	s25 =	sshrl.u32 s13, $0x1F;
	v15 =	vsel vm8, v18, v15;
	v14 =	vsel vm9, s6, v14  }
0x121: {  	s28 =	sshra.s32 s3, $0xC;
	s2 =	smul.u32 $0x14F8B589, s2;
	s5 =	sadd.s32 s9, s30;
	v16 =	vsel vm2, s29, v16;
	v54 =	vsel vm2, s25, v20;
	v14 =	vsel vm0, s18, v14  }
0x122: {  	s3 =	sshra.s32 s3, $0x1F;
	s30 =	sshrl.u32 s5, $0x1F;
	s12 =	sshra.s32 s24, $0xC;
	v15 =	vadd.s32 v17, v15;
	v12 =	vcombine.low v16, v12;
	v14 =	vsel vm10, s8, v14  }
0x123: {  	s4 =	sadd.s32 s4, s17;
	s16 =	sshra.s32 s22, $0xC;
	s14 =	sshra.s32 s21, $0xC;
	v56 =	vmov s12;
	v13 =	vsel vm4, s30, v54;
	v14 =	vsel vm1, s28, v14  }
0x124: {  	s2 =	sadd.s32 s2, s26;
	s31 =	sshra.s32 s13, $0xC;
	v16 =	vsel vm0, s14, v55;
	v17 =	vsel vm0, s16, v56;
	s18 =	sshra.s32 s20, $0xC;
	v14 =	vsel vm11, s3, v14  }
0x125: {  	s10 =	sshra.s32 s13, $0x1F;
	s20 =	sshra.s32 s15, $0xC;
	v12 =	vperm.xlane v12, v1;
	s8 =	sshrl.u32 s4, $0x1F;
	v16 =	vsel vm1, s18, v16;
	v14 =	vsel vm2, s31, v14  }
0x126: {  	s22 =	sshra.s32 s19, $0xC;
	s13 =	sshra.s32 s5, $0xC;
	s24 =	sshrl.u32 s2, $0x1F;
	v17 =	vsel vm1, s20, v17;
	v13 =	vsel vm5, s8, v13;
	v14 =	vsel vm12, s10, v14  }
0x127: {  	s17 =	sshra.s32 s5, $0x1F;
	s0 =	sshra.s32 s0, $0xC;
	s26 =	sshrl.u32 s1, $0x1F;
	v16 =	vsel vm2, s22, v16;
	v13 =	vsel vm6, s24, v13;
	v14 =	vsel vm4, s13, v14  }
0x128: {  	s21 =	sshra.s32 s4, $0xC;
	v17 =	vsel vm2, s0, v17;
	v13 =	vsel vm7, s26, v13;
	v14 =	vsel vm13, s17, v14  }
0x129: {  	s23 =	sshra.s32 s4, $0x1F;
	v16 =	vcombine.low v17, v16;
	v13 =	vperm.xlane v13, v2;
	v14 =	vsel vm5, s21, v14  }
0x12a: {  	s25 =	sshra.s32 s2, $0xC;
	v57 =	vmul.u32 $0xC350, v15;
	vm2 =	vmmov vm1;
	v14 =	vsel vm14, s23, v14  }
0x12b: {  	s28 =	sshra.s32 s2, $0x1F;
	v16 =	vperm.xlane v16, v1;
	v12 =	vsel vm8, v13, v12;
	v14 =	vsel vm6, s25, v14  }
0x12c: {  	s30 =	sshra.s32 s1, $0xC;
	v13 =	vsub.s32 v9, v57;
	v9 =	vshra.s32 v9, $0x1F;
	v14 =	vsel vm15, s28, v14  }
0x12d: {  	v58 =	vshra.s32 v13, $0x1F;
	v9 =	vand.u32 $0x4390, v9;
	v14 =	vsel vm7, s30, v14  }
0x12e: {  	v59 =	vand.u32 $0xC350, v58;
	v9 =	vadd.s32 v13, v9;
	v14 =	vperm.xlane v14, v2  }
0x12f: {  	vm1 =	vmmov vm0;
	vm0 =	vmmov vm8;
	v9 =	vadd.s32 v59, v9  }
0x130: {  	v14 =	vsel vm8, v14, v16;
	vm8 =	vmmov vm7;
	vm7 =	vmmov vm6  }
0x131: {  	vm6 =	vmmov vm5;
	vm5 =	vmmov vm4;
	vm4 =	vmmov vm3  }
0x132: {  	vm3 =	vmmov vm15;
	vm15 =	vmmov vm14;
	v12 =	vadd.s32 v12, v14  }
0x133: {  	vm14 =	vmmov vm13;
	vm13 =	vmmov vm12;
	v12 =	vmul.u32 $0xC350, v12  }
0x134: {  	vm12 =	vmmov vm11;
	vm11 =	vmmov vm10;
	vm10 =	vmmov vm9  }
0x135: {  	vm9 =	vlt.s32 v8, $0xC350;
	v12 =	vsub.s32 v10, v12;
	v10 =	vshra.s32 v10, $0x1F  }
0x136: {  	v61 =	vsel vm9, $0x0, v3;
	v60 =	vshra.s32 v12, $0x1F;
	v10 =	vand.u32 $0x4390, v10  }
0x137: {  	vm9 =	vlt.s32 v9, $0xC350;
	v11 =	vand.u32 $0xC350, v60;
	v10 =	vadd.s32 v12, v10  }
0x138: {  	s31 =	rddreg [dreg:$0x11];
	v8 =	vadd.s32 v8, v61;
	v62 =	vsel vm9, $0x0, v3;
	v10 =	vadd.s32 v11, v10  }
0x139: {  	s29 =	rddreg [dreg:$0x10];
	[tilespmem:v5+s31+$0x0 ss:$0x1] =	vst.idx.msk $0xffff, v8;
	v8 =	vadd.s32 v9, v62;
	vm9 =	vlt.s32 v10, $0xC350  }
0x13a: {  	p1 =	sne.s32 s29, $0x1C0;
	v63 =	vsel vm9, $0x0, v3;
	vm9 =	vmmov vm10;
	vm10 =	vmmov vm11  }
.Ltmp9:
0x13b: {  	vm11 =	vmmov vm12;
	vm12 =	vmmov vm13;
	vm13 =	vmmov vm14;
	(pc) =	sbr.rel @p1 .LBB2_10-.Ltmp9, $4  }
0x13c: {  	vm14 =	vmmov vm15;
	vm15 =	vmmov vm3;
	vm3 =	vmmov vm4  }
0x13d: {  	vm4 =	vmmov vm5;
	vm5 =	vmmov vm6;
	vm6 =	vmmov vm7  }
0x13e: {  	[tilespmem:v6+s31+$0x0 ss:$0x1] =	vst.idx.msk $0xffff, v8;
	vm7 =	vmmov vm8;
	vm8 =	vmmov vm0;
	v8 =	vadd.s32 v10, v63  }
0x13f: {  	s3 =	sadd.s32 $0x40, s29;
	vm0 =	vmmov vm1;
	vm1 =	vmmov vm2;
	vm2 =	vcmask $0x1B18;
	[tilespmem:v7+s31+$0x0 ss:$0x1] =	vst.idx.msk $0xffff, v8  }
0x140: {  	s0 =	rddreg [dreg:$0xf]  }
0x141: {  	s5 =	rddreg [dreg:$0xe]  }
0x142: {  	s2 =	rddreg [dreg:$0xd]  }
0x143: {  	s3 =	rddreg [dreg:$0x1]  }
0x144: {  	s6 =	simm.s32 $0x80;
	s4 =	rddreg [dreg:$0x2]  }
0x145: {  	s0 =	sor.u32 $0xF00, s0;
	s1 =	sadd.s32 $0x480, s5;
	s2 =	sadd.s32 $0x1, s2  }
0x146: {  	[tilespmem:s0], [sflag:s2] =	stream.indirect.gather.add.f32 [hbm:s3], $0x80, s1, s6, $0xb8;
	[tilespmem:$0x1E200] =	vst v63  }
0x147: {  	s7 =	rddreg [dreg:$0xc];
	s29 =	sadd.s32 $0x800, s5  }
0x148: {  	[tilespmem:s0], [sflag:s2] =	stream.indirect.gather.add.f32 [hbm:s4], $0x80, s29, s6, $0xb8;
	[tilespmem:$0x1E200] =	vst v63  }
0x149: {  	s31 =	rddreg [dreg:$0x3];
	s30 =	sadd.s32 $0xB80, s5;
	p1 =	sne.s32 s7, $0x0  }
0x14a: {  	[tilespmem:s0], [sflag:s2] =	stream.indirect.gather.add.f32 [hbm:s31], $0x80, s30, s6, $0xb8;
	[tilespmem:$0x1E200] =	vst v63  }
0x14b: {  	v4 =	vld @!p1 [tilespmem:$0x480]  }
0x14c: {  	v5 =	vld @!p1 [tilespmem:$0x800];
	_ =	sdelay $0x3  }
.Ltmp10:
0x14d: {  	[tilespmem:$0x1CF00] =	vst @!p1 v4;
	(pc) =	sbr.rel .LBB2_12-.Ltmp10, $4  }
0x14e: {  	s1 =	simm.s32 @!p1 $0x1CF00;
	s0 =	simm.s32 @!p1 $0x10;
	s2 =	simm.s32 @!p1 $0x1D000;
	[tilespmem:$0x1CF80] =	vst @!p1 v5  }
0x14f: {  	[tilespmem:s2], [sflag:$0xF] =	stream.indirect.gather @!p1 [hbm4b:s3+s0], $0x80, s1, s0, $0xb8;
	[tilespmem:$0x1E200] =	vst v63  }
0x150: {  	s6 =	rddreg [dreg:$0xb];
	s1 =	simm.s32 @!p1 $0x1CF80;
	s2 =	simm.s32 @!p1 $0x1D800  }
0x151: {  	[tilespmem:s2], [sflag:$0xF] =	stream.indirect.gather @!p1 [hbm4b:s4+s0], $0x80, s1, s0, $0xb8;
	[tilespmem:$0x1E200] =	vst v63  }
.LBB2_13:
0x152: {  	s0 =	simm.s32 $0x9  }
0x153: {  	_ =	swait.ge [sflag:s0], $0x4000  }
0x154: {  	[sflag:s0] =	ssyncset.done $0x0  }
0x155: {  	s24 =	simm.s32 $0xA;
	[sflag:s0] =	ssyncadd.s32 $0xFFFFC000  }
0x156: {  	_ =	swait.ge [sflag:s24], $0x4000  }
0x157: {  	[sflag:s24] =	ssyncset.done $0x0  }
0x158: {  	s25 =	simm.s32 $0xB;
	[sflag:s24] =	ssyncadd.s32 $0xFFFFC000  }
0x159: {  	_ =	swait.ge [sflag:s25], $0x4000  }
0x15a: {  	[sflag:s25] =	ssyncset.done $0x0  }
0x15b: {  	s26 =	simm.s32 $0xC;
	[sflag:s25] =	ssyncadd.s32 $0xFFFFC000  }
0x15c: {  	_ =	swait.ge [sflag:s26], $0x4000  }
0x15d: {  	[sflag:s26] =	ssyncset.done $0x0  }
0x15e: {  	s28 =	simm.s32 $0xD;
	[sflag:s26] =	ssyncadd.s32 $0xFFFFC000  }
0x15f: {  	_ =	swait.ge [sflag:s28], $0x4000  }
0x160: {  	[sflag:s28] =	ssyncset.done $0x0  }
0x161: {  	s29 =	simm.s32 $0xE;
	[sflag:s28] =	ssyncadd.s32 $0xFFFFC000  }
0x162: {  	_ =	swait.ge [sflag:s29], $0x4000  }
0x163: {  	[sflag:s29] =	ssyncset.done $0x0  }
0x164: {  	s30 =	simm.s32 $0x8;
	[sflag:s29] =	ssyncadd.s32 $0xFFFFC000  }
0x165: {  	_ =	swait.ge [sflag:s30], $0x4000  }
0x166: {  	[sflag:s30] =	ssyncset.done $0x0  }
0x167: {  	s31 =	simm.s32 $0xF;
	[sflag:s30] =	ssyncadd.s32 $0xFFFFC000  }
0x168: {  	_ =	swait.ge [sflag:s31], $0x800  }
.Ltmp11:
0x169: {  	[sflag:s31] =	ssyncset.done $0x0;
	(pc) =	sbr.rel @p0 .LBB2_15-.Ltmp11, $4  }
0x16a: {  	[sflag:s31] =	ssyncadd.s32 $0xFFFFF800  }
0x16b: {  	_ =	swait.ge [sflag:s31], $0x800  }
0x16c: {  	[sflag:s31] =	ssyncset.done $0x0  }
0x16d: {  	s3 =	rddreg [dreg:$0xa];
	[sflag:s31] =	ssyncadd.s32 $0xFFFFF800  }
0x16e: {  	v4 =	vld [tilespmem:$0x1D100]  }
0x16f: {  	v5 =	vld [tilespmem:$0x1D180]  }
0x170: {  	v6 =	vld [tilespmem:$0x1D980]  }
0x171: {  	v7 =	vld [tilespmem:$0x1D110]  }
0x172: {  	v8 =	vld [tilespmem:$0x1D190]  }
0x173: {  	v9 =	vld [tilespmem:$0x1D990]  }
0x174: {  	v10 =	vld [tilespmem:$0x1D1A0]  }
0x175: {  	v53 =	vld [tilespmem:$0x1D9A0];
	v5 =	vadd.f32 v6, v5  }
0x176: {  	v11 =	vld [tilespmem:$0x1D120];
	v4 =	vmul.f32 $3.333333430e-01, v4  }
0x177: {  	v5 =	vmul.f32 $3.333333430e-01, v5  }
0x178: {  	[tilespmem:$0x1E100] =	vst v4;
	v4 =	vadd.f32 v9, v8  }
0x179: {  	[tilespmem:$0x1E180] =	vst v5;
	v5 =	vmul.f32 $3.333333430e-01, v7  }
0x17a: {  	[tilespmem:$0x1E000] =	vst v0;
	v6 =	vadd.f32 v53, v10;
	v4 =	vmul.f32 $3.333333430e-01, v4  }
0x17b: {  	[tilespmem:$0x1E110] =	vst v5;
	v5 =	vmul.f32 $3.333333430e-01, v11  }
0x17c: {  	v57 =	vld [tilespmem:$0x1D1C0];
	[tilespmem:$0x1E190] =	vst v4;
	v4 =	vmul.f32 $3.333333430e-01, v6  }
0x17d: {  	[tilespmem:$0x1E120] =	vst v5;
	v5 =	vld [tilespmem:$0x1D9C0]  }
0x17e: {  	[tilespmem:$0x1E1A0] =	vst v4;
	v4 =	vld [tilespmem:$0x1D140]  }
0x17f: {  	[tilespmem:$0x1E080] =	vst v0  }
0x180: {  	[tilespmem:$0x1E010] =	vst v0;
	v58 =	vld [tilespmem:$0x1D150]  }
0x181: {  	[tilespmem:$0x1E090] =	vst v0  }
0x182: {  	[tilespmem:$0x1E020] =	vst v0;
	v5 =	vadd.f32 v5, v57  }
0x183: {  	[tilespmem:$0x1E0A0] =	vst v0;
	v4 =	vmul.f32 $3.333333430e-01, v4  }
0x184: {  	[tilespmem:$0x1E030] =	vst v0;
	v5 =	vmul.f32 $3.333333430e-01, v5  }
0x185: {  	v62 =	vld [tilespmem:$0x1D1E0];
	[tilespmem:$0x1E140] =	vst v4;
	v4 =	vmul.f32 $3.333333430e-01, v58  }
0x186: {  	[tilespmem:$0x1E1C0] =	vst v5;
	v5 =	vld [tilespmem:$0x1D9E0]  }
0x187: {  	[tilespmem:$0x1E150] =	vst v4;
	v4 =	vld [tilespmem:$0x1D160]  }
0x188: {  	v54 =	vld [tilespmem:$0x1D130];
	[tilespmem:$0x1E0B0] =	vst v0  }
0x189: {  	v55 =	vld [tilespmem:$0x1D1B0];
	[tilespmem:$0x1E040] =	vst v0  }
0x18a: {  	v56 =	vld [tilespmem:$0x1D9B0];
	[tilespmem:$0x1E0C0] =	vst v0  }
0x18b: {  	v60 =	vld [tilespmem:$0x1D1D0];
	[tilespmem:$0x1E050] =	vst v0;
	v5 =	vadd.f32 v5, v62  }
0x18c: {  	v61 =	vld [tilespmem:$0x1D9D0];
	[tilespmem:$0x1E0D0] =	vst v0;
	v4 =	vmul.f32 $3.333333430e-01, v4  }
0x18d: {  	v63 =	vld [tilespmem:$0x1D1F0];
	[tilespmem:$0x1E060] =	vst v0;
	v5 =	vmul.f32 $3.333333430e-01, v5  }
0x18e: {  	[tilespmem:$0x1E160] =	vst v4;
	v4 =	vld [tilespmem:$0x1D9F0]  }
0x18f: {  	[tilespmem:$0x1E1E0] =	vst v5;
	v5 =	vld [tilespmem:$0x1D170]  }
0x190: {  	[tilespmem:$0x1E0E0] =	vst v0;
	v8 =	vadd.f32 v56, v55  }
0x191: {  	[tilespmem:$0x1E070] =	vst v0;
	v7 =	vmul.f32 $3.333333430e-01, v54;
	v6 =	vadd.f32 v61, v60  }
0x192: {  	[tilespmem:$0x1E0F0] =	vst v0;
	v59 =	vmul.f32 $3.333333430e-01, v8  }
0x193: {  	[tilespmem:$0x1E130] =	vst v7;
	v6 =	vmul.f32 $3.333333430e-01, v6;
	v4 =	vadd.f32 v4, v63  }
0x194: {  	[tilespmem:$0x1E1B0] =	vst v59;
	v5 =	vmul.f32 $3.333333430e-01, v5  }
0x195: {  	[tilespmem:$0x1E1D0] =	vst v6;
	v4 =	vmul.f32 $3.333333430e-01, v4  }
0x196: {  	s0 =	simm.s32 $0x0;
	s1 =	rddreg [dreg:$0x8];
	[tilespmem:$0x1E170] =	vst v5  }
.Ltmp12:
0x197: {  	s2 =	simm.s32 $0x1E000;
	s31 =	simm.s32 $0x10;
	[tilespmem:$0x1E1F0] =	vst v4;
	(pc) =	sbr.rel .LBB2_15-.Ltmp12, $4  }
0x198: {  	[hbm4b:s1+s0] =	stream.linear.scatter [tilespmem:s2], [sflag:$0x10], $0x200, $0x38;
	[tilespmem:$0x1E200] =	vst v63  }
0x199: {  	_ =	swait.ge [sflag:s31], $0x200  }
0x19a: {  	[sflag:s31] =	ssyncset.done $0x0  }
0x19b: {  	[sflag:s31] =	ssyncadd.s32 $0xFFFFFE00  }
.LBB2_16:
0x19c: {  	_ =	sfence.sel $0x180000  }
0x19d: {  	[bflag:$0x0] =	sbarrier.arrive $0xFFFF  }
0x19e: {  	_ =	strace $0x90000047  }
0x19f: {  	s0 =	stileid.u32;
	[bflag:$0x2] =	sbarrier.arrive $0xFFFF  }
0x1a0: {  	p0 =	sne.s32 s0, $0x0;
	s0 =	rddreg [dreg:$0x5]  }
0x1a1: {  	s0 =	sadd.s32 @!p0 $0x100000, s0  }
0x1a2: {  	[sflag:s0] =	ssyncadd.tile.s32 @!p0 $0x1;
	_ =	shalt  }
.Lfunc_end2:
_tile_overlayer_lowered:
.L_overlay_start_2:
0x1a3: {  	(tag) =	ssettag $0x2  }
0x1a4: {  	s0 =	rddreg [dreg:$0x0];
	s2 =	stileid.u32  }
0x1a5: {  	s1 =	rddreg [dreg:$0x1];
	p0 =	sne.s32 s2, $0x0  }
0x1a6: {  	s3 =	rddreg [dreg:$0x2];
	[bflag:$0x3] =	sbarrier.arrive $0xFFFF;
	s2 =	simm.s32 @!p0 $0x1C10  }
0x1a7: {  	[timem:s3], [sflag:s2] =	dma.local @!p0 [hbm:s0], s1  }
0x1a8: {  	s0 =	simm.s32 @!p0 $0x10  }
0x1a9: {  	_ =	swait.ge @!p0 [sflag:s0], s1  }
0x1aa: {  	s1 =	ssub.s32 @!p0 $0x0, s1;
	[sflag:s0] =	ssyncset.done @!p0 $0x0  }
0x1ab: {  	[sflag:s0] =	ssyncadd.s32 @!p0 s1  }
0x1ac: {  	[bflag:$0x3] =	sbarrier.arrive $0xFFFF  }
0x1ad: {  	_ =	shalt  }

</sc_bundles>
